<compile_context>
chip_gen: v7x
topology: tpu7x:2x2x1
jax: 0.10.2.dev20260603
libtpu: 0.0.44.dev20260713+nightly
codegen_flags: <defaults>
</compile_context>

<pallas_src>
import functools

import jax
import jax.numpy as jnp
from jax import lax
from jax.experimental import pallas as pl
from jax.experimental.pallas import tpu as pltpu
from jax.experimental.pallas import tpu_sc as plsc

B = 100000
D = 128
NW = 32
CHUNK = 128
PW = 3128
N_FULL = PW // CHUNK
CHUNKS = tuple((j * CHUNK, CHUNK) for j in range(N_FULL)) + (
    (N_FULL * CHUNK, PW - N_FULL * CHUNK),)
LAST_BASE = B - PW
NBUF = 6
GDEPTH = 5


def _sc_gather(ids, table):
    mesh = plsc.VectorSubcoreMesh(core_axis_name="c", subcore_axis_name="s")

    @functools.partial(
        pl.kernel,
        mesh=mesh,
        out_type=jax.ShapeDtypeStruct((B, D), jnp.float32),
        scratch_types=(
            [pltpu.VMEM((PW,), jnp.int32),
             pltpu.VMEM((NBUF, CHUNK, D), jnp.float32)]
            + [pltpu.SemaphoreType.DMA] * (1 + 2 * NBUF)
        ),
    )
    def k(ids_hbm, table_hbm, out_hbm, idx_v, rows_v, isem, *sems):
        gsems = sems[:NBUF]
        ssems = sems[NBUF:]
        wid = lax.axis_index("s") * 2 + lax.axis_index("c")
        base = jnp.where(wid == NW - 1, LAST_BASE, wid * PW)
        pltpu.async_copy(ids_hbm.at[pl.ds(base, PW)], idx_v, isem).wait()
        n = len(CHUNKS)
        gath = [None] * n
        scat = [None] * n

        def fire_gather(j):
            b = j % NBUF
            off, sz = CHUNKS[j]
            if j >= NBUF:
                scat[j - NBUF].wait()
            gath[j] = pltpu.async_copy(
                table_hbm.at[idx_v.at[pl.ds(off, sz)]],
                rows_v.at[b, pl.ds(0, sz)], gsems[b])

        def fire_scatter(j):
            b = j % NBUF
            off, sz = CHUNKS[j]
            gath[j].wait()
            scat[j] = pltpu.async_copy(
                rows_v.at[b, pl.ds(0, sz)],
                out_hbm.at[pl.ds(base + off, sz)], ssems[b])

        for j in range(GDEPTH):
            fire_gather(j)
        for j in range(n):
            if j + GDEPTH < n:
                fire_gather(j + GDEPTH)
            fire_scatter(j)
        for j in range(n - NBUF, n):
            scat[j].wait()

    return k(ids, table)


def kernel(entity_ids, table):
    ids = jnp.squeeze(entity_ids).astype(jnp.int32)
    return _sc_gather(ids, table)

# --- scband reference (transcript-rebuilt; emitter-appended) ---
"""Pipeline reference for scband-entity-embedding-30313879175774 (READ-ONLY COPY).

The authoritative reference and input builder live on the scoring server;
editing this copy changes nothing except your own understanding.
"""

import jax, jax.numpy as jnp
import numpy as np

NUM_ENTITIES = 100000
HIDDEN_DIM = 128
N_NODES = 100000

def setup_inputs(seed: int = 0) -> dict:
    key = jax.random.key(seed)
    k1, k2 = jax.random.split(key)
    entity_ids = jax.random.randint(k1, (N_NODES,), 0, NUM_ENTITIES, dtype=jnp.int64 if jax.config.jax_enable_x64 else jnp.int32)
    # nn.Embedding default init: N(0, 1)
    table = jax.random.normal(k2, (NUM_ENTITIES, HIDDEN_DIM), dtype=jnp.float32)
    return {"entity_ids": entity_ids, "table": table}

def reference(entity_ids, table):
    # EntityEmbedding.forward: node_embeddings = self.embedding(entity_ids)
    # squeeze is a no-op for 1-D ids; graph.ndata['h'] assignment returns the embeddings
    entity_ids = jnp.squeeze(entity_ids)
    node_embeddings = jnp.take(table, entity_ids, axis=0)
    return node_embeddings

if __name__ == "__main__":
    import jax
    _d = setup_inputs()
    print(jax.jit(kernel)(*tuple(_d.values())))

</pallas_src>

<mosaic_0001>
#map = affine_map<(d0, d1) -> (0)>
#map1 = affine_map<(d0, d1) -> (0, 0)>
module attributes {stable_mosaic.version = 14 : i64} {
  func.func @k(%arg0: i32, %arg1: i32, %arg2: memref<100000xi32, #tpu.memory_space<hbm>>, %arg3: memref<100000x128xf32, #tpu.memory_space<hbm>>, %arg4: memref<100000x128xf32, #tpu.memory_space<hbm>>, %arg5: memref<3128xi32, #tpu.memory_space<vmem>>, %arg6: memref<6x128x128xf32, #tpu.memory_space<vmem>>, %arg7: memref<!tpu.dma_semaphore, #tpu.memory_space<semaphore_mem>>, %arg8: memref<!tpu.dma_semaphore, #tpu.memory_space<semaphore_mem>>, %arg9: memref<!tpu.dma_semaphore, #tpu.memory_space<semaphore_mem>>, %arg10: memref<!tpu.dma_semaphore, #tpu.memory_space<semaphore_mem>>, %arg11: memref<!tpu.dma_semaphore, #tpu.memory_space<semaphore_mem>>, %arg12: memref<!tpu.dma_semaphore, #tpu.memory_space<semaphore_mem>>, %arg13: memref<!tpu.dma_semaphore, #tpu.memory_space<semaphore_mem>>, %arg14: memref<!tpu.dma_semaphore, #tpu.memory_space<semaphore_mem>>, %arg15: memref<!tpu.dma_semaphore, #tpu.memory_space<semaphore_mem>>, %arg16: memref<!tpu.dma_semaphore, #tpu.memory_space<semaphore_mem>>, %arg17: memref<!tpu.dma_semaphore, #tpu.memory_space<semaphore_mem>>, %arg18: memref<!tpu.dma_semaphore, #tpu.memory_space<semaphore_mem>>, %arg19: memref<!tpu.dma_semaphore, #tpu.memory_space<semaphore_mem>>) attributes {dimension_semantics = [#tpu.dimension_semantics<core_parallel>, #tpu.dimension_semantics<subcore_parallel>], iteration_bounds = array<i64: 2, 16>, scalar_prefetch = 0 : i64, scratch_operands = 15 : i64, tpu.core_type = #tpu.core_type<sc_vector_subcore>, window_params = [{transform_indices = #map}, {transform_indices = #map1}, {transform_indices = #map1}]} {
    %mul3A = arith.constant 2 : i32
    %mul3A_0 = arith.muli %arg1, %mul3A : i32
    %add3A = arith.addi %mul3A_0, %arg0 : i32
    %eq3A = arith.constant 31 : i32
    %eq3A_1 = arith.cmpi eq, %add3A, %eq3A : i32
    %mul3A_2 = arith.constant 3128 : i32
    %mul3A_3 = arith.muli %add3A, %mul3A_2 : i32
    %jit3A = arith.constant 96872 : i32
    %select_n3A = arith.select %eq3A_1, %jit3A, %mul3A_3 : i32
    %dma_start3A = tpu.memref_slice %arg2[%select_n3A] : memref<100000xi32, #tpu.memory_space<hbm>> -> memref<3128xi32, #tpu.memory_space<hbm>>
    %dma_start3A_4 = tpu.memref_slice %arg2[%select_n3A] : memref<100000xi32, #tpu.memory_space<hbm>> -> memref<3128xi32, #tpu.memory_space<hbm>>
    tpu.enqueue_dma source(%dma_start3A_4 : memref<3128xi32, #tpu.memory_space<hbm>>) target(%arg5 : memref<3128xi32, #tpu.memory_space<vmem>>) target_semaphore(%arg7 : memref<!tpu.dma_semaphore, #tpu.memory_space<semaphore_mem>>)
    %dma_wait3A = tpu.memref_slice %arg2[%select_n3A] : memref<100000xi32, #tpu.memory_space<hbm>> -> memref<3128xi32, #tpu.memory_space<hbm>>
    %dma_wait3A_5 = tpu.memref_slice %arg2[%select_n3A] : memref<100000xi32, #tpu.memory_space<hbm>> -> memref<3128xi32, #tpu.memory_space<hbm>>
    tpu.wait_dma2 semaphore(%arg7 : memref<!tpu.dma_semaphore, #tpu.memory_space<semaphore_mem>>) src(%dma_wait3A_5 : memref<3128xi32, #tpu.memory_space<hbm>>) dst(%arg5 : memref<3128xi32, #tpu.memory_space<vmem>>)
    %dma_start3A_6 = arith.constant 0 : i32
    %dma_start3A_7 = arith.constant 0 : i32
    %dma_start3A_8 = arith.constant 0 : i32
    %dma_start3A_9 = tpu.memref_slice %arg6[%dma_start3A_6, %dma_start3A_7, %dma_start3A_8] : memref<6x128x128xf32, #tpu.memory_space<vmem>> -> memref<1x128x128xf32, #tpu.memory_space<vmem>>
    %dma_start3A_10 = tpu.memref_squeeze %dma_start3A_9 : memref<1x128x128xf32, #tpu.memory_space<vmem>> -> memref<128x128xf32, #tpu.memory_space<vmem>>
    %dma_start3A_11 = arith.constant 0 : i32
    %dma_start3A_12 = tpu.memref_slice %arg5[%dma_start3A_11] : memref<3128xi32, #tpu.memory_space<vmem>> -> memref<128xi32, #tpu.memory_space<vmem>>
    %dma_start3A_13 = arith.constant 0 : i32
    %dma_start3A_14 = arith.constant 0 : i32
    %dma_start3A_15 = tpu.memref_slice %arg3[%dma_start3A_13, %dma_start3A_14] : memref<100000x128xf32, #tpu.memory_space<hbm>> -> memref<100000x128xf32, #tpu.memory_space<hbm>>
    tpu.enqueue_indirect_dma source(%dma_start3A_15 : memref<100000x128xf32, #tpu.memory_space<hbm>>) target(%dma_start3A_10 : memref<128x128xf32, #tpu.memory_space<vmem>>) offsets(%dma_start3A_12 : memref<128xi32, #tpu.memory_space<vmem>>) semaphore(%arg8 : memref<!tpu.dma_semaphore, #tpu.memory_space<semaphore_mem>>)
    %dma_start3A_16 = arith.constant 1 : i32
    %dma_start3A_17 = arith.constant 0 : i32
    %dma_start3A_18 = arith.constant 0 : i32
    %dma_start3A_19 = tpu.memref_slice %arg6[%dma_start3A_16, %dma_start3A_17, %dma_start3A_18] : memref<6x128x128xf32, #tpu.memory_space<vmem>> -> memref<1x128x128xf32, #tpu.memory_space<vmem>>
    %dma_start3A_20 = tpu.memref_squeeze %dma_start3A_19 : memref<1x128x128xf32, #tpu.memory_space<vmem>> -> memref<128x128xf32, #tpu.memory_space<vmem>>
    %dma_start3A_21 = arith.constant 128 : i32
    %dma_start3A_22 = tpu.memref_slice %arg5[%dma_start3A_21] : memref<3128xi32, #tpu.memory_space<vmem>> -> memref<128xi32, #tpu.memory_space<vmem>>
    %dma_start3A_23 = arith.constant 0 : i32
    %dma_start3A_24 = arith.constant 0 : i32
    %dma_start3A_25 = tpu.memref_slice %arg3[%dma_start3A_23, %dma_start3A_24] : memref<100000x128xf32, #tpu.memory_space<hbm>> -> memref<100000x128xf32, #tpu.memory_space<hbm>>
    tpu.enqueue_indirect_dma source(%dma_start3A_25 : memref<100000x128xf32, #tpu.memory_space<hbm>>) target(%dma_start3A_20 : memref<128x128xf32, #tpu.memory_space<vmem>>) offsets(%dma_start3A_22 : memref<128xi32, #tpu.memory_space<vmem>>) semaphore(%arg9 : memref<!tpu.dma_semaphore, #tpu.memory_space<semaphore_mem>>)
    %dma_start3A_26 = arith.constant 2 : i32
    %dma_start3A_27 = arith.constant 0 : i32
    %dma_start3A_28 = arith.constant 0 : i32
    %dma_start3A_29 = tpu.memref_slice %arg6[%dma_start3A_26, %dma_start3A_27, %dma_start3A_28] : memref<6x128x128xf32, #tpu.memory_space<vmem>> -> memref<1x128x128xf32, #tpu.memory_space<vmem>>
    %dma_start3A_30 = tpu.memref_squeeze %dma_start3A_29 : memref<1x128x128xf32, #tpu.memory_space<vmem>> -> memref<128x128xf32, #tpu.memory_space<vmem>>
    %dma_start3A_31 = arith.constant 256 : i32
    %dma_start3A_32 = tpu.memref_slice %arg5[%dma_start3A_31] : memref<3128xi32, #tpu.memory_space<vmem>> -> memref<128xi32, #tpu.memory_space<vmem>>
    %dma_start3A_33 = arith.constant 0 : i32
    %dma_start3A_34 = arith.constant 0 : i32
    %dma_start3A_35 = tpu.memref_slice %arg3[%dma_start3A_33, %dma_start3A_34] : memref<100000x128xf32, #tpu.memory_space<hbm>> -> memref<100000x128xf32, #tpu.memory_space<hbm>>
    tpu.enqueue_indirect_dma source(%dma_start3A_35 : memref<100000x128xf32, #tpu.memory_space<hbm>>) target(%dma_start3A_30 : memref<128x128xf32, #tpu.memory_space<vmem>>) offsets(%dma_start3A_32 : memref<128xi32, #tpu.memory_space<vmem>>) semaphore(%arg10 : memref<!tpu.dma_semaphore, #tpu.memory_space<semaphore_mem>>)
    %dma_start3A_36 = arith.constant 3 : i32
    %dma_start3A_37 = arith.constant 0 : i32
    %dma_start3A_38 = arith.constant 0 : i32
    %dma_start3A_39 = tpu.memref_slice %arg6[%dma_start3A_36, %dma_start3A_37, %dma_start3A_38] : memref<6x128x128xf32, #tpu.memory_space<vmem>> -> memref<1x128x128xf32, #tpu.memory_space<vmem>>
    %dma_start3A_40 = tpu.memref_squeeze %dma_start3A_39 : memref<1x128x128xf32, #tpu.memory_space<vmem>> -> memref<128x128xf32, #tpu.memory_space<vmem>>
    %dma_start3A_41 = arith.constant 384 : i32
    %dma_start3A_42 = tpu.memref_slice %arg5[%dma_start3A_41] : memref<3128xi32, #tpu.memory_space<vmem>> -> memref<128xi32, #tpu.memory_space<vmem>>
    %dma_start3A_43 = arith.constant 0 : i32
    %dma_start3A_44 = arith.constant 0 : i32
    %dma_start3A_45 = tpu.memref_slice %arg3[%dma_start3A_43, %dma_start3A_44] : memref<100000x128xf32, #tpu.memory_space<hbm>> -> memref<100000x128xf32, #tpu.memory_space<hbm>>
    tpu.enqueue_indirect_dma source(%dma_start3A_45 : memref<100000x128xf32, #tpu.memory_space<hbm>>) target(%dma_start3A_40 : memref<128x128xf32, #tpu.memory_space<vmem>>) offsets(%dma_start3A_42 : memref<128xi32, #tpu.memory_space<vmem>>) semaphore(%arg11 : memref<!tpu.dma_semaphore, #tpu.memory_space<semaphore_mem>>)
    %dma_start3A_46 = arith.constant 4 : i32
    %dma_start3A_47 = arith.constant 0 : i32
    %dma_start3A_48 = arith.constant 0 : i32
    %dma_start3A_49 = tpu.memref_slice %arg6[%dma_start3A_46, %dma_start3A_47, %dma_start3A_48] : memref<6x128x128xf32, #tpu.memory_space<vmem>> -> memref<1x128x128xf32, #tpu.memory_space<vmem>>
    %dma_start3A_50 = tpu.memref_squeeze %dma_start3A_49 : memref<1x128x128xf32, #tpu.memory_space<vmem>> -> memref<128x128xf32, #tpu.memory_space<vmem>>
    %dma_start3A_51 = arith.constant 512 : i32
    %dma_start3A_52 = tpu.memref_slice %arg5[%dma_start3A_51] : memref<3128xi32, #tpu.memory_space<vmem>> -> memref<128xi32, #tpu.memory_space<vmem>>
    %dma_start3A_53 = arith.constant 0 : i32
    %dma_start3A_54 = arith.constant 0 : i32
    %dma_start3A_55 = tpu.memref_slice %arg3[%dma_start3A_53, %dma_start3A_54] : memref<100000x128xf32, #tpu.memory_space<hbm>> -> memref<100000x128xf32, #tpu.memory_space<hbm>>
    tpu.enqueue_indirect_dma source(%dma_start3A_55 : memref<100000x128xf32, #tpu.memory_space<hbm>>) target(%dma_start3A_50 : memref<128x128xf32, #tpu.memory_space<vmem>>) offsets(%dma_start3A_52 : memref<128xi32, #tpu.memory_space<vmem>>) semaphore(%arg12 : memref<!tpu.dma_semaphore, #tpu.memory_space<semaphore_mem>>)
    %dma_start3A_56 = arith.constant 5 : i32
    %dma_start3A_57 = arith.constant 0 : i32
    %dma_start3A_58 = arith.constant 0 : i32
    %dma_start3A_59 = tpu.memref_slice %arg6[%dma_start3A_56, %dma_start3A_57, %dma_start3A_58] : memref<6x128x128xf32, #tpu.memory_space<vmem>> -> memref<1x128x128xf32, #tpu.memory_space<vmem>>
    %dma_start3A_60 = tpu.memref_squeeze %dma_start3A_59 : memref<1x128x128xf32, #tpu.memory_space<vmem>> -> memref<128x128xf32, #tpu.memory_space<vmem>>
    %dma_start3A_61 = arith.constant 640 : i32
    %dma_start3A_62 = tpu.memref_slice %arg5[%dma_start3A_61] : memref<3128xi32, #tpu.memory_space<vmem>> -> memref<128xi32, #tpu.memory_space<vmem>>
    %dma_start3A_63 = arith.constant 0 : i32
    %dma_start3A_64 = arith.constant 0 : i32
    %dma_start3A_65 = tpu.memref_slice %arg3[%dma_start3A_63, %dma_start3A_64] : memref<100000x128xf32, #tpu.memory_space<hbm>> -> memref<100000x128xf32, #tpu.memory_space<hbm>>
    tpu.enqueue_indirect_dma source(%dma_start3A_65 : memref<100000x128xf32, #tpu.memory_space<hbm>>) target(%dma_start3A_60 : memref<128x128xf32, #tpu.memory_space<vmem>>) offsets(%dma_start3A_62 : memref<128xi32, #tpu.memory_space<vmem>>) semaphore(%arg13 : memref<!tpu.dma_semaphore, #tpu.memory_space<semaphore_mem>>)
    %dma_wait3A_66 = arith.constant 0 : i32
    %dma_wait3A_67 = arith.constant 0 : i32
    %dma_wait3A_68 = arith.constant 0 : i32
    %dma_wait3A_69 = tpu.memref_slice %arg6[%dma_wait3A_66, %dma_wait3A_67, %dma_wait3A_68] : memref<6x128x128xf32, #tpu.memory_space<vmem>> -> memref<1x128x128xf32, #tpu.memory_space<vmem>>
    %dma_wait3A_70 = tpu.memref_squeeze %dma_wait3A_69 : memref<1x128x128xf32, #tpu.memory_space<vmem>> -> memref<128x128xf32, #tpu.memory_space<vmem>>
    %dma_wait3A_71 = arith.constant 0 : i32
    %dma_wait3A_72 = tpu.memref_slice %arg5[%dma_wait3A_71] : memref<3128xi32, #tpu.memory_space<vmem>> -> memref<128xi32, #tpu.memory_space<vmem>>
    %dma_wait3A_73 = arith.constant 0 : i32
    %dma_wait3A_74 = arith.constant 0 : i32
    %dma_wait3A_75 = tpu.memref_slice %arg3[%dma_wait3A_73, %dma_wait3A_74] : memref<100000x128xf32, #tpu.memory_space<hbm>> -> memref<100000x128xf32, #tpu.memory_space<hbm>>
    tpu.wait_indirect_dma semaphore(%arg8 : memref<!tpu.dma_semaphore, #tpu.memory_space<semaphore_mem>>) src(%dma_wait3A_75 : memref<100000x128xf32, #tpu.memory_space<hbm>>) dst(%dma_wait3A_70 : memref<128x128xf32, #tpu.memory_space<vmem>>)
    %add3A_76 = arith.constant 0 : i32
    %add3A_77 = arith.addi %select_n3A, %add3A_76 : i32
    %dma_start3A_78 = arith.constant 0 : i32
    %dma_start3A_79 = arith.constant 0 : i32
    %dma_start3A_80 = arith.constant 0 : i32
    %dma_start3A_81 = tpu.memref_slice %arg6[%dma_start3A_78, %dma_start3A_79, %dma_start3A_80] : memref<6x128x128xf32, #tpu.memory_space<vmem>> -> memref<1x128x128xf32, #tpu.memory_space<vmem>>
    %dma_start3A_82 = tpu.memref_squeeze %dma_start3A_81 : memref<1x128x128xf32, #tpu.memory_space<vmem>> -> memref<128x128xf32, #tpu.memory_space<vmem>>
    %dma_start3A_83 = arith.constant 0 : i32
    %dma_start3A_84 = tpu.memref_slice %arg4[%add3A_77, %dma_start3A_83] : memref<100000x128xf32, #tpu.memory_space<hbm>> -> memref<128x128xf32, #tpu.memory_space<hbm>>
    %dma_start3A_85 = arith.constant 0 : i32
    %dma_start3A_86 = tpu.memref_slice %arg4[%add3A_77, %dma_start3A_85] : memref<100000x128xf32, #tpu.memory_space<hbm>> -> memref<128x128xf32, #tpu.memory_space<hbm>>
    %dma_start3A_87 = arith.constant 0 : i32
    %dma_start3A_88 = arith.constant 0 : i32
    %dma_start3A_89 = tpu.memref_slice %arg6[%dma_start3A_78, %dma_start3A_87, %dma_start3A_88] : memref<6x128x128xf32, #tpu.memory_space<vmem>> -> memref<1x128x128xf32, #tpu.memory_space<vmem>>
    %dma_start3A_90 = tpu.memref_squeeze %dma_start3A_89 : memref<1x128x128xf32, #tpu.memory_space<vmem>> -> memref<128x128xf32, #tpu.memory_space<vmem>>
    tpu.enqueue_dma source(%dma_start3A_90 : memref<128x128xf32, #tpu.memory_space<vmem>>) target(%dma_start3A_86 : memref<128x128xf32, #tpu.memory_space<hbm>>) target_semaphore(%arg14 : memref<!tpu.dma_semaphore, #tpu.memory_space<semaphore_mem>>)
    %dma_wait3A_91 = arith.constant 0 : i32
    %dma_wait3A_92 = arith.constant 0 : i32
    %dma_wait3A_93 = arith.constant 0 : i32
    %dma_wait3A_94 = tpu.memref_slice %arg6[%dma_wait3A_91, %dma_wait3A_92, %dma_wait3A_93] : memref<6x128x128xf32, #tpu.memory_space<vmem>> -> memref<1x128x128xf32, #tpu.memory_space<vmem>>
    %dma_wait3A_95 = tpu.memref_squeeze %dma_wait3A_94 : memref<1x128x128xf32, #tpu.memory_space<vmem>> -> memref<128x128xf32, #tpu.memory_space<vmem>>
    %dma_wait3A_96 = arith.constant 0 : i32
    %dma_wait3A_97 = tpu.memref_slice %arg4[%add3A_77, %dma_wait3A_96] : memref<100000x128xf32, #tpu.memory_space<hbm>> -> memref<128x128xf32, #tpu.memory_space<hbm>>
    %dma_wait3A_98 = arith.constant 0 : i32
    %dma_wait3A_99 = tpu.memref_slice %arg4[%add3A_77, %dma_wait3A_98] : memref<100000x128xf32, #tpu.memory_space<hbm>> -> memref<128x128xf32, #tpu.memory_space<hbm>>
    %dma_wait3A_100 = arith.constant 0 : i32
    %dma_wait3A_101 = arith.constant 0 : i32
    %dma_wait3A_102 = tpu.memref_slice %arg6[%dma_wait3A_91, %dma_wait3A_100, %dma_wait3A_101] : memref<6x128x128xf32, #tpu.memory_space<vmem>> -> memref<1x128x128xf32, #tpu.memory_space<vmem>>
    %dma_wait3A_103 = tpu.memref_squeeze %dma_wait3A_102 : memref<1x128x128xf32, #tpu.memory_space<vmem>> -> memref<128x128xf32, #tpu.memory_space<vmem>>
    tpu.wait_dma2 semaphore(%arg14 : memref<!tpu.dma_semaphore, #tpu.memory_space<semaphore_mem>>) src(%dma_wait3A_103 : memref<128x128xf32, #tpu.memory_space<vmem>>) dst(%dma_wait3A_99 : memref<128x128xf32, #tpu.memory_space<hbm>>)
    %dma_start3A_104 = arith.constant 0 : i32
    %dma_start3A_105 = arith.constant 0 : i32
    %dma_start3A_106 = arith.constant 0 : i32
    %dma_start3A_107 = tpu.memref_slice %arg6[%dma_start3A_104, %dma_start3A_105, %dma_start3A_106] : memref<6x128x128xf32, #tpu.memory_space<vmem>> -> memref<1x128x128xf32, #tpu.memory_space<vmem>>
    %dma_start3A_108 = tpu.memref_squeeze %dma_start3A_107 : memref<1x128x128xf32, #tpu.memory_space<vmem>> -> memref<128x128xf32, #tpu.memory_space<vmem>>
    %dma_start3A_109 = arith.constant 768 : i32
    %dma_start3A_110 = tpu.memref_slice %arg5[%dma_start3A_109] : memref<3128xi32, #tpu.memory_space<vmem>> -> memref<128xi32, #tpu.memory_space<vmem>>
    %dma_start3A_111 = arith.constant 0 : i32
    %dma_start3A_112 = arith.constant 0 : i32
    %dma_start3A_113 = tpu.memref_slice %arg3[%dma_start3A_111, %dma_start3A_112] : memref<100000x128xf32, #tpu.memory_space<hbm>> -> memref<100000x128xf32, #tpu.memory_space<hbm>>
    tpu.enqueue_indirect_dma source(%dma_start3A_113 : memref<100000x128xf32, #tpu.memory_space<hbm>>) target(%dma_start3A_108 : memref<128x128xf32, #tpu.memory_space<vmem>>) offsets(%dma_start3A_110 : memref<128xi32, #tpu.memory_space<vmem>>) semaphore(%arg8 : memref<!tpu.dma_semaphore, #tpu.memory_space<semaphore_mem>>)
    %dma_wait3A_114 = arith.constant 1 : i32
    %dma_wait3A_115 = arith.constant 0 : i32
    %dma_wait3A_116 = arith.constant 0 : i32
    %dma_wait3A_117 = tpu.memref_slice %arg6[%dma_wait3A_114, %dma_wait3A_115, %dma_wait3A_116] : memref<6x128x128xf32, #tpu.memory_space<vmem>> -> memref<1x128x128xf32, #tpu.memory_space<vmem>>
    %dma_wait3A_118 = tpu.memref_squeeze %dma_wait3A_117 : memref<1x128x128xf32, #tpu.memory_space<vmem>> -> memref<128x128xf32, #tpu.memory_space<vmem>>
    %dma_wait3A_119 = arith.constant 128 : i32
    %dma_wait3A_120 = tpu.memref_slice %arg5[%dma_wait3A_119] : memref<3128xi32, #tpu.memory_space<vmem>> -> memref<128xi32, #tpu.memory_space<vmem>>
    %dma_wait3A_121 = arith.constant 0 : i32
    %dma_wait3A_122 = arith.constant 0 : i32
    %dma_wait3A_123 = tpu.memref_slice %arg3[%dma_wait3A_121, %dma_wait3A_122] : memref<100000x128xf32, #tpu.memory_space<hbm>> -> memref<100000x128xf32, #tpu.memory_space<hbm>>
    tpu.wait_indirect_dma semaphore(%arg9 : memref<!tpu.dma_semaphore, #tpu.memory_space<semaphore_mem>>) src(%dma_wait3A_123 : memref<100000x128xf32, #tpu.memory_space<hbm>>) dst(%dma_wait3A_118 : memref<128x128xf32, #tpu.memory_space<vmem>>)
    %add3A_124 = arith.constant 128 : i32
    %add3A_125 = arith.addi %select_n3A, %add3A_124 : i32
    %dma_start3A_126 = arith.constant 1 : i32
    %dma_start3A_127 = arith.constant 0 : i32
    %dma_start3A_128 = arith.constant 0 : i32
    %dma_start3A_129 = tpu.memref_slice %arg6[%dma_start3A_126, %dma_start3A_127, %dma_start3A_128] : memref<6x128x128xf32, #tpu.memory_space<vmem>> -> memref<1x128x128xf32, #tpu.memory_space<vmem>>
    %dma_start3A_130 = tpu.memref_squeeze %dma_start3A_129 : memref<1x128x128xf32, #tpu.memory_space<vmem>> -> memref<128x128xf32, #tpu.memory_space<vmem>>
    %dma_start3A_131 = arith.constant 0 : i32
    %dma_start3A_132 = tpu.memref_slice %arg4[%add3A_125, %dma_start3A_131] : memref<100000x128xf32, #tpu.memory_space<hbm>> -> memref<128x128xf32, #tpu.memory_space<hbm>>
    %dma_start3A_133 = arith.constant 0 : i32
    %dma_start3A_134 = tpu.memref_slice %arg4[%add3A_125, %dma_start3A_133] : memref<100000x128xf32, #tpu.memory_space<hbm>> -> memref<128x128xf32, #tpu.memory_space<hbm>>
    %dma_start3A_135 = arith.constant 0 : i32
    %dma_start3A_136 = arith.constant 0 : i32
    %dma_start3A_137 = tpu.memref_slice %arg6[%dma_start3A_126, %dma_start3A_135, %dma_start3A_136] : memref<6x128x128xf32, #tpu.memory_space<vmem>> -> memref<1x128x128xf32, #tpu.memory_space<vmem>>
    %dma_start3A_138 = tpu.memref_squeeze %dma_start3A_137 : memref<1x128x128xf32, #tpu.memory_space<vmem>> -> memref<128x128xf32, #tpu.memory_space<vmem>>
    tpu.enqueue_dma source(%dma_start3A_138 : memref<128x128xf32, #tpu.memory_space<vmem>>) target(%dma_start3A_134 : memref<128x128xf32, #tpu.memory_space<hbm>>) target_semaphore(%arg15 : memref<!tpu.dma_semaphore, #tpu.memory_space<semaphore_mem>>)
    %dma_wait3A_139 = arith.constant 1 : i32
    %dma_wait3A_140 = arith.constant 0 : i32
    %dma_wait3A_141 = arith.constant 0 : i32
    %dma_wait3A_142 = tpu.memref_slice %arg6[%dma_wait3A_139, %dma_wait3A_140, %dma_wait3A_141] : memref<6x128x128xf32, #tpu.memory_space<vmem>> -> memref<1x128x128xf32, #tpu.memory_space<vmem>>
    %dma_wait3A_143 = tpu.memref_squeeze %dma_wait3A_142 : memref<1x128x128xf32, #tpu.memory_space<vmem>> -> memref<128x128xf32, #tpu.memory_space<vmem>>
    %dma_wait3A_144 = arith.constant 0 : i32
    %dma_wait3A_145 = tpu.memref_slice %arg4[%add3A_125, %dma_wait3A_144] : memref<100000x128xf32, #tpu.memory_space<hbm>> -> memref<128x128xf32, #tpu.memory_space<hbm>>
    %dma_wait3A_146 = arith.constant 0 : i32
    %dma_wait3A_147 = tpu.memref_slice %arg4[%add3A_125, %dma_wait3A_146] : memref<100000x128xf32, #tpu.memory_space<hbm>> -> memref<128x128xf32, #tpu.memory_space<hbm>>
    %dma_wait3A_148 = arith.constant 0 : i32
    %dma_wait3A_149 = arith.constant 0 : i32
    %dma_wait3A_150 = tpu.memref_slice %arg6[%dma_wait3A_139, %dma_wait3A_148, %dma_wait3A_149] : memref<6x128x128xf32, #tpu.memory_space<vmem>> -> memref<1x128x128xf32, #tpu.memory_space<vmem>>
    %dma_wait3A_151 = tpu.memref_squeeze %dma_wait3A_150 : memref<1x128x128xf32, #tpu.memory_space<vmem>> -> memref<128x128xf32, #tpu.memory_space<vmem>>
    tpu.wait_dma2 semaphore(%arg15 : memref<!tpu.dma_semaphore, #tpu.memory_space<semaphore_mem>>) src(%dma_wait3A_151 : memref<128x128xf32, #tpu.memory_space<vmem>>) dst(%dma_wait3A_147 : memref<128x128xf32, #tpu.memory_space<hbm>>)
    %dma_start3A_152 = arith.constant 1 : i32
    %dma_start3A_153 = arith.constant 0 : i32
    %dma_start3A_154 = arith.constant 0 : i32
    %dma_start3A_155 = tpu.memref_slice %arg6[%dma_start3A_152, %dma_start3A_153, %dma_start3A_154] : memref<6x128x128xf32, #tpu.memory_space<vmem>> -> memref<1x128x128xf32, #tpu.memory_space<vmem>>
    %dma_start3A_156 = tpu.memref_squeeze %dma_start3A_155 : memref<1x128x128xf32, #tpu.memory_space<vmem>> -> memref<128x128xf32, #tpu.memory_space<vmem>>
    %dma_start3A_157 = arith.constant 896 : i32
    %dma_start3A_158 = tpu.memref_slice %arg5[%dma_start3A_157] : memref<3128xi32, #tpu.memory_space<vmem>> -> memref<128xi32, #tpu.memory_space<vmem>>
    %dma_start3A_159 = arith.constant 0 : i32
    %dma_start3A_160 = arith.constant 0 : i32
    %dma_start3A_161 = tpu.memref_slice %arg3[%dma_start3A_159, %dma_start3A_160] : memref<100000x128xf32, #tpu.memory_space<hbm>> -> memref<100000x128xf32, #tpu.memory_space<hbm>>
    tpu.enqueue_indirect_dma source(%dma_start3A_161 : memref<100000x128xf32, #tpu.memory_space<hbm>>) target(%dma_start3A_156 : memref<128x128xf32, #tpu.memory_space<vmem>>) offsets(%dma_start3A_158 : memref<128xi32, #tpu.memory_space<vmem>>) semaphore(%arg9 : memref<!tpu.dma_semaphore, #tpu.memory_space<semaphore_mem>>)
    %dma_wait3A_162 = arith.constant 2 : i32
    %dma_wait3A_163 = arith.constant 0 : i32
    %dma_wait3A_164 = arith.constant 0 : i32
    %dma_wait3A_165 = tpu.memref_slice %arg6[%dma_wait3A_162, %dma_wait3A_163, %dma_wait3A_164] : memref<6x128x128xf32, #tpu.memory_space<vmem>> -> memref<1x128x128xf32, #tpu.memory_space<vmem>>
    %dma_wait3A_166 = tpu.memref_squeeze %dma_wait3A_165 : memref<1x128x128xf32, #tpu.memory_space<vmem>> -> memref<128x128xf32, #tpu.memory_space<vmem>>
    %dma_wait3A_167 = arith.constant 256 : i32
    %dma_wait3A_168 = tpu.memref_slice %arg5[%dma_wait3A_167] : memref<3128xi32, #tpu.memory_space<vmem>> -> memref<128xi32, #tpu.memory_space<vmem>>
    %dma_wait3A_169 = arith.constant 0 : i32
    %dma_wait3A_170 = arith.constant 0 : i32
    %dma_wait3A_171 = tpu.memref_slice %arg3[%dma_wait3A_169, %dma_wait3A_170] : memref<100000x128xf32, #tpu.memory_space<hbm>> -> memref<100000x128xf32, #tpu.memory_space<hbm>>
    tpu.wait_indirect_dma semaphore(%arg10 : memref<!tpu.dma_semaphore, #tpu.memory_space<semaphore_mem>>) src(%dma_wait3A_171 : memref<100000x128xf32, #tpu.memory_space<hbm>>) dst(%dma_wait3A_166 : memref<128x128xf32, #tpu.memory_space<vmem>>)
    %add3A_172 = arith.constant 256 : i32
    %add3A_173 = arith.addi %select_n3A, %add3A_172 : i32
    %dma_start3A_174 = arith.constant 2 : i32
    %dma_start3A_175 = arith.constant 0 : i32
    %dma_start3A_176 = arith.constant 0 : i32
    %dma_start3A_177 = tpu.memref_slice %arg6[%dma_start3A_174, %dma_start3A_175, %dma_start3A_176] : memref<6x128x128xf32, #tpu.memory_space<vmem>> -> memref<1x128x128xf32, #tpu.memory_space<vmem>>
    %dma_start3A_178 = tpu.memref_squeeze %dma_start3A_177 : memref<1x128x128xf32, #tpu.memory_space<vmem>> -> memref<128x128xf32, #tpu.memory_space<vmem>>
    %dma_start3A_179 = arith.constant 0 : i32
    %dma_start3A_180 = tpu.memref_slice %arg4[%add3A_173, %dma_start3A_179] : memref<100000x128xf32, #tpu.memory_space<hbm>> -> memref<128x128xf32, #tpu.memory_space<hbm>>
    %dma_start3A_181 = arith.constant 0 : i32
    %dma_start3A_182 = tpu.memref_slice %arg4[%add3A_173, %dma_start3A_181] : memref<100000x128xf32, #tpu.memory_space<hbm>> -> memref<128x128xf32, #tpu.memory_space<hbm>>
    %dma_start3A_183 = arith.constant 0 : i32
    %dma_start3A_184 = arith.constant 0 : i32
    %dma_start3A_185 = tpu.memref_slice %arg6[%dma_start3A_174, %dma_start3A_183, %dma_start3A_184] : memref<6x128x128xf32, #tpu.memory_space<vmem>> -> memref<1x128x128xf32, #tpu.memory_space<vmem>>
    %dma_start3A_186 = tpu.memref_squeeze %dma_start3A_185 : memref<1x128x128xf32, #tpu.memory_space<vmem>> -> memref<128x128xf32, #tpu.memory_space<vmem>>
    tpu.enqueue_dma source(%dma_start3A_186 : memref<128x128xf32, #tpu.memory_space<vmem>>) target(%dma_start3A_182 : memref<128x128xf32, #tpu.memory_space<hbm>>) target_semaphore(%arg16 : memref<!tpu.dma_semaphore, #tpu.memory_space<semaphore_mem>>)
    %dma_wait3A_187 = arith.constant 2 : i32
    %dma_wait3A_188 = arith.constant 0 : i32
    %dma_wait3A_189 = arith.constant 0 : i32
    %dma_wait3A_190 = tpu.memref_slice %arg6[%dma_wait3A_187, %dma_wait3A_188, %dma_wait3A_189] : memref<6x128x128xf32, #tpu.memory_space<vmem>> -> memref<1x128x128xf32, #tpu.memory_space<vmem>>
    %dma_wait3A_191 = tpu.memref_squeeze %dma_wait3A_190 : memref<1x128x128xf32, #tpu.memory_space<vmem>> -> memref<128x128xf32, #tpu.memory_space<vmem>>
    %dma_wait3A_192 = arith.constant 0 : i32
    %dma_wait3A_193 = tpu.memref_slice %arg4[%add3A_173, %dma_wait3A_192] : memref<100000x128xf32, #tpu.memory_space<hbm>> -> memref<128x128xf32, #tpu.memory_space<hbm>>
    %dma_wait3A_194 = arith.constant 0 : i32
    %dma_wait3A_195 = tpu.memref_slice %arg4[%add3A_173, %dma_wait3A_194] : memref<100000x128xf32, #tpu.memory_space<hbm>> -> memref<128x128xf32, #tpu.memory_space<hbm>>
    %dma_wait3A_196 = arith.constant 0 : i32
    %dma_wait3A_197 = arith.constant 0 : i32
    %dma_wait3A_198 = tpu.memref_slice %arg6[%dma_wait3A_187, %dma_wait3A_196, %dma_wait3A_197] : memref<6x128x128xf32, #tpu.memory_space<vmem>> -> memref<1x128x128xf32, #tpu.memory_space<vmem>>
    %dma_wait3A_199 = tpu.memref_squeeze %dma_wait3A_198 : memref<1x128x128xf32, #tpu.memory_space<vmem>> -> memref<128x128xf32, #tpu.memory_space<vmem>>
    tpu.wait_dma2 semaphore(%arg16 : memref<!tpu.dma_semaphore, #tpu.memory_space<semaphore_mem>>) src(%dma_wait3A_199 : memref<128x128xf32, #tpu.memory_space<vmem>>) dst(%dma_wait3A_195 : memref<128x128xf32, #tpu.memory_space<hbm>>)
    %dma_start3A_200 = arith.constant 2 : i32
    %dma_start3A_201 = arith.constant 0 : i32
    %dma_start3A_202 = arith.constant 0 : i32
    %dma_start3A_203 = tpu.memref_slice %arg6[%dma_start3A_200, %dma_start3A_201, %dma_start3A_202] : memref<6x128x128xf32, #tpu.memory_space<vmem>> -> memref<1x128x128xf32, #tpu.memory_space<vmem>>
    %dma_start3A_204 = tpu.memref_squeeze %dma_start3A_203 : memref<1x128x128xf32, #tpu.memory_space<vmem>> -> memref<128x128xf32, #tpu.memory_space<vmem>>
    %dma_start3A_205 = arith.constant 1024 : i32
    %dma_start3A_206 = tpu.memref_slice %arg5[%dma_start3A_205] : memref<3128xi32, #tpu.memory_space<vmem>> -> memref<128xi32, #tpu.memory_space<vmem>>
    %dma_start3A_207 = arith.constant 0 : i32
    %dma_start3A_208 = arith.constant 0 : i32
    %dma_start3A_209 = tpu.memref_slice %arg3[%dma_start3A_207, %dma_start3A_208] : memref<100000x128xf32, #tpu.memory_space<hbm>> -> memref<100000x128xf32, #tpu.memory_space<hbm>>
    tpu.enqueue_indirect_dma source(%dma_start3A_209 : memref<100000x128xf32, #tpu.memory_space<hbm>>) target(%dma_start3A_204 : memref<128x128xf32, #tpu.memory_space<vmem>>) offsets(%dma_start3A_206 : memref<128xi32, #tpu.memory_space<vmem>>) semaphore(%arg10 : memref<!tpu.dma_semaphore, #tpu.memory_space<semaphore_mem>>)
    %dma_wait3A_210 = arith.constant 3 : i32
    %dma_wait3A_211 = arith.constant 0 : i32
    %dma_wait3A_212 = arith.constant 0 : i32
    %dma_wait3A_213 = tpu.memref_slice %arg6[%dma_wait3A_210, %dma_wait3A_211, %dma_wait3A_212] : memref<6x128x128xf32, #tpu.memory_space<vmem>> -> memref<1x128x128xf32, #tpu.memory_space<vmem>>
    %dma_wait3A_214 = tpu.memref_squeeze %dma_wait3A_213 : memref<1x128x128xf32, #tpu.memory_space<vmem>> -> memref<128x128xf32, #tpu.memory_space<vmem>>
    %dma_wait3A_215 = arith.constant 384 : i32
    %dma_wait3A_216 = tpu.memref_slice %arg5[%dma_wait3A_215] : memref<3128xi32, #tpu.memory_space<vmem>> -> memref<128xi32, #tpu.memory_space<vmem>>
    %dma_wait3A_217 = arith.constant 0 : i32
    %dma_wait3A_218 = arith.constant 0 : i32
    %dma_wait3A_219 = tpu.memref_slice %arg3[%dma_wait3A_217, %dma_wait3A_218] : memref<100000x128xf32, #tpu.memory_space<hbm>> -> memref<100000x128xf32, #tpu.memory_space<hbm>>
    tpu.wait_indirect_dma semaphore(%arg11 : memref<!tpu.dma_semaphore, #tpu.memory_space<semaphore_mem>>) src(%dma_wait3A_219 : memref<100000x128xf32, #tpu.memory_space<hbm>>) dst(%dma_wait3A_214 : memref<128x128xf32, #tpu.memory_space<vmem>>)
    %add3A_220 = arith.constant 384 : i32
    %add3A_221 = arith.addi %select_n3A, %add3A_220 : i32
    %dma_start3A_222 = arith.constant 3 : i32
    %dma_start3A_223 = arith.constant 0 : i32
    %dma_start3A_224 = arith.constant 0 : i32
    %dma_start3A_225 = tpu.memref_slice %arg6[%dma_start3A_222, %dma_start3A_223, %dma_start3A_224] : memref<6x128x128xf32, #tpu.memory_space<vmem>> -> memref<1x128x128xf32, #tpu.memory_space<vmem>>
    %dma_start3A_226 = tpu.memref_squeeze %dma_start3A_225 : memref<1x128x128xf32, #tpu.memory_space<vmem>> -> memref<128x128xf32, #tpu.memory_space<vmem>>
    %dma_start3A_227 = arith.constant 0 : i32
    %dma_start3A_228 = tpu.memref_slice %arg4[%add3A_221, %dma_start3A_227] : memref<100000x128xf32, #tpu.memory_space<hbm>> -> memref<128x128xf32, #tpu.memory_space<hbm>>
    %dma_start3A_229 = arith.constant 0 : i32
    %dma_start3A_230 = tpu.memref_slice %arg4[%add3A_221, %dma_start3A_229] : memref<100000x128xf32, #tpu.memory_space<hbm>> -> memref<128x128xf32, #tpu.memory_space<hbm>>
    %dma_start3A_231 = arith.constant 0 : i32
    %dma_start3A_232 = arith.constant 0 : i32
    %dma_start3A_233 = tpu.memref_slice %arg6[%dma_start3A_222, %dma_start3A_231, %dma_start3A_232] : memref<6x128x128xf32, #tpu.memory_space<vmem>> -> memref<1x128x128xf32, #tpu.memory_space<vmem>>
    %dma_start3A_234 = tpu.memref_squeeze %dma_start3A_233 : memref<1x128x128xf32, #tpu.memory_space<vmem>> -> memref<128x128xf32, #tpu.memory_space<vmem>>
    tpu.enqueue_dma source(%dma_start3A_234 : memref<128x128xf32, #tpu.memory_space<vmem>>) target(%dma_start3A_230 : memref<128x128xf32, #tpu.memory_space<hbm>>) target_semaphore(%arg17 : memref<!tpu.dma_semaphore, #tpu.memory_space<semaphore_mem>>)
    %dma_wait3A_235 = arith.constant 3 : i32
    %dma_wait3A_236 = arith.constant 0 : i32
    %dma_wait3A_237 = arith.constant 0 : i32
    %dma_wait3A_238 = tpu.memref_slice %arg6[%dma_wait3A_235, %dma_wait3A_236, %dma_wait3A_237] : memref<6x128x128xf32, #tpu.memory_space<vmem>> -> memref<1x128x128xf32, #tpu.memory_space<vmem>>
    %dma_wait3A_239 = tpu.memref_squeeze %dma_wait3A_238 : memref<1x128x128xf32, #tpu.memory_space<vmem>> -> memref<128x128xf32, #tpu.memory_space<vmem>>
    %dma_wait3A_240 = arith.constant 0 : i32
    %dma_wait3A_241 = tpu.memref_slice %arg4[%add3A_221, %dma_wait3A_240] : memref<100000x128xf32, #tpu.memory_space<hbm>> -> memref<128x128xf32, #tpu.memory_space<hbm>>
    %dma_wait3A_242 = arith.constant 0 : i32
    %dma_wait3A_243 = tpu.memref_slice %arg4[%add3A_221, %dma_wait3A_242] : memref<100000x128xf32, #tpu.memory_space<hbm>> -> memref<128x128xf32, #tpu.memory_space<hbm>>
    %dma_wait3A_244 = arith.constant 0 : i32
    %dma_wait3A_245 = arith.constant 0 : i32
    %dma_wait3A_246 = tpu.memref_slice %arg6[%dma_wait3A_235, %dma_wait3A_244, %dma_wait3A_245] : memref<6x128x128xf32, #tpu.memory_space<vmem>> -> memref<1x128x128xf32, #tpu.memory_space<vmem>>
    %dma_wait3A_247 = tpu.memref_squeeze %dma_wait3A_246 : memref<1x128x128xf32, #tpu.memory_space<vmem>> -> memref<128x128xf32, #tpu.memory_space<vmem>>
    tpu.wait_dma2 semaphore(%arg17 : memref<!tpu.dma_semaphore, #tpu.memory_space<semaphore_mem>>) src(%dma_wait3A_247 : memref<128x128xf32, #tpu.memory_space<vmem>>) dst(%dma_wait3A_243 : memref<128x128xf32, #tpu.memory_space<hbm>>)
    %dma_start3A_248 = arith.constant 3 : i32
    %dma_start3A_249 = arith.constant 0 : i32
    %dma_start3A_250 = arith.constant 0 : i32
    %dma_start3A_251 = tpu.memref_slice %arg6[%dma_start3A_248, %dma_start3A_249, %dma_start3A_250] : memref<6x128x128xf32, #tpu.memory_space<vmem>> -> memref<1x128x128xf32, #tpu.memory_space<vmem>>
    %dma_start3A_252 = tpu.memref_squeeze %dma_start3A_251 : memref<1x128x128xf32, #tpu.memory_space<vmem>> -> memref<128x128xf32, #tpu.memory_space<vmem>>
    %dma_start3A_253 = arith.constant 1152 : i32
    %dma_start3A_254 = tpu.memref_slice %arg5[%dma_start3A_253] : memref<3128xi32, #tpu.memory_space<vmem>> -> memref<128xi32, #tpu.memory_space<vmem>>
    %dma_start3A_255 = arith.constant 0 : i32
    %dma_start3A_256 = arith.constant 0 : i32
    %dma_start3A_257 = tpu.memref_slice %arg3[%dma_start3A_255, %dma_start3A_256] : memref<100000x128xf32, #tpu.memory_space<hbm>> -> memref<100000x128xf32, #tpu.memory_space<hbm>>
    tpu.enqueue_indirect_dma source(%dma_start3A_257 : memref<100000x128xf32, #tpu.memory_space<hbm>>) target(%dma_start3A_252 : memref<128x128xf32, #tpu.memory_space<vmem>>) offsets(%dma_start3A_254 : memref<128xi32, #tpu.memory_space<vmem>>) semaphore(%arg11 : memref<!tpu.dma_semaphore, #tpu.memory_space<semaphore_mem>>)
    %dma_wait3A_258 = arith.constant 4 : i32
    %dma_wait3A_259 = arith.constant 0 : i32
    %dma_wait3A_260 = arith.constant 0 : i32
    %dma_wait3A_261 = tpu.memref_slice %arg6[%dma_wait3A_258, %dma_wait3A_259, %dma_wait3A_260] : memref<6x128x128xf32, #tpu.memory_space<vmem>> -> memref<1x128x128xf32, #tpu.memory_space<vmem>>
    %dma_wait3A_262 = tpu.memref_squeeze %dma_wait3A_261 : memref<1x128x128xf32, #tpu.memory_space<vmem>> -> memref<128x128xf32, #tpu.memory_space<vmem>>
    %dma_wait3A_263 = arith.constant 512 : i32
    %dma_wait3A_264 = tpu.memref_slice %arg5[%dma_wait3A_263] : memref<3128xi32, #tpu.memory_space<vmem>> -> memref<128xi32, #tpu.memory_space<vmem>>
    %dma_wait3A_265 = arith.constant 0 : i32
    %dma_wait3A_266 = arith.constant 0 : i32
    %dma_wait3A_267 = tpu.memref_slice %arg3[%dma_wait3A_265, %dma_wait3A_266] : memref<100000x128xf32, #tpu.memory_space<hbm>> -> memref<100000x128xf32, #tpu.memory_space<hbm>>
    tpu.wait_indirect_dma semaphore(%arg12 : memref<!tpu.dma_semaphore, #tpu.memory_space<semaphore_mem>>) src(%dma_wait3A_267 : memref<100000x128xf32, #tpu.memory_space<hbm>>) dst(%dma_wait3A_262 : memref<128x128xf32, #tpu.memory_space<vmem>>)
    %add3A_268 = arith.constant 512 : i32
    %add3A_269 = arith.addi %select_n3A, %add3A_268 : i32
    %dma_start3A_270 = arith.constant 4 : i32
    %dma_start3A_271 = arith.constant 0 : i32
    %dma_start3A_272 = arith.constant 0 : i32
    %dma_start3A_273 = tpu.memref_slice %arg6[%dma_start3A_270, %dma_start3A_271, %dma_start3A_272] : memref<6x128x128xf32, #tpu.memory_space<vmem>> -> memref<1x128x128xf32, #tpu.memory_space<vmem>>
    %dma_start3A_274 = tpu.memref_squeeze %dma_start3A_273 : memref<1x128x128xf32, #tpu.memory_space<vmem>> -> memref<128x128xf32, #tpu.memory_space<vmem>>
    %dma_start3A_275 = arith.constant 0 : i32
    %dma_start3A_276 = tpu.memref_slice %arg4[%add3A_269, %dma_start3A_275] : memref<100000x128xf32, #tpu.memory_space<hbm>> -> memref<128x128xf32, #tpu.memory_space<hbm>>
    %dma_start3A_277 = arith.constant 0 : i32
    %dma_start3A_278 = tpu.memref_slice %arg4[%add3A_269, %dma_start3A_277] : memref<100000x128xf32, #tpu.memory_space<hbm>> -> memref<128x128xf32, #tpu.memory_space<hbm>>
    %dma_start3A_279 = arith.constant 0 : i32
    %dma_start3A_280 = arith.constant 0 : i32
    %dma_start3A_281 = tpu.memref_slice %arg6[%dma_start3A_270, %dma_start3A_279, %dma_start3A_280] : memref<6x128x128xf32, #tpu.memory_space<vmem>> -> memref<1x128x128xf32, #tpu.memory_space<vmem>>
    %dma_start3A_282 = tpu.memref_squeeze %dma_start3A_281 : memref<1x128x128xf32, #tpu.memory_space<vmem>> -> memref<128x128xf32, #tpu.memory_space<vmem>>
    tpu.enqueue_dma source(%dma_start3A_282 : memref<128x128xf32, #tpu.memory_space<vmem>>) target(%dma_start3A_278 : memref<128x128xf32, #tpu.memory_space<hbm>>) target_semaphore(%arg18 : memref<!tpu.dma_semaphore, #tpu.memory_space<semaphore_mem>>)
    %dma_wait3A_283 = arith.constant 4 : i32
    %dma_wait3A_284 = arith.constant 0 : i32
    %dma_wait3A_285 = arith.constant 0 : i32
    %dma_wait3A_286 = tpu.memref_slice %arg6[%dma_wait3A_283, %dma_wait3A_284, %dma_wait3A_285] : memref<6x128x128xf32, #tpu.memory_space<vmem>> -> memref<1x128x128xf32, #tpu.memory_space<vmem>>
    %dma_wait3A_287 = tpu.memref_squeeze %dma_wait3A_286 : memref<1x128x128xf32, #tpu.memory_space<vmem>> -> memref<128x128xf32, #tpu.memory_space<vmem>>
    %dma_wait3A_288 = arith.constant 0 : i32
    %dma_wait3A_289 = tpu.memref_slice %arg4[%add3A_269, %dma_wait3A_288] : memref<100000x128xf32, #tpu.memory_space<hbm>> -> memref<128x128xf32, #tpu.memory_space<hbm>>
    %dma_wait3A_290 = arith.constant 0 : i32
    %dma_wait3A_291 = tpu.memref_slice %arg4[%add3A_269, %dma_wait3A_290] : memref<100000x128xf32, #tpu.memory_space<hbm>> -> memref<128x128xf32, #tpu.memory_space<hbm>>
    %dma_wait3A_292 = arith.constant 0 : i32
    %dma_wait3A_293 = arith.constant 0 : i32
    %dma_wait3A_294 = tpu.memref_slice %arg6[%dma_wait3A_283, %dma_wait3A_292, %dma_wait3A_293] : memref<6x128x128xf32, #tpu.memory_space<vmem>> -> memref<1x128x128xf32, #tpu.memory_space<vmem>>
    %dma_wait3A_295 = tpu.memref_squeeze %dma_wait3A_294 : memref<1x128x128xf32, #tpu.memory_space<vmem>> -> memref<128x128xf32, #tpu.memory_space<vmem>>
    tpu.wait_dma2 semaphore(%arg18 : memref<!tpu.dma_semaphore, #tpu.memory_space<semaphore_mem>>) src(%dma_wait3A_295 : memref<128x128xf32, #tpu.memory_space<vmem>>) dst(%dma_wait3A_291 : memref<128x128xf32, #tpu.memory_space<hbm>>)
    %dma_start3A_296 = arith.constant 4 : i32
    %dma_start3A_297 = arith.constant 0 : i32
    %dma_start3A_298 = arith.constant 0 : i32
    %dma_start3A_299 = tpu.memref_slice %arg6[%dma_start3A_296, %dma_start3A_297, %dma_start3A_298] : memref<6x128x128xf32, #tpu.memory_space<vmem>> -> memref<1x128x128xf32, #tpu.memory_space<vmem>>
    %dma_start3A_300 = tpu.memref_squeeze %dma_start3A_299 : memref<1x128x128xf32, #tpu.memory_space<vmem>> -> memref<128x128xf32, #tpu.memory_space<vmem>>
    %dma_start3A_301 = arith.constant 1280 : i32
    %dma_start3A_302 = tpu.memref_slice %arg5[%dma_start3A_301] : memref<3128xi32, #tpu.memory_space<vmem>> -> memref<128xi32, #tpu.memory_space<vmem>>
    %dma_start3A_303 = arith.constant 0 : i32
    %dma_start3A_304 = arith.constant 0 : i32
    %dma_start3A_305 = tpu.memref_slice %arg3[%dma_start3A_303, %dma_start3A_304] : memref<100000x128xf32, #tpu.memory_space<hbm>> -> memref<100000x128xf32, #tpu.memory_space<hbm>>
    tpu.enqueue_indirect_dma source(%dma_start3A_305 : memref<100000x128xf32, #tpu.memory_space<hbm>>) target(%dma_start3A_300 : memref<128x128xf32, #tpu.memory_space<vmem>>) offsets(%dma_start3A_302 : memref<128xi32, #tpu.memory_space<vmem>>) semaphore(%arg12 : memref<!tpu.dma_semaphore, #tpu.memory_space<semaphore_mem>>)
    %dma_wait3A_306 = arith.constant 5 : i32
    %dma_wait3A_307 = arith.constant 0 : i32
    %dma_wait3A_308 = arith.constant 0 : i32
    %dma_wait3A_309 = tpu.memref_slice %arg6[%dma_wait3A_306, %dma_wait3A_307, %dma_wait3A_308] : memref<6x128x128xf32, #tpu.memory_space<vmem>> -> memref<1x128x128xf32, #tpu.memory_space<vmem>>
    %dma_wait3A_310 = tpu.memref_squeeze %dma_wait3A_309 : memref<1x128x128xf32, #tpu.memory_space<vmem>> -> memref<128x128xf32, #tpu.memory_space<vmem>>
    %dma_wait3A_311 = arith.constant 640 : i32
    %dma_wait3A_312 = tpu.memref_slice %arg5[%dma_wait3A_311] : memref<3128xi32, #tpu.memory_space<vmem>> -> memref<128xi32, #tpu.memory_space<vmem>>
    %dma_wait3A_313 = arith.constant 0 : i32
    %dma_wait3A_314 = arith.constant 0 : i32
    %dma_wait3A_315 = tpu.memref_slice %arg3[%dma_wait3A_313, %dma_wait3A_314] : memref<100000x128xf32, #tpu.memory_space<hbm>> -> memref<100000x128xf32, #tpu.memory_space<hbm>>
    tpu.wait_indirect_dma semaphore(%arg13 : memref<!tpu.dma_semaphore, #tpu.memory_space<semaphore_mem>>) src(%dma_wait3A_315 : memref<100000x128xf32, #tpu.memory_space<hbm>>) dst(%dma_wait3A_310 : memref<128x128xf32, #tpu.memory_space<vmem>>)
    %add3A_316 = arith.constant 640 : i32
    %add3A_317 = arith.addi %select_n3A, %add3A_316 : i32
    %dma_start3A_318 = arith.constant 5 : i32
    %dma_start3A_319 = arith.constant 0 : i32
    %dma_start3A_320 = arith.constant 0 : i32
    %dma_start3A_321 = tpu.memref_slice %arg6[%dma_start3A_318, %dma_start3A_319, %dma_start3A_320] : memref<6x128x128xf32, #tpu.memory_space<vmem>> -> memref<1x128x128xf32, #tpu.memory_space<vmem>>
    %dma_start3A_322 = tpu.memref_squeeze %dma_start3A_321 : memref<1x128x128xf32, #tpu.memory_space<vmem>> -> memref<128x128xf32, #tpu.memory_space<vmem>>
    %dma_start3A_323 = arith.constant 0 : i32
    %dma_start3A_324 = tpu.memref_slice %arg4[%add3A_317, %dma_start3A_323] : memref<100000x128xf32, #tpu.memory_space<hbm>> -> memref<128x128xf32, #tpu.memory_space<hbm>>
    %dma_start3A_325 = arith.constant 0 : i32
    %dma_start3A_326 = tpu.memref_slice %arg4[%add3A_317, %dma_start3A_325] : memref<100000x128xf32, #tpu.memory_space<hbm>> -> memref<128x128xf32, #tpu.memory_space<hbm>>
    %dma_start3A_327 = arith.constant 0 : i32
    %dma_start3A_328 = arith.constant 0 : i32
    %dma_start3A_329 = tpu.memref_slice %arg6[%dma_start3A_318, %dma_start3A_327, %dma_start3A_328] : memref<6x128x128xf32, #tpu.memory_space<vmem>> -> memref<1x128x128xf32, #tpu.memory_space<vmem>>
    %dma_start3A_330 = tpu.memref_squeeze %dma_start3A_329 : memref<1x128x128xf32, #tpu.memory_space<vmem>> -> memref<128x128xf32, #tpu.memory_space<vmem>>
    tpu.enqueue_dma source(%dma_start3A_330 : memref<128x128xf32, #tpu.memory_space<vmem>>) target(%dma_start3A_326 : memref<128x128xf32, #tpu.memory_space<hbm>>) target_semaphore(%arg19 : memref<!tpu.dma_semaphore, #tpu.memory_space<semaphore_mem>>)
    %dma_wait3A_331 = arith.constant 5 : i32
    %dma_wait3A_332 = arith.constant 0 : i32
    %dma_wait3A_333 = arith.constant 0 : i32
    %dma_wait3A_334 = tpu.memref_slice %arg6[%dma_wait3A_331, %dma_wait3A_332, %dma_wait3A_333] : memref<6x128x128xf32, #tpu.memory_space<vmem>> -> memref<1x128x128xf32, #tpu.memory_space<vmem>>
    %dma_wait3A_335 = tpu.memref_squeeze %dma_wait3A_334 : memref<1x128x128xf32, #tpu.memory_space<vmem>> -> memref<128x128xf32, #tpu.memory_space<vmem>>
    %dma_wait3A_336 = arith.constant 0 : i32
    %dma_wait3A_337 = tpu.memref_slice %arg4[%add3A_317, %dma_wait3A_336] : memref<100000x128xf32, #tpu.memory_space<hbm>> -> memref<128x128xf32, #tpu.memory_space<hbm>>
    %dma_wait3A_338 = arith.constant 0 : i32
    %dma_wait3A_339 = tpu.memref_slice %arg4[%add3A_317, %dma_wait3A_338] : memref<100000x128xf32, #tpu.memory_space<hbm>> -> memref<128x128xf32, #tpu.memory_space<hbm>>
    %dma_wait3A_340 = arith.constant 0 : i32
    %dma_wait3A_341 = arith.constant 0 : i32
    %dma_wait3A_342 = tpu.memref_slice %arg6[%dma_wait3A_331, %dma_wait3A_340, %dma_wait3A_341] : memref<6x128x128xf32, #tpu.memory_space<vmem>> -> memref<1x128x128xf32, #tpu.memory_space<vmem>>
    %dma_wait3A_343 = tpu.memref_squeeze %dma_wait3A_342 : memref<1x128x128xf32, #tpu.memory_space<vmem>> -> memref<128x128xf32, #tpu.memory_space<vmem>>
    tpu.wait_dma2 semaphore(%arg19 : memref<!tpu.dma_semaphore, #tpu.memory_space<semaphore_mem>>) src(%dma_wait3A_343 : memref<128x128xf32, #tpu.memory_space<vmem>>) dst(%dma_wait3A_339 : memref<128x128xf32, #tpu.memory_space<hbm>>)
    %dma_start3A_344 = arith.constant 5 : i32
    %dma_start3A_345 = arith.constant 0 : i32
    %dma_start3A_346 = arith.constant 0 : i32
    %dma_start3A_347 = tpu.memref_slice %arg6[%dma_start3A_344, %dma_start3A_345, %dma_start3A_346] : memref<6x128x128xf32, #tpu.memory_space<vmem>> -> memref<1x128x128xf32, #tpu.memory_space<vmem>>
    %dma_start3A_348 = tpu.memref_squeeze %dma_start3A_347 : memref<1x128x128xf32, #tpu.memory_space<vmem>> -> memref<128x128xf32, #tpu.memory_space<vmem>>
    %dma_start3A_349 = arith.constant 1408 : i32
    %dma_start3A_350 = tpu.memref_slice %arg5[%dma_start3A_349] : memref<3128xi32, #tpu.memory_space<vmem>> -> memref<128xi32, #tpu.memory_space<vmem>>
    %dma_start3A_351 = arith.constant 0 : i32
    %dma_start3A_352 = arith.constant 0 : i32
    %dma_start3A_353 = tpu.memref_slice %arg3[%dma_start3A_351, %dma_start3A_352] : memref<100000x128xf32, #tpu.memory_space<hbm>> -> memref<100000x128xf32, #tpu.memory_space<hbm>>
    tpu.enqueue_indirect_dma source(%dma_start3A_353 : memref<100000x128xf32, #tpu.memory_space<hbm>>) target(%dma_start3A_348 : memref<128x128xf32, #tpu.memory_space<vmem>>) offsets(%dma_start3A_350 : memref<128xi32, #tpu.memory_space<vmem>>) semaphore(%arg13 : memref<!tpu.dma_semaphore, #tpu.memory_space<semaphore_mem>>)
    %dma_wait3A_354 = arith.constant 0 : i32
    %dma_wait3A_355 = arith.constant 0 : i32
    %dma_wait3A_356 = arith.constant 0 : i32
    %dma_wait3A_357 = tpu.memref_slice %arg6[%dma_wait3A_354, %dma_wait3A_355, %dma_wait3A_356] : memref<6x128x128xf32, #tpu.memory_space<vmem>> -> memref<1x128x128xf32, #tpu.memory_space<vmem>>
    %dma_wait3A_358 = tpu.memref_squeeze %dma_wait3A_357 : memref<1x128x128xf32, #tpu.memory_space<vmem>> -> memref<128x128xf32, #tpu.memory_space<vmem>>
    %dma_wait3A_359 = arith.constant 768 : i32
    %dma_wait3A_360 = tpu.memref_slice %arg5[%dma_wait3A_359] : memref<3128xi32, #tpu.memory_space<vmem>> -> memref<128xi32, #tpu.memory_space<vmem>>
    %dma_wait3A_361 = arith.constant 0 : i32
    %dma_wait3A_362 = arith.constant 0 : i32
    %dma_wait3A_363 = tpu.memref_slice %arg3[%dma_wait3A_361, %dma_wait3A_362] : memref<100000x128xf32, #tpu.memory_space<hbm>> -> memref<100000x128xf32, #tpu.memory_space<hbm>>
    tpu.wait_indirect_dma semaphore(%arg8 : memref<!tpu.dma_semaphore, #tpu.memory_space<semaphore_mem>>) src(%dma_wait3A_363 : memref<100000x128xf32, #tpu.memory_space<hbm>>) dst(%dma_wait3A_358 : memref<128x128xf32, #tpu.memory_space<vmem>>)
    %add3A_364 = arith.constant 768 : i32
    %add3A_365 = arith.addi %select_n3A, %add3A_364 : i32
    %dma_start3A_366 = arith.constant 0 : i32
    %dma_start3A_367 = arith.constant 0 : i32
    %dma_start3A_368 = arith.constant 0 : i32
    %dma_start3A_369 = tpu.memref_slice %arg6[%dma_start3A_366, %dma_start3A_367, %dma_start3A_368] : memref<6x128x128xf32, #tpu.memory_space<vmem>> -> memref<1x128x128xf32, #tpu.memory_space<vmem>>
    %dma_start3A_370 = tpu.memref_squeeze %dma_start3A_369 : memref<1x128x128xf32, #tpu.memory_space<vmem>> -> memref<128x128xf32, #tpu.memory_space<vmem>>
    %dma_start3A_371 = arith.constant 0 : i32
    %dma_start3A_372 = tpu.memref_slice %arg4[%add3A_365, %dma_start3A_371] : memref<100000x128xf32, #tpu.memory_space<hbm>> -> memref<128x128xf32, #tpu.memory_space<hbm>>
    %dma_start3A_373 = arith.constant 0 : i32
    %dma_start3A_374 = tpu.memref_slice %arg4[%add3A_365, %dma_start3A_373] : memref<100000x128xf32, #tpu.memory_space<hbm>> -> memref<128x128xf32, #tpu.memory_space<hbm>>
    %dma_start3A_375 = arith.constant 0 : i32
    %dma_start3A_376 = arith.constant 0 : i32
    %dma_start3A_377 = tpu.memref_slice %arg6[%dma_start3A_366, %dma_start3A_375, %dma_start3A_376] : memref<6x128x128xf32, #tpu.memory_space<vmem>> -> memref<1x128x128xf32, #tpu.memory_space<vmem>>
    %dma_start3A_378 = tpu.memref_squeeze %dma_start3A_377 : memref<1x128x128xf32, #tpu.memory_space<vmem>> -> memref<128x128xf32, #tpu.memory_space<vmem>>
    tpu.enqueue_dma source(%dma_start3A_378 : memref<128x128xf32, #tpu.memory_space<vmem>>) target(%dma_start3A_374 : memref<128x128xf32, #tpu.memory_space<hbm>>) target_semaphore(%arg14 : memref<!tpu.dma_semaphore, #tpu.memory_space<semaphore_mem>>)
    %dma_wait3A_379 = arith.constant 0 : i32
    %dma_wait3A_380 = arith.constant 0 : i32
    %dma_wait3A_381 = arith.constant 0 : i32
    %dma_wait3A_382 = tpu.memref_slice %arg6[%dma_wait3A_379, %dma_wait3A_380, %dma_wait3A_381] : memref<6x128x128xf32, #tpu.memory_space<vmem>> -> memref<1x128x128xf32, #tpu.memory_space<vmem>>
    %dma_wait3A_383 = tpu.memref_squeeze %dma_wait3A_382 : memref<1x128x128xf32, #tpu.memory_space<vmem>> -> memref<128x128xf32, #tpu.memory_space<vmem>>
    %dma_wait3A_384 = arith.constant 0 : i32
    %dma_wait3A_385 = tpu.memref_slice %arg4[%add3A_365, %dma_wait3A_384] : memref<100000x128xf32, #tpu.memory_space<hbm>> -> memref<128x128xf32, #tpu.memory_space<hbm>>
    %dma_wait3A_386 = arith.constant 0 : i32
    %dma_wait3A_387 = tpu.memref_slice %arg4[%add3A_365, %dma_wait3A_386] : memref<100000x128xf32, #tpu.memory_space<hbm>> -> memref<128x128xf32, #tpu.memory_space<hbm>>
    %dma_wait3A_388 = arith.constant 0 : i32
    %dma_wait3A_389 = arith.constant 0 : i32
    %dma_wait3A_390 = tpu.memref_slice %arg6[%dma_wait3A_379, %dma_wait3A_388, %dma_wait3A_389] : memref<6x128x128xf32, #tpu.memory_space<vmem>> -> memref<1x128x128xf32, #tpu.memory_space<vmem>>
    %dma_wait3A_391 = tpu.memref_squeeze %dma_wait3A_390 : memref<1x128x128xf32, #tpu.memory_space<vmem>> -> memref<128x128xf32, #tpu.memory_space<vmem>>
    tpu.wait_dma2 semaphore(%arg14 : memref<!tpu.dma_semaphore, #tpu.memory_space<semaphore_mem>>) src(%dma_wait3A_391 : memref<128x128xf32, #tpu.memory_space<vmem>>) dst(%dma_wait3A_387 : memref<128x128xf32, #tpu.memory_space<hbm>>)
    %dma_start3A_392 = arith.constant 0 : i32
    %dma_start3A_393 = arith.constant 0 : i32
    %dma_start3A_394 = arith.constant 0 : i32
    %dma_start3A_395 = tpu.memref_slice %arg6[%dma_start3A_392, %dma_start3A_393, %dma_start3A_394] : memref<6x128x128xf32, #tpu.memory_space<vmem>> -> memref<1x128x128xf32, #tpu.memory_space<vmem>>
    %dma_start3A_396 = tpu.memref_squeeze %dma_start3A_395 : memref<1x128x128xf32, #tpu.memory_space<vmem>> -> memref<128x128xf32, #tpu.memory_space<vmem>>
    %dma_start3A_397 = arith.constant 1536 : i32
    %dma_start3A_398 = tpu.memref_slice %arg5[%dma_start3A_397] : memref<3128xi32, #tpu.memory_space<vmem>> -> memref<128xi32, #tpu.memory_space<vmem>>
    %dma_start3A_399 = arith.constant 0 : i32
    %dma_start3A_400 = arith.constant 0 : i32
    %dma_start3A_401 = tpu.memref_slice %arg3[%dma_start3A_399, %dma_start3A_400] : memref<100000x128xf32, #tpu.memory_space<hbm>> -> memref<100000x128xf32, #tpu.memory_space<hbm>>
    tpu.enqueue_indirect_dma source(%dma_start3A_401 : memref<100000x128xf32, #tpu.memory_space<hbm>>) target(%dma_start3A_396 : memref<128x128xf32, #tpu.memory_space<vmem>>) offsets(%dma_start3A_398 : memref<128xi32, #tpu.memory_space<vmem>>) semaphore(%arg8 : memref<!tpu.dma_semaphore, #tpu.memory_space<semaphore_mem>>)
    %dma_wait3A_402 = arith.constant 1 : i32
    %dma_wait3A_403 = arith.constant 0 : i32
    %dma_wait3A_404 = arith.constant 0 : i32
    %dma_wait3A_405 = tpu.memref_slice %arg6[%dma_wait3A_402, %dma_wait3A_403, %dma_wait3A_404] : memref<6x128x128xf32, #tpu.memory_space<vmem>> -> memref<1x128x128xf32, #tpu.memory_space<vmem>>
    %dma_wait3A_406 = tpu.memref_squeeze %dma_wait3A_405 : memref<1x128x128xf32, #tpu.memory_space<vmem>> -> memref<128x128xf32, #tpu.memory_space<vmem>>
    %dma_wait3A_407 = arith.constant 896 : i32
    %dma_wait3A_408 = tpu.memref_slice %arg5[%dma_wait3A_407] : memref<3128xi32, #tpu.memory_space<vmem>> -> memref<128xi32, #tpu.memory_space<vmem>>
    %dma_wait3A_409 = arith.constant 0 : i32
    %dma_wait3A_410 = arith.constant 0 : i32
    %dma_wait3A_411 = tpu.memref_slice %arg3[%dma_wait3A_409, %dma_wait3A_410] : memref<100000x128xf32, #tpu.memory_space<hbm>> -> memref<100000x128xf32, #tpu.memory_space<hbm>>
    tpu.wait_indirect_dma semaphore(%arg9 : memref<!tpu.dma_semaphore, #tpu.memory_space<semaphore_mem>>) src(%dma_wait3A_411 : memref<100000x128xf32, #tpu.memory_space<hbm>>) dst(%dma_wait3A_406 : memref<128x128xf32, #tpu.memory_space<vmem>>)
    %add3A_412 = arith.constant 896 : i32
    %add3A_413 = arith.addi %select_n3A, %add3A_412 : i32
    %dma_start3A_414 = arith.constant 1 : i32
    %dma_start3A_415 = arith.constant 0 : i32
    %dma_start3A_416 = arith.constant 0 : i32
    %dma_start3A_417 = tpu.memref_slice %arg6[%dma_start3A_414, %dma_start3A_415, %dma_start3A_416] : memref<6x128x128xf32, #tpu.memory_space<vmem>> -> memref<1x128x128xf32, #tpu.memory_space<vmem>>
    %dma_start3A_418 = tpu.memref_squeeze %dma_start3A_417 : memref<1x128x128xf32, #tpu.memory_space<vmem>> -> memref<128x128xf32, #tpu.memory_space<vmem>>
    %dma_start3A_419 = arith.constant 0 : i32
    %dma_start3A_420 = tpu.memref_slice %arg4[%add3A_413, %dma_start3A_419] : memref<100000x128xf32, #tpu.memory_space<hbm>> -> memref<128x128xf32, #tpu.memory_space<hbm>>
    %dma_start3A_421 = arith.constant 0 : i32
    %dma_start3A_422 = tpu.memref_slice %arg4[%add3A_413, %dma_start3A_421] : memref<100000x128xf32, #tpu.memory_space<hbm>> -> memref<128x128xf32, #tpu.memory_space<hbm>>
    %dma_start3A_423 = arith.constant 0 : i32
    %dma_start3A_424 = arith.constant 0 : i32
    %dma_start3A_425 = tpu.memref_slice %arg6[%dma_start3A_414, %dma_start3A_423, %dma_start3A_424] : memref<6x128x128xf32, #tpu.memory_space<vmem>> -> memref<1x128x128xf32, #tpu.memory_space<vmem>>
    %dma_start3A_426 = tpu.memref_squeeze %dma_start3A_425 : memref<1x128x128xf32, #tpu.memory_space<vmem>> -> memref<128x128xf32, #tpu.memory_space<vmem>>
    tpu.enqueue_dma source(%dma_start3A_426 : memref<128x128xf32, #tpu.memory_space<vmem>>) target(%dma_start3A_422 : memref<128x128xf32, #tpu.memory_space<hbm>>) target_semaphore(%arg15 : memref<!tpu.dma_semaphore, #tpu.memory_space<semaphore_mem>>)
    %dma_wait3A_427 = arith.constant 1 : i32
    %dma_wait3A_428 = arith.constant 0 : i32
    %dma_wait3A_429 = arith.constant 0 : i32
    %dma_wait3A_430 = tpu.memref_slice %arg6[%dma_wait3A_427, %dma_wait3A_428, %dma_wait3A_429] : memref<6x128x128xf32, #tpu.memory_space<vmem>> -> memref<1x128x128xf32, #tpu.memory_space<vmem>>
    %dma_wait3A_431 = tpu.memref_squeeze %dma_wait3A_430 : memref<1x128x128xf32, #tpu.memory_space<vmem>> -> memref<128x128xf32, #tpu.memory_space<vmem>>
    %dma_wait3A_432 = arith.constant 0 : i32
    %dma_wait3A_433 = tpu.memref_slice %arg4[%add3A_413, %dma_wait3A_432] : memref<100000x128xf32, #tpu.memory_space<hbm>> -> memref<128x128xf32, #tpu.memory_space<hbm>>
    %dma_wait3A_434 = arith.constant 0 : i32
    %dma_wait3A_435 = tpu.memref_slice %arg4[%add3A_413, %dma_wait3A_434] : memref<100000x128xf32, #tpu.memory_space<hbm>> -> memref<128x128xf32, #tpu.memory_space<hbm>>
    %dma_wait3A_436 = arith.constant 0 : i32
    %dma_wait3A_437 = arith.constant 0 : i32
    %dma_wait3A_438 = tpu.memref_slice %arg6[%dma_wait3A_427, %dma_wait3A_436, %dma_wait3A_437] : memref<6x128x128xf32, #tpu.memory_space<vmem>> -> memref<1x128x128xf32, #tpu.memory_space<vmem>>
    %dma_wait3A_439 = tpu.memref_squeeze %dma_wait3A_438 : memref<1x128x128xf32, #tpu.memory_space<vmem>> -> memref<128x128xf32, #tpu.memory_space<vmem>>
    tpu.wait_dma2 semaphore(%arg15 : memref<!tpu.dma_semaphore, #tpu.memory_space<semaphore_mem>>) src(%dma_wait3A_439 : memref<128x128xf32, #tpu.memory_space<vmem>>) dst(%dma_wait3A_435 : memref<128x128xf32, #tpu.memory_space<hbm>>)
    %dma_start3A_440 = arith.constant 1 : i32
    %dma_start3A_441 = arith.constant 0 : i32
    %dma_start3A_442 = arith.constant 0 : i32
    %dma_start3A_443 = tpu.memref_slice %arg6[%dma_start3A_440, %dma_start3A_441, %dma_start3A_442] : memref<6x128x128xf32, #tpu.memory_space<vmem>> -> memref<1x128x128xf32, #tpu.memory_space<vmem>>
    %dma_start3A_444 = tpu.memref_squeeze %dma_start3A_443 : memref<1x128x128xf32, #tpu.memory_space<vmem>> -> memref<128x128xf32, #tpu.memory_space<vmem>>
    %dma_start3A_445 = arith.constant 1664 : i32
    %dma_start3A_446 = tpu.memref_slice %arg5[%dma_start3A_445] : memref<3128xi32, #tpu.memory_space<vmem>> -> memref<128xi32, #tpu.memory_space<vmem>>
    %dma_start3A_447 = arith.constant 0 : i32
    %dma_start3A_448 = arith.constant 0 : i32
    %dma_start3A_449 = tpu.memref_slice %arg3[%dma_start3A_447, %dma_start3A_448] : memref<100000x128xf32, #tpu.memory_space<hbm>> -> memref<100000x128xf32, #tpu.memory_space<hbm>>
    tpu.enqueue_indirect_dma source(%dma_start3A_449 : memref<100000x128xf32, #tpu.memory_space<hbm>>) target(%dma_start3A_444 : memref<128x128xf32, #tpu.memory_space<vmem>>) offsets(%dma_start3A_446 : memref<128xi32, #tpu.memory_space<vmem>>) semaphore(%arg9 : memref<!tpu.dma_semaphore, #tpu.memory_space<semaphore_mem>>)
    %dma_wait3A_450 = arith.constant 2 : i32
    %dma_wait3A_451 = arith.constant 0 : i32
    %dma_wait3A_452 = arith.constant 0 : i32
    %dma_wait3A_453 = tpu.memref_slice %arg6[%dma_wait3A_450, %dma_wait3A_451, %dma_wait3A_452] : memref<6x128x128xf32, #tpu.memory_space<vmem>> -> memref<1x128x128xf32, #tpu.memory_space<vmem>>
    %dma_wait3A_454 = tpu.memref_squeeze %dma_wait3A_453 : memref<1x128x128xf32, #tpu.memory_space<vmem>> -> memref<128x128xf32, #tpu.memory_space<vmem>>
    %dma_wait3A_455 = arith.constant 1024 : i32
    %dma_wait3A_456 = tpu.memref_slice %arg5[%dma_wait3A_455] : memref<3128xi32, #tpu.memory_space<vmem>> -> memref<128xi32, #tpu.memory_space<vmem>>
    %dma_wait3A_457 = arith.constant 0 : i32
    %dma_wait3A_458 = arith.constant 0 : i32
    %dma_wait3A_459 = tpu.memref_slice %arg3[%dma_wait3A_457, %dma_wait3A_458] : memref<100000x128xf32, #tpu.memory_space<hbm>> -> memref<100000x128xf32, #tpu.memory_space<hbm>>
    tpu.wait_indirect_dma semaphore(%arg10 : memref<!tpu.dma_semaphore, #tpu.memory_space<semaphore_mem>>) src(%dma_wait3A_459 : memref<100000x128xf32, #tpu.memory_space<hbm>>) dst(%dma_wait3A_454 : memref<128x128xf32, #tpu.memory_space<vmem>>)
    %add3A_460 = arith.constant 1024 : i32
    %add3A_461 = arith.addi %select_n3A, %add3A_460 : i32
    %dma_start3A_462 = arith.constant 2 : i32
    %dma_start3A_463 = arith.constant 0 : i32
    %dma_start3A_464 = arith.constant 0 : i32
    %dma_start3A_465 = tpu.memref_slice %arg6[%dma_start3A_462, %dma_start3A_463, %dma_start3A_464] : memref<6x128x128xf32, #tpu.memory_space<vmem>> -> memref<1x128x128xf32, #tpu.memory_space<vmem>>
    %dma_start3A_466 = tpu.memref_squeeze %dma_start3A_465 : memref<1x128x128xf32, #tpu.memory_space<vmem>> -> memref<128x128xf32, #tpu.memory_space<vmem>>
    %dma_start3A_467 = arith.constant 0 : i32
    %dma_start3A_468 = tpu.memref_slice %arg4[%add3A_461, %dma_start3A_467] : memref<100000x128xf32, #tpu.memory_space<hbm>> -> memref<128x128xf32, #tpu.memory_space<hbm>>
    %dma_start3A_469 = arith.constant 0 : i32
    %dma_start3A_470 = tpu.memref_slice %arg4[%add3A_461, %dma_start3A_469] : memref<100000x128xf32, #tpu.memory_space<hbm>> -> memref<128x128xf32, #tpu.memory_space<hbm>>
    %dma_start3A_471 = arith.constant 0 : i32
    %dma_start3A_472 = arith.constant 0 : i32
    %dma_start3A_473 = tpu.memref_slice %arg6[%dma_start3A_462, %dma_start3A_471, %dma_start3A_472] : memref<6x128x128xf32, #tpu.memory_space<vmem>> -> memref<1x128x128xf32, #tpu.memory_space<vmem>>
    %dma_start3A_474 = tpu.memref_squeeze %dma_start3A_473 : memref<1x128x128xf32, #tpu.memory_space<vmem>> -> memref<128x128xf32, #tpu.memory_space<vmem>>
    tpu.enqueue_dma source(%dma_start3A_474 : memref<128x128xf32, #tpu.memory_space<vmem>>) target(%dma_start3A_470 : memref<128x128xf32, #tpu.memory_space<hbm>>) target_semaphore(%arg16 : memref<!tpu.dma_semaphore, #tpu.memory_space<semaphore_mem>>)
    %dma_wait3A_475 = arith.constant 2 : i32
    %dma_wait3A_476 = arith.constant 0 : i32
    %dma_wait3A_477 = arith.constant 0 : i32
    %dma_wait3A_478 = tpu.memref_slice %arg6[%dma_wait3A_475, %dma_wait3A_476, %dma_wait3A_477] : memref<6x128x128xf32, #tpu.memory_space<vmem>> -> memref<1x128x128xf32, #tpu.memory_space<vmem>>
    %dma_wait3A_479 = tpu.memref_squeeze %dma_wait3A_478 : memref<1x128x128xf32, #tpu.memory_space<vmem>> -> memref<128x128xf32, #tpu.memory_space<vmem>>
    %dma_wait3A_480 = arith.constant 0 : i32
    %dma_wait3A_481 = tpu.memref_slice %arg4[%add3A_461, %dma_wait3A_480] : memref<100000x128xf32, #tpu.memory_space<hbm>> -> memref<128x128xf32, #tpu.memory_space<hbm>>
    %dma_wait3A_482 = arith.constant 0 : i32
    %dma_wait3A_483 = tpu.memref_slice %arg4[%add3A_461, %dma_wait3A_482] : memref<100000x128xf32, #tpu.memory_space<hbm>> -> memref<128x128xf32, #tpu.memory_space<hbm>>
    %dma_wait3A_484 = arith.constant 0 : i32
    %dma_wait3A_485 = arith.constant 0 : i32
    %dma_wait3A_486 = tpu.memref_slice %arg6[%dma_wait3A_475, %dma_wait3A_484, %dma_wait3A_485] : memref<6x128x128xf32, #tpu.memory_space<vmem>> -> memref<1x128x128xf32, #tpu.memory_space<vmem>>
    %dma_wait3A_487 = tpu.memref_squeeze %dma_wait3A_486 : memref<1x128x128xf32, #tpu.memory_space<vmem>> -> memref<128x128xf32, #tpu.memory_space<vmem>>
    tpu.wait_dma2 semaphore(%arg16 : memref<!tpu.dma_semaphore, #tpu.memory_space<semaphore_mem>>) src(%dma_wait3A_487 : memref<128x128xf32, #tpu.memory_space<vmem>>) dst(%dma_wait3A_483 : memref<128x128xf32, #tpu.memory_space<hbm>>)
    %dma_start3A_488 = arith.constant 2 : i32
    %dma_start3A_489 = arith.constant 0 : i32
    %dma_start3A_490 = arith.constant 0 : i32
    %dma_start3A_491 = tpu.memref_slice %arg6[%dma_start3A_488, %dma_start3A_489, %dma_start3A_490] : memref<6x128x128xf32, #tpu.memory_space<vmem>> -> memref<1x128x128xf32, #tpu.memory_space<vmem>>
    %dma_start3A_492 = tpu.memref_squeeze %dma_start3A_491 : memref<1x128x128xf32, #tpu.memory_space<vmem>> -> memref<128x128xf32, #tpu.memory_space<vmem>>
    %dma_start3A_493 = arith.constant 1792 : i32
    %dma_start3A_494 = tpu.memref_slice %arg5[%dma_start3A_493] : memref<3128xi32, #tpu.memory_space<vmem>> -> memref<128xi32, #tpu.memory_space<vmem>>
    %dma_start3A_495 = arith.constant 0 : i32
    %dma_start3A_496 = arith.constant 0 : i32
    %dma_start3A_497 = tpu.memref_slice %arg3[%dma_start3A_495, %dma_start3A_496] : memref<100000x128xf32, #tpu.memory_space<hbm>> -> memref<100000x128xf32, #tpu.memory_space<hbm>>
    tpu.enqueue_indirect_dma source(%dma_start3A_497 : memref<100000x128xf32, #tpu.memory_space<hbm>>) target(%dma_start3A_492 : memref<128x128xf32, #tpu.memory_space<vmem>>) offsets(%dma_start3A_494 : memref<128xi32, #tpu.memory_space<vmem>>) semaphore(%arg10 : memref<!tpu.dma_semaphore, #tpu.memory_space<semaphore_mem>>)
    %dma_wait3A_498 = arith.constant 3 : i32
    %dma_wait3A_499 = arith.constant 0 : i32
    %dma_wait3A_500 = arith.constant 0 : i32
    %dma_wait3A_501 = tpu.memref_slice %arg6[%dma_wait3A_498, %dma_wait3A_499, %dma_wait3A_500] : memref<6x128x128xf32, #tpu.memory_space<vmem>> -> memref<1x128x128xf32, #tpu.memory_space<vmem>>
    %dma_wait3A_502 = tpu.memref_squeeze %dma_wait3A_501 : memref<1x128x128xf32, #tpu.memory_space<vmem>> -> memref<128x128xf32, #tpu.memory_space<vmem>>
    %dma_wait3A_503 = arith.constant 1152 : i32
    %dma_wait3A_504 = tpu.memref_slice %arg5[%dma_wait3A_503] : memref<3128xi32, #tpu.memory_space<vmem>> -> memref<128xi32, #tpu.memory_space<vmem>>
    %dma_wait3A_505 = arith.constant 0 : i32
    %dma_wait3A_506 = arith.constant 0 : i32
    %dma_wait3A_507 = tpu.memref_slice %arg3[%dma_wait3A_505, %dma_wait3A_506] : memref<100000x128xf32, #tpu.memory_space<hbm>> -> memref<100000x128xf32, #tpu.memory_space<hbm>>
    tpu.wait_indirect_dma semaphore(%arg11 : memref<!tpu.dma_semaphore, #tpu.memory_space<semaphore_mem>>) src(%dma_wait3A_507 : memref<100000x128xf32, #tpu.memory_space<hbm>>) dst(%dma_wait3A_502 : memref<128x128xf32, #tpu.memory_space<vmem>>)
    %add3A_508 = arith.constant 1152 : i32
    %add3A_509 = arith.addi %select_n3A, %add3A_508 : i32
    %dma_start3A_510 = arith.constant 3 : i32
    %dma_start3A_511 = arith.constant 0 : i32
    %dma_start3A_512 = arith.constant 0 : i32
    %dma_start3A_513 = tpu.memref_slice %arg6[%dma_start3A_510, %dma_start3A_511, %dma_start3A_512] : memref<6x128x128xf32, #tpu.memory_space<vmem>> -> memref<1x128x128xf32, #tpu.memory_space<vmem>>
    %dma_start3A_514 = tpu.memref_squeeze %dma_start3A_513 : memref<1x128x128xf32, #tpu.memory_space<vmem>> -> memref<128x128xf32, #tpu.memory_space<vmem>>
    %dma_start3A_515 = arith.constant 0 : i32
    %dma_start3A_516 = tpu.memref_slice %arg4[%add3A_509, %dma_start3A_515] : memref<100000x128xf32, #tpu.memory_space<hbm>> -> memref<128x128xf32, #tpu.memory_space<hbm>>
    %dma_start3A_517 = arith.constant 0 : i32
    %dma_start3A_518 = tpu.memref_slice %arg4[%add3A_509, %dma_start3A_517] : memref<100000x128xf32, #tpu.memory_space<hbm>> -> memref<128x128xf32, #tpu.memory_space<hbm>>
    %dma_start3A_519 = arith.constant 0 : i32
    %dma_start3A_520 = arith.constant 0 : i32
    %dma_start3A_521 = tpu.memref_slice %arg6[%dma_start3A_510, %dma_start3A_519, %dma_start3A_520] : memref<6x128x128xf32, #tpu.memory_space<vmem>> -> memref<1x128x128xf32, #tpu.memory_space<vmem>>
    %dma_start3A_522 = tpu.memref_squeeze %dma_start3A_521 : memref<1x128x128xf32, #tpu.memory_space<vmem>> -> memref<128x128xf32, #tpu.memory_space<vmem>>
    tpu.enqueue_dma source(%dma_start3A_522 : memref<128x128xf32, #tpu.memory_space<vmem>>) target(%dma_start3A_518 : memref<128x128xf32, #tpu.memory_space<hbm>>) target_semaphore(%arg17 : memref<!tpu.dma_semaphore, #tpu.memory_space<semaphore_mem>>)
    %dma_wait3A_523 = arith.constant 3 : i32
    %dma_wait3A_524 = arith.constant 0 : i32
    %dma_wait3A_525 = arith.constant 0 : i32
    %dma_wait3A_526 = tpu.memref_slice %arg6[%dma_wait3A_523, %dma_wait3A_524, %dma_wait3A_525] : memref<6x128x128xf32, #tpu.memory_space<vmem>> -> memref<1x128x128xf32, #tpu.memory_space<vmem>>
    %dma_wait3A_527 = tpu.memref_squeeze %dma_wait3A_526 : memref<1x128x128xf32, #tpu.memory_space<vmem>> -> memref<128x128xf32, #tpu.memory_space<vmem>>
    %dma_wait3A_528 = arith.constant 0 : i32
    %dma_wait3A_529 = tpu.memref_slice %arg4[%add3A_509, %dma_wait3A_528] : memref<100000x128xf32, #tpu.memory_space<hbm>> -> memref<128x128xf32, #tpu.memory_space<hbm>>
    %dma_wait3A_530 = arith.constant 0 : i32
    %dma_wait3A_531 = tpu.memref_slice %arg4[%add3A_509, %dma_wait3A_530] : memref<100000x128xf32, #tpu.memory_space<hbm>> -> memref<128x128xf32, #tpu.memory_space<hbm>>
    %dma_wait3A_532 = arith.constant 0 : i32
    %dma_wait3A_533 = arith.constant 0 : i32
    %dma_wait3A_534 = tpu.memref_slice %arg6[%dma_wait3A_523, %dma_wait3A_532, %dma_wait3A_533] : memref<6x128x128xf32, #tpu.memory_space<vmem>> -> memref<1x128x128xf32, #tpu.memory_space<vmem>>
    %dma_wait3A_535 = tpu.memref_squeeze %dma_wait3A_534 : memref<1x128x128xf32, #tpu.memory_space<vmem>> -> memref<128x128xf32, #tpu.memory_space<vmem>>
    tpu.wait_dma2 semaphore(%arg17 : memref<!tpu.dma_semaphore, #tpu.memory_space<semaphore_mem>>) src(%dma_wait3A_535 : memref<128x128xf32, #tpu.memory_space<vmem>>) dst(%dma_wait3A_531 : memref<128x128xf32, #tpu.memory_space<hbm>>)
    %dma_start3A_536 = arith.constant 3 : i32
    %dma_start3A_537 = arith.constant 0 : i32
    %dma_start3A_538 = arith.constant 0 : i32
    %dma_start3A_539 = tpu.memref_slice %arg6[%dma_start3A_536, %dma_start3A_537, %dma_start3A_538] : memref<6x128x128xf32, #tpu.memory_space<vmem>> -> memref<1x128x128xf32, #tpu.memory_space<vmem>>
    %dma_start3A_540 = tpu.memref_squeeze %dma_start3A_539 : memref<1x128x128xf32, #tpu.memory_space<vmem>> -> memref<128x128xf32, #tpu.memory_space<vmem>>
    %dma_start3A_541 = arith.constant 1920 : i32
    %dma_start3A_542 = tpu.memref_slice %arg5[%dma_start3A_541] : memref<3128xi32, #tpu.memory_space<vmem>> -> memref<128xi32, #tpu.memory_space<vmem>>
    %dma_start3A_543 = arith.constant 0 : i32
    %dma_start3A_544 = arith.constant 0 : i32
    %dma_start3A_545 = tpu.memref_slice %arg3[%dma_start3A_543, %dma_start3A_544] : memref<100000x128xf32, #tpu.memory_space<hbm>> -> memref<100000x128xf32, #tpu.memory_space<hbm>>
    tpu.enqueue_indirect_dma source(%dma_start3A_545 : memref<100000x128xf32, #tpu.memory_space<hbm>>) target(%dma_start3A_540 : memref<128x128xf32, #tpu.memory_space<vmem>>) offsets(%dma_start3A_542 : memref<128xi32, #tpu.memory_space<vmem>>) semaphore(%arg11 : memref<!tpu.dma_semaphore, #tpu.memory_space<semaphore_mem>>)
    %dma_wait3A_546 = arith.constant 4 : i32
    %dma_wait3A_547 = arith.constant 0 : i32
    %dma_wait3A_548 = arith.constant 0 : i32
    %dma_wait3A_549 = tpu.memref_slice %arg6[%dma_wait3A_546, %dma_wait3A_547, %dma_wait3A_548] : memref<6x128x128xf32, #tpu.memory_space<vmem>> -> memref<1x128x128xf32, #tpu.memory_space<vmem>>
    %dma_wait3A_550 = tpu.memref_squeeze %dma_wait3A_549 : memref<1x128x128xf32, #tpu.memory_space<vmem>> -> memref<128x128xf32, #tpu.memory_space<vmem>>
    %dma_wait3A_551 = arith.constant 1280 : i32
    %dma_wait3A_552 = tpu.memref_slice %arg5[%dma_wait3A_551] : memref<3128xi32, #tpu.memory_space<vmem>> -> memref<128xi32, #tpu.memory_space<vmem>>
    %dma_wait3A_553 = arith.constant 0 : i32
    %dma_wait3A_554 = arith.constant 0 : i32
    %dma_wait3A_555 = tpu.memref_slice %arg3[%dma_wait3A_553, %dma_wait3A_554] : memref<100000x128xf32, #tpu.memory_space<hbm>> -> memref<100000x128xf32, #tpu.memory_space<hbm>>
    tpu.wait_indirect_dma semaphore(%arg12 : memref<!tpu.dma_semaphore, #tpu.memory_space<semaphore_mem>>) src(%dma_wait3A_555 : memref<100000x128xf32, #tpu.memory_space<hbm>>) dst(%dma_wait3A_550 : memref<128x128xf32, #tpu.memory_space<vmem>>)
    %add3A_556 = arith.constant 1280 : i32
    %add3A_557 = arith.addi %select_n3A, %add3A_556 : i32
    %dma_start3A_558 = arith.constant 4 : i32
    %dma_start3A_559 = arith.constant 0 : i32
    %dma_start3A_560 = arith.constant 0 : i32
    %dma_start3A_561 = tpu.memref_slice %arg6[%dma_start3A_558, %dma_start3A_559, %dma_start3A_560] : memref<6x128x128xf32, #tpu.memory_space<vmem>> -> memref<1x128x128xf32, #tpu.memory_space<vmem>>
    %dma_start3A_562 = tpu.memref_squeeze %dma_start3A_561 : memref<1x128x128xf32, #tpu.memory_space<vmem>> -> memref<128x128xf32, #tpu.memory_space<vmem>>
    %dma_start3A_563 = arith.constant 0 : i32
    %dma_start3A_564 = tpu.memref_slice %arg4[%add3A_557, %dma_start3A_563] : memref<100000x128xf32, #tpu.memory_space<hbm>> -> memref<128x128xf32, #tpu.memory_space<hbm>>
    %dma_start3A_565 = arith.constant 0 : i32
    %dma_start3A_566 = tpu.memref_slice %arg4[%add3A_557, %dma_start3A_565] : memref<100000x128xf32, #tpu.memory_space<hbm>> -> memref<128x128xf32, #tpu.memory_space<hbm>>
    %dma_start3A_567 = arith.constant 0 : i32
    %dma_start3A_568 = arith.constant 0 : i32
    %dma_start3A_569 = tpu.memref_slice %arg6[%dma_start3A_558, %dma_start3A_567, %dma_start3A_568] : memref<6x128x128xf32, #tpu.memory_space<vmem>> -> memref<1x128x128xf32, #tpu.memory_space<vmem>>
    %dma_start3A_570 = tpu.memref_squeeze %dma_start3A_569 : memref<1x128x128xf32, #tpu.memory_space<vmem>> -> memref<128x128xf32, #tpu.memory_space<vmem>>
    tpu.enqueue_dma source(%dma_start3A_570 : memref<128x128xf32, #tpu.memory_space<vmem>>) target(%dma_start3A_566 : memref<128x128xf32, #tpu.memory_space<hbm>>) target_semaphore(%arg18 : memref<!tpu.dma_semaphore, #tpu.memory_space<semaphore_mem>>)
    %dma_wait3A_571 = arith.constant 4 : i32
    %dma_wait3A_572 = arith.constant 0 : i32
    %dma_wait3A_573 = arith.constant 0 : i32
    %dma_wait3A_574 = tpu.memref_slice %arg6[%dma_wait3A_571, %dma_wait3A_572, %dma_wait3A_573] : memref<6x128x128xf32, #tpu.memory_space<vmem>> -> memref<1x128x128xf32, #tpu.memory_space<vmem>>
    %dma_wait3A_575 = tpu.memref_squeeze %dma_wait3A_574 : memref<1x128x128xf32, #tpu.memory_space<vmem>> -> memref<128x128xf32, #tpu.memory_space<vmem>>
    %dma_wait3A_576 = arith.constant 0 : i32
    %dma_wait3A_577 = tpu.memref_slice %arg4[%add3A_557, %dma_wait3A_576] : memref<100000x128xf32, #tpu.memory_space<hbm>> -> memref<128x128xf32, #tpu.memory_space<hbm>>
    %dma_wait3A_578 = arith.constant 0 : i32
    %dma_wait3A_579 = tpu.memref_slice %arg4[%add3A_557, %dma_wait3A_578] : memref<100000x128xf32, #tpu.memory_space<hbm>> -> memref<128x128xf32, #tpu.memory_space<hbm>>
    %dma_wait3A_580 = arith.constant 0 : i32
    %dma_wait3A_581 = arith.constant 0 : i32
    %dma_wait3A_582 = tpu.memref_slice %arg6[%dma_wait3A_571, %dma_wait3A_580, %dma_wait3A_581] : memref<6x128x128xf32, #tpu.memory_space<vmem>> -> memref<1x128x128xf32, #tpu.memory_space<vmem>>
    %dma_wait3A_583 = tpu.memref_squeeze %dma_wait3A_582 : memref<1x128x128xf32, #tpu.memory_space<vmem>> -> memref<128x128xf32, #tpu.memory_space<vmem>>
    tpu.wait_dma2 semaphore(%arg18 : memref<!tpu.dma_semaphore, #tpu.memory_space<semaphore_mem>>) src(%dma_wait3A_583 : memref<128x128xf32, #tpu.memory_space<vmem>>) dst(%dma_wait3A_579 : memref<128x128xf32, #tpu.memory_space<hbm>>)
    %dma_start3A_584 = arith.constant 4 : i32
    %dma_start3A_585 = arith.constant 0 : i32
    %dma_start3A_586 = arith.constant 0 : i32
    %dma_start3A_587 = tpu.memref_slice %arg6[%dma_start3A_584, %dma_start3A_585, %dma_start3A_586] : memref<6x128x128xf32, #tpu.memory_space<vmem>> -> memref<1x128x128xf32, #tpu.memory_space<vmem>>
    %dma_start3A_588 = tpu.memref_squeeze %dma_start3A_587 : memref<1x128x128xf32, #tpu.memory_space<vmem>> -> memref<128x128xf32, #tpu.memory_space<vmem>>
    %dma_start3A_589 = arith.constant 2048 : i32
    %dma_start3A_590 = tpu.memref_slice %arg5[%dma_start3A_589] : memref<3128xi32, #tpu.memory_space<vmem>> -> memref<128xi32, #tpu.memory_space<vmem>>
    %dma_start3A_591 = arith.constant 0 : i32
    %dma_start3A_592 = arith.constant 0 : i32
    %dma_start3A_593 = tpu.memref_slice %arg3[%dma_start3A_591, %dma_start3A_592] : memref<100000x128xf32, #tpu.memory_space<hbm>> -> memref<100000x128xf32, #tpu.memory_space<hbm>>
    tpu.enqueue_indirect_dma source(%dma_start3A_593 : memref<100000x128xf32, #tpu.memory_space<hbm>>) target(%dma_start3A_588 : memref<128x128xf32, #tpu.memory_space<vmem>>) offsets(%dma_start3A_590 : memref<128xi32, #tpu.memory_space<vmem>>) semaphore(%arg12 : memref<!tpu.dma_semaphore, #tpu.memory_space<semaphore_mem>>)
    %dma_wait3A_594 = arith.constant 5 : i32
    %dma_wait3A_595 = arith.constant 0 : i32
    %dma_wait3A_596 = arith.constant 0 : i32
    %dma_wait3A_597 = tpu.memref_slice %arg6[%dma_wait3A_594, %dma_wait3A_595, %dma_wait3A_596] : memref<6x128x128xf32, #tpu.memory_space<vmem>> -> memref<1x128x128xf32, #tpu.memory_space<vmem>>
    %dma_wait3A_598 = tpu.memref_squeeze %dma_wait3A_597 : memref<1x128x128xf32, #tpu.memory_space<vmem>> -> memref<128x128xf32, #tpu.memory_space<vmem>>
    %dma_wait3A_599 = arith.constant 1408 : i32
    %dma_wait3A_600 = tpu.memref_slice %arg5[%dma_wait3A_599] : memref<3128xi32, #tpu.memory_space<vmem>> -> memref<128xi32, #tpu.memory_space<vmem>>
    %dma_wait3A_601 = arith.constant 0 : i32
    %dma_wait3A_602 = arith.constant 0 : i32
    %dma_wait3A_603 = tpu.memref_slice %arg3[%dma_wait3A_601, %dma_wait3A_602] : memref<100000x128xf32, #tpu.memory_space<hbm>> -> memref<100000x128xf32, #tpu.memory_space<hbm>>
    tpu.wait_indirect_dma semaphore(%arg13 : memref<!tpu.dma_semaphore, #tpu.memory_space<semaphore_mem>>) src(%dma_wait3A_603 : memref<100000x128xf32, #tpu.memory_space<hbm>>) dst(%dma_wait3A_598 : memref<128x128xf32, #tpu.memory_space<vmem>>)
    %add3A_604 = arith.constant 1408 : i32
    %add3A_605 = arith.addi %select_n3A, %add3A_604 : i32
    %dma_start3A_606 = arith.constant 5 : i32
    %dma_start3A_607 = arith.constant 0 : i32
    %dma_start3A_608 = arith.constant 0 : i32
    %dma_start3A_609 = tpu.memref_slice %arg6[%dma_start3A_606, %dma_start3A_607, %dma_start3A_608] : memref<6x128x128xf32, #tpu.memory_space<vmem>> -> memref<1x128x128xf32, #tpu.memory_space<vmem>>
    %dma_start3A_610 = tpu.memref_squeeze %dma_start3A_609 : memref<1x128x128xf32, #tpu.memory_space<vmem>> -> memref<128x128xf32, #tpu.memory_space<vmem>>
    %dma_start3A_611 = arith.constant 0 : i32
    %dma_start3A_612 = tpu.memref_slice %arg4[%add3A_605, %dma_start3A_611] : memref<100000x128xf32, #tpu.memory_space<hbm>> -> memref<128x128xf32, #tpu.memory_space<hbm>>
    %dma_start3A_613 = arith.constant 0 : i32
    %dma_start3A_614 = tpu.memref_slice %arg4[%add3A_605, %dma_start3A_613] : memref<100000x128xf32, #tpu.memory_space<hbm>> -> memref<128x128xf32, #tpu.memory_space<hbm>>
    %dma_start3A_615 = arith.constant 0 : i32
    %dma_start3A_616 = arith.constant 0 : i32
    %dma_start3A_617 = tpu.memref_slice %arg6[%dma_start3A_606, %dma_start3A_615, %dma_start3A_616] : memref<6x128x128xf32, #tpu.memory_space<vmem>> -> memref<1x128x128xf32, #tpu.memory_space<vmem>>
    %dma_start3A_618 = tpu.memref_squeeze %dma_start3A_617 : memref<1x128x128xf32, #tpu.memory_space<vmem>> -> memref<128x128xf32, #tpu.memory_space<vmem>>
    tpu.enqueue_dma source(%dma_start3A_618 : memref<128x128xf32, #tpu.memory_space<vmem>>) target(%dma_start3A_614 : memref<128x128xf32, #tpu.memory_space<hbm>>) target_semaphore(%arg19 : memref<!tpu.dma_semaphore, #tpu.memory_space<semaphore_mem>>)
    %dma_wait3A_619 = arith.constant 5 : i32
    %dma_wait3A_620 = arith.constant 0 : i32
    %dma_wait3A_621 = arith.constant 0 : i32
    %dma_wait3A_622 = tpu.memref_slice %arg6[%dma_wait3A_619, %dma_wait3A_620, %dma_wait3A_621] : memref<6x128x128xf32, #tpu.memory_space<vmem>> -> memref<1x128x128xf32, #tpu.memory_space<vmem>>
    %dma_wait3A_623 = tpu.memref_squeeze %dma_wait3A_622 : memref<1x128x128xf32, #tpu.memory_space<vmem>> -> memref<128x128xf32, #tpu.memory_space<vmem>>
    %dma_wait3A_624 = arith.constant 0 : i32
    %dma_wait3A_625 = tpu.memref_slice %arg4[%add3A_605, %dma_wait3A_624] : memref<100000x128xf32, #tpu.memory_space<hbm>> -> memref<128x128xf32, #tpu.memory_space<hbm>>
    %dma_wait3A_626 = arith.constant 0 : i32
    %dma_wait3A_627 = tpu.memref_slice %arg4[%add3A_605, %dma_wait3A_626] : memref<100000x128xf32, #tpu.memory_space<hbm>> -> memref<128x128xf32, #tpu.memory_space<hbm>>
    %dma_wait3A_628 = arith.constant 0 : i32
    %dma_wait3A_629 = arith.constant 0 : i32
    %dma_wait3A_630 = tpu.memref_slice %arg6[%dma_wait3A_619, %dma_wait3A_628, %dma_wait3A_629] : memref<6x128x128xf32, #tpu.memory_space<vmem>> -> memref<1x128x128xf32, #tpu.memory_space<vmem>>
    %dma_wait3A_631 = tpu.memref_squeeze %dma_wait3A_630 : memref<1x128x128xf32, #tpu.memory_space<vmem>> -> memref<128x128xf32, #tpu.memory_space<vmem>>
    tpu.wait_dma2 semaphore(%arg19 : memref<!tpu.dma_semaphore, #tpu.memory_space<semaphore_mem>>) src(%dma_wait3A_631 : memref<128x128xf32, #tpu.memory_space<vmem>>) dst(%dma_wait3A_627 : memref<128x128xf32, #tpu.memory_space<hbm>>)
    %dma_start3A_632 = arith.constant 5 : i32
    %dma_start3A_633 = arith.constant 0 : i32
    %dma_start3A_634 = arith.constant 0 : i32
    %dma_start3A_635 = tpu.memref_slice %arg6[%dma_start3A_632, %dma_start3A_633, %dma_start3A_634] : memref<6x128x128xf32, #tpu.memory_space<vmem>> -> memref<1x128x128xf32, #tpu.memory_space<vmem>>
    %dma_start3A_636 = tpu.memref_squeeze %dma_start3A_635 : memref<1x128x128xf32, #tpu.memory_space<vmem>> -> memref<128x128xf32, #tpu.memory_space<vmem>>
    %dma_start3A_637 = arith.constant 2176 : i32
    %dma_start3A_638 = tpu.memref_slice %arg5[%dma_start3A_637] : memref<3128xi32, #tpu.memory_space<vmem>> -> memref<128xi32, #tpu.memory_space<vmem>>
    %dma_start3A_639 = arith.constant 0 : i32
    %dma_start3A_640 = arith.constant 0 : i32
    %dma_start3A_641 = tpu.memref_slice %arg3[%dma_start3A_639, %dma_start3A_640] : memref<100000x128xf32, #tpu.memory_space<hbm>> -> memref<100000x128xf32, #tpu.memory_space<hbm>>
    tpu.enqueue_indirect_dma source(%dma_start3A_641 : memref<100000x128xf32, #tpu.memory_space<hbm>>) target(%dma_start3A_636 : memref<128x128xf32, #tpu.memory_space<vmem>>) offsets(%dma_start3A_638 : memref<128xi32, #tpu.memory_space<vmem>>) semaphore(%arg13 : memref<!tpu.dma_semaphore, #tpu.memory_space<semaphore_mem>>)
    %dma_wait3A_642 = arith.constant 0 : i32
    %dma_wait3A_643 = arith.constant 0 : i32
    %dma_wait3A_644 = arith.constant 0 : i32
    %dma_wait3A_645 = tpu.memref_slice %arg6[%dma_wait3A_642, %dma_wait3A_643, %dma_wait3A_644] : memref<6x128x128xf32, #tpu.memory_space<vmem>> -> memref<1x128x128xf32, #tpu.memory_space<vmem>>
    %dma_wait3A_646 = tpu.memref_squeeze %dma_wait3A_645 : memref<1x128x128xf32, #tpu.memory_space<vmem>> -> memref<128x128xf32, #tpu.memory_space<vmem>>
    %dma_wait3A_647 = arith.constant 1536 : i32
    %dma_wait3A_648 = tpu.memref_slice %arg5[%dma_wait3A_647] : memref<3128xi32, #tpu.memory_space<vmem>> -> memref<128xi32, #tpu.memory_space<vmem>>
    %dma_wait3A_649 = arith.constant 0 : i32
    %dma_wait3A_650 = arith.constant 0 : i32
    %dma_wait3A_651 = tpu.memref_slice %arg3[%dma_wait3A_649, %dma_wait3A_650] : memref<100000x128xf32, #tpu.memory_space<hbm>> -> memref<100000x128xf32, #tpu.memory_space<hbm>>
    tpu.wait_indirect_dma semaphore(%arg8 : memref<!tpu.dma_semaphore, #tpu.memory_space<semaphore_mem>>) src(%dma_wait3A_651 : memref<100000x128xf32, #tpu.memory_space<hbm>>) dst(%dma_wait3A_646 : memref<128x128xf32, #tpu.memory_space<vmem>>)
    %add3A_652 = arith.constant 1536 : i32
    %add3A_653 = arith.addi %select_n3A, %add3A_652 : i32
    %dma_start3A_654 = arith.constant 0 : i32
    %dma_start3A_655 = arith.constant 0 : i32
    %dma_start3A_656 = arith.constant 0 : i32
    %dma_start3A_657 = tpu.memref_slice %arg6[%dma_start3A_654, %dma_start3A_655, %dma_start3A_656] : memref<6x128x128xf32, #tpu.memory_space<vmem>> -> memref<1x128x128xf32, #tpu.memory_space<vmem>>
    %dma_start3A_658 = tpu.memref_squeeze %dma_start3A_657 : memref<1x128x128xf32, #tpu.memory_space<vmem>> -> memref<128x128xf32, #tpu.memory_space<vmem>>
    %dma_start3A_659 = arith.constant 0 : i32
    %dma_start3A_660 = tpu.memref_slice %arg4[%add3A_653, %dma_start3A_659] : memref<100000x128xf32, #tpu.memory_space<hbm>> -> memref<128x128xf32, #tpu.memory_space<hbm>>
    %dma_start3A_661 = arith.constant 0 : i32
    %dma_start3A_662 = tpu.memref_slice %arg4[%add3A_653, %dma_start3A_661] : memref<100000x128xf32, #tpu.memory_space<hbm>> -> memref<128x128xf32, #tpu.memory_space<hbm>>
    %dma_start3A_663 = arith.constant 0 : i32
    %dma_start3A_664 = arith.constant 0 : i32
    %dma_start3A_665 = tpu.memref_slice %arg6[%dma_start3A_654, %dma_start3A_663, %dma_start3A_664] : memref<6x128x128xf32, #tpu.memory_space<vmem>> -> memref<1x128x128xf32, #tpu.memory_space<vmem>>
    %dma_start3A_666 = tpu.memref_squeeze %dma_start3A_665 : memref<1x128x128xf32, #tpu.memory_space<vmem>> -> memref<128x128xf32, #tpu.memory_space<vmem>>
    tpu.enqueue_dma source(%dma_start3A_666 : memref<128x128xf32, #tpu.memory_space<vmem>>) target(%dma_start3A_662 : memref<128x128xf32, #tpu.memory_space<hbm>>) target_semaphore(%arg14 : memref<!tpu.dma_semaphore, #tpu.memory_space<semaphore_mem>>)
    %dma_wait3A_667 = arith.constant 0 : i32
    %dma_wait3A_668 = arith.constant 0 : i32
    %dma_wait3A_669 = arith.constant 0 : i32
    %dma_wait3A_670 = tpu.memref_slice %arg6[%dma_wait3A_667, %dma_wait3A_668, %dma_wait3A_669] : memref<6x128x128xf32, #tpu.memory_space<vmem>> -> memref<1x128x128xf32, #tpu.memory_space<vmem>>
    %dma_wait3A_671 = tpu.memref_squeeze %dma_wait3A_670 : memref<1x128x128xf32, #tpu.memory_space<vmem>> -> memref<128x128xf32, #tpu.memory_space<vmem>>
    %dma_wait3A_672 = arith.constant 0 : i32
    %dma_wait3A_673 = tpu.memref_slice %arg4[%add3A_653, %dma_wait3A_672] : memref<100000x128xf32, #tpu.memory_space<hbm>> -> memref<128x128xf32, #tpu.memory_space<hbm>>
    %dma_wait3A_674 = arith.constant 0 : i32
    %dma_wait3A_675 = tpu.memref_slice %arg4[%add3A_653, %dma_wait3A_674] : memref<100000x128xf32, #tpu.memory_space<hbm>> -> memref<128x128xf32, #tpu.memory_space<hbm>>
    %dma_wait3A_676 = arith.constant 0 : i32
    %dma_wait3A_677 = arith.constant 0 : i32
    %dma_wait3A_678 = tpu.memref_slice %arg6[%dma_wait3A_667, %dma_wait3A_676, %dma_wait3A_677] : memref<6x128x128xf32, #tpu.memory_space<vmem>> -> memref<1x128x128xf32, #tpu.memory_space<vmem>>
    %dma_wait3A_679 = tpu.memref_squeeze %dma_wait3A_678 : memref<1x128x128xf32, #tpu.memory_space<vmem>> -> memref<128x128xf32, #tpu.memory_space<vmem>>
    tpu.wait_dma2 semaphore(%arg14 : memref<!tpu.dma_semaphore, #tpu.memory_space<semaphore_mem>>) src(%dma_wait3A_679 : memref<128x128xf32, #tpu.memory_space<vmem>>) dst(%dma_wait3A_675 : memref<128x128xf32, #tpu.memory_space<hbm>>)
    %dma_start3A_680 = arith.constant 0 : i32
    %dma_start3A_681 = arith.constant 0 : i32
    %dma_start3A_682 = arith.constant 0 : i32
    %dma_start3A_683 = tpu.memref_slice %arg6[%dma_start3A_680, %dma_start3A_681, %dma_start3A_682] : memref<6x128x128xf32, #tpu.memory_space<vmem>> -> memref<1x128x128xf32, #tpu.memory_space<vmem>>
    %dma_start3A_684 = tpu.memref_squeeze %dma_start3A_683 : memref<1x128x128xf32, #tpu.memory_space<vmem>> -> memref<128x128xf32, #tpu.memory_space<vmem>>
    %dma_start3A_685 = arith.constant 2304 : i32
    %dma_start3A_686 = tpu.memref_slice %arg5[%dma_start3A_685] : memref<3128xi32, #tpu.memory_space<vmem>> -> memref<128xi32, #tpu.memory_space<vmem>>
    %dma_start3A_687 = arith.constant 0 : i32
    %dma_start3A_688 = arith.constant 0 : i32
    %dma_start3A_689 = tpu.memref_slice %arg3[%dma_start3A_687, %dma_start3A_688] : memref<100000x128xf32, #tpu.memory_space<hbm>> -> memref<100000x128xf32, #tpu.memory_space<hbm>>
    tpu.enqueue_indirect_dma source(%dma_start3A_689 : memref<100000x128xf32, #tpu.memory_space<hbm>>) target(%dma_start3A_684 : memref<128x128xf32, #tpu.memory_space<vmem>>) offsets(%dma_start3A_686 : memref<128xi32, #tpu.memory_space<vmem>>) semaphore(%arg8 : memref<!tpu.dma_semaphore, #tpu.memory_space<semaphore_mem>>)
    %dma_wait3A_690 = arith.constant 1 : i32
    %dma_wait3A_691 = arith.constant 0 : i32
    %dma_wait3A_692 = arith.constant 0 : i32
    %dma_wait3A_693 = tpu.memref_slice %arg6[%dma_wait3A_690, %dma_wait3A_691, %dma_wait3A_692] : memref<6x128x128xf32, #tpu.memory_space<vmem>> -> memref<1x128x128xf32, #tpu.memory_space<vmem>>
    %dma_wait3A_694 = tpu.memref_squeeze %dma_wait3A_693 : memref<1x128x128xf32, #tpu.memory_space<vmem>> -> memref<128x128xf32, #tpu.memory_space<vmem>>
    %dma_wait3A_695 = arith.constant 1664 : i32
    %dma_wait3A_696 = tpu.memref_slice %arg5[%dma_wait3A_695] : memref<3128xi32, #tpu.memory_space<vmem>> -> memref<128xi32, #tpu.memory_space<vmem>>
    %dma_wait3A_697 = arith.constant 0 : i32
    %dma_wait3A_698 = arith.constant 0 : i32
    %dma_wait3A_699 = tpu.memref_slice %arg3[%dma_wait3A_697, %dma_wait3A_698] : memref<100000x128xf32, #tpu.memory_space<hbm>> -> memref<100000x128xf32, #tpu.memory_space<hbm>>
    tpu.wait_indirect_dma semaphore(%arg9 : memref<!tpu.dma_semaphore, #tpu.memory_space<semaphore_mem>>) src(%dma_wait3A_699 : memref<100000x128xf32, #tpu.memory_space<hbm>>) dst(%dma_wait3A_694 : memref<128x128xf32, #tpu.memory_space<vmem>>)
    %add3A_700 = arith.constant 1664 : i32
    %add3A_701 = arith.addi %select_n3A, %add3A_700 : i32
    %dma_start3A_702 = arith.constant 1 : i32
    %dma_start3A_703 = arith.constant 0 : i32
    %dma_start3A_704 = arith.constant 0 : i32
    %dma_start3A_705 = tpu.memref_slice %arg6[%dma_start3A_702, %dma_start3A_703, %dma_start3A_704] : memref<6x128x128xf32, #tpu.memory_space<vmem>> -> memref<1x128x128xf32, #tpu.memory_space<vmem>>
    %dma_start3A_706 = tpu.memref_squeeze %dma_start3A_705 : memref<1x128x128xf32, #tpu.memory_space<vmem>> -> memref<128x128xf32, #tpu.memory_space<vmem>>
    %dma_start3A_707 = arith.constant 0 : i32
    %dma_start3A_708 = tpu.memref_slice %arg4[%add3A_701, %dma_start3A_707] : memref<100000x128xf32, #tpu.memory_space<hbm>> -> memref<128x128xf32, #tpu.memory_space<hbm>>
    %dma_start3A_709 = arith.constant 0 : i32
    %dma_start3A_710 = tpu.memref_slice %arg4[%add3A_701, %dma_start3A_709] : memref<100000x128xf32, #tpu.memory_space<hbm>> -> memref<128x128xf32, #tpu.memory_space<hbm>>
    %dma_start3A_711 = arith.constant 0 : i32
    %dma_start3A_712 = arith.constant 0 : i32
    %dma_start3A_713 = tpu.memref_slice %arg6[%dma_start3A_702, %dma_start3A_711, %dma_start3A_712] : memref<6x128x128xf32, #tpu.memory_space<vmem>> -> memref<1x128x128xf32, #tpu.memory_space<vmem>>
    %dma_start3A_714 = tpu.memref_squeeze %dma_start3A_713 : memref<1x128x128xf32, #tpu.memory_space<vmem>> -> memref<128x128xf32, #tpu.memory_space<vmem>>
    tpu.enqueue_dma source(%dma_start3A_714 : memref<128x128xf32, #tpu.memory_space<vmem>>) target(%dma_start3A_710 : memref<128x128xf32, #tpu.memory_space<hbm>>) target_semaphore(%arg15 : memref<!tpu.dma_semaphore, #tpu.memory_space<semaphore_mem>>)
    %dma_wait3A_715 = arith.constant 1 : i32
    %dma_wait3A_716 = arith.constant 0 : i32
    %dma_wait3A_717 = arith.constant 0 : i32
    %dma_wait3A_718 = tpu.memref_slice %arg6[%dma_wait3A_715, %dma_wait3A_716, %dma_wait3A_717] : memref<6x128x128xf32, #tpu.memory_space<vmem>> -> memref<1x128x128xf32, #tpu.memory_space<vmem>>
    %dma_wait3A_719 = tpu.memref_squeeze %dma_wait3A_718 : memref<1x128x128xf32, #tpu.memory_space<vmem>> -> memref<128x128xf32, #tpu.memory_space<vmem>>
    %dma_wait3A_720 = arith.constant 0 : i32
    %dma_wait3A_721 = tpu.memref_slice %arg4[%add3A_701, %dma_wait3A_720] : memref<100000x128xf32, #tpu.memory_space<hbm>> -> memref<128x128xf32, #tpu.memory_space<hbm>>
    %dma_wait3A_722 = arith.constant 0 : i32
    %dma_wait3A_723 = tpu.memref_slice %arg4[%add3A_701, %dma_wait3A_722] : memref<100000x128xf32, #tpu.memory_space<hbm>> -> memref<128x128xf32, #tpu.memory_space<hbm>>
    %dma_wait3A_724 = arith.constant 0 : i32
    %dma_wait3A_725 = arith.constant 0 : i32
    %dma_wait3A_726 = tpu.memref_slice %arg6[%dma_wait3A_715, %dma_wait3A_724, %dma_wait3A_725] : memref<6x128x128xf32, #tpu.memory_space<vmem>> -> memref<1x128x128xf32, #tpu.memory_space<vmem>>
    %dma_wait3A_727 = tpu.memref_squeeze %dma_wait3A_726 : memref<1x128x128xf32, #tpu.memory_space<vmem>> -> memref<128x128xf32, #tpu.memory_space<vmem>>
    tpu.wait_dma2 semaphore(%arg15 : memref<!tpu.dma_semaphore, #tpu.memory_space<semaphore_mem>>) src(%dma_wait3A_727 : memref<128x128xf32, #tpu.memory_space<vmem>>) dst(%dma_wait3A_723 : memref<128x128xf32, #tpu.memory_space<hbm>>)
    %dma_start3A_728 = arith.constant 1 : i32
    %dma_start3A_729 = arith.constant 0 : i32
    %dma_start3A_730 = arith.constant 0 : i32
    %dma_start3A_731 = tpu.memref_slice %arg6[%dma_start3A_728, %dma_start3A_729, %dma_start3A_730] : memref<6x128x128xf32, #tpu.memory_space<vmem>> -> memref<1x128x128xf32, #tpu.memory_space<vmem>>
    %dma_start3A_732 = tpu.memref_squeeze %dma_start3A_731 : memref<1x128x128xf32, #tpu.memory_space<vmem>> -> memref<128x128xf32, #tpu.memory_space<vmem>>
    %dma_start3A_733 = arith.constant 2432 : i32
    %dma_start3A_734 = tpu.memref_slice %arg5[%dma_start3A_733] : memref<3128xi32, #tpu.memory_space<vmem>> -> memref<128xi32, #tpu.memory_space<vmem>>
    %dma_start3A_735 = arith.constant 0 : i32
    %dma_start3A_736 = arith.constant 0 : i32
    %dma_start3A_737 = tpu.memref_slice %arg3[%dma_start3A_735, %dma_start3A_736] : memref<100000x128xf32, #tpu.memory_space<hbm>> -> memref<100000x128xf32, #tpu.memory_space<hbm>>
    tpu.enqueue_indirect_dma source(%dma_start3A_737 : memref<100000x128xf32, #tpu.memory_space<hbm>>) target(%dma_start3A_732 : memref<128x128xf32, #tpu.memory_space<vmem>>) offsets(%dma_start3A_734 : memref<128xi32, #tpu.memory_space<vmem>>) semaphore(%arg9 : memref<!tpu.dma_semaphore, #tpu.memory_space<semaphore_mem>>)
    %dma_wait3A_738 = arith.constant 2 : i32
    %dma_wait3A_739 = arith.constant 0 : i32
    %dma_wait3A_740 = arith.constant 0 : i32
    %dma_wait3A_741 = tpu.memref_slice %arg6[%dma_wait3A_738, %dma_wait3A_739, %dma_wait3A_740] : memref<6x128x128xf32, #tpu.memory_space<vmem>> -> memref<1x128x128xf32, #tpu.memory_space<vmem>>
    %dma_wait3A_742 = tpu.memref_squeeze %dma_wait3A_741 : memref<1x128x128xf32, #tpu.memory_space<vmem>> -> memref<128x128xf32, #tpu.memory_space<vmem>>
    %dma_wait3A_743 = arith.constant 1792 : i32
    %dma_wait3A_744 = tpu.memref_slice %arg5[%dma_wait3A_743] : memref<3128xi32, #tpu.memory_space<vmem>> -> memref<128xi32, #tpu.memory_space<vmem>>
    %dma_wait3A_745 = arith.constant 0 : i32
    %dma_wait3A_746 = arith.constant 0 : i32
    %dma_wait3A_747 = tpu.memref_slice %arg3[%dma_wait3A_745, %dma_wait3A_746] : memref<100000x128xf32, #tpu.memory_space<hbm>> -> memref<100000x128xf32, #tpu.memory_space<hbm>>
    tpu.wait_indirect_dma semaphore(%arg10 : memref<!tpu.dma_semaphore, #tpu.memory_space<semaphore_mem>>) src(%dma_wait3A_747 : memref<100000x128xf32, #tpu.memory_space<hbm>>) dst(%dma_wait3A_742 : memref<128x128xf32, #tpu.memory_space<vmem>>)
    %add3A_748 = arith.constant 1792 : i32
    %add3A_749 = arith.addi %select_n3A, %add3A_748 : i32
    %dma_start3A_750 = arith.constant 2 : i32
    %dma_start3A_751 = arith.constant 0 : i32
    %dma_start3A_752 = arith.constant 0 : i32
    %dma_start3A_753 = tpu.memref_slice %arg6[%dma_start3A_750, %dma_start3A_751, %dma_start3A_752] : memref<6x128x128xf32, #tpu.memory_space<vmem>> -> memref<1x128x128xf32, #tpu.memory_space<vmem>>
    %dma_start3A_754 = tpu.memref_squeeze %dma_start3A_753 : memref<1x128x128xf32, #tpu.memory_space<vmem>> -> memref<128x128xf32, #tpu.memory_space<vmem>>
    %dma_start3A_755 = arith.constant 0 : i32
    %dma_start3A_756 = tpu.memref_slice %arg4[%add3A_749, %dma_start3A_755] : memref<100000x128xf32, #tpu.memory_space<hbm>> -> memref<128x128xf32, #tpu.memory_space<hbm>>
    %dma_start3A_757 = arith.constant 0 : i32
    %dma_start3A_758 = tpu.memref_slice %arg4[%add3A_749, %dma_start3A_757] : memref<100000x128xf32, #tpu.memory_space<hbm>> -> memref<128x128xf32, #tpu.memory_space<hbm>>
    %dma_start3A_759 = arith.constant 0 : i32
    %dma_start3A_760 = arith.constant 0 : i32
    %dma_start3A_761 = tpu.memref_slice %arg6[%dma_start3A_750, %dma_start3A_759, %dma_start3A_760] : memref<6x128x128xf32, #tpu.memory_space<vmem>> -> memref<1x128x128xf32, #tpu.memory_space<vmem>>
    %dma_start3A_762 = tpu.memref_squeeze %dma_start3A_761 : memref<1x128x128xf32, #tpu.memory_space<vmem>> -> memref<128x128xf32, #tpu.memory_space<vmem>>
    tpu.enqueue_dma source(%dma_start3A_762 : memref<128x128xf32, #tpu.memory_space<vmem>>) target(%dma_start3A_758 : memref<128x128xf32, #tpu.memory_space<hbm>>) target_semaphore(%arg16 : memref<!tpu.dma_semaphore, #tpu.memory_space<semaphore_mem>>)
    %dma_wait3A_763 = arith.constant 2 : i32
    %dma_wait3A_764 = arith.constant 0 : i32
    %dma_wait3A_765 = arith.constant 0 : i32
    %dma_wait3A_766 = tpu.memref_slice %arg6[%dma_wait3A_763, %dma_wait3A_764, %dma_wait3A_765] : memref<6x128x128xf32, #tpu.memory_space<vmem>> -> memref<1x128x128xf32, #tpu.memory_space<vmem>>
    %dma_wait3A_767 = tpu.memref_squeeze %dma_wait3A_766 : memref<1x128x128xf32, #tpu.memory_space<vmem>> -> memref<128x128xf32, #tpu.memory_space<vmem>>
    %dma_wait3A_768 = arith.constant 0 : i32
    %dma_wait3A_769 = tpu.memref_slice %arg4[%add3A_749, %dma_wait3A_768] : memref<100000x128xf32, #tpu.memory_space<hbm>> -> memref<128x128xf32, #tpu.memory_space<hbm>>
    %dma_wait3A_770 = arith.constant 0 : i32
    %dma_wait3A_771 = tpu.memref_slice %arg4[%add3A_749, %dma_wait3A_770] : memref<100000x128xf32, #tpu.memory_space<hbm>> -> memref<128x128xf32, #tpu.memory_space<hbm>>
    %dma_wait3A_772 = arith.constant 0 : i32
    %dma_wait3A_773 = arith.constant 0 : i32
    %dma_wait3A_774 = tpu.memref_slice %arg6[%dma_wait3A_763, %dma_wait3A_772, %dma_wait3A_773] : memref<6x128x128xf32, #tpu.memory_space<vmem>> -> memref<1x128x128xf32, #tpu.memory_space<vmem>>
    %dma_wait3A_775 = tpu.memref_squeeze %dma_wait3A_774 : memref<1x128x128xf32, #tpu.memory_space<vmem>> -> memref<128x128xf32, #tpu.memory_space<vmem>>
    tpu.wait_dma2 semaphore(%arg16 : memref<!tpu.dma_semaphore, #tpu.memory_space<semaphore_mem>>) src(%dma_wait3A_775 : memref<128x128xf32, #tpu.memory_space<vmem>>) dst(%dma_wait3A_771 : memref<128x128xf32, #tpu.memory_space<hbm>>)
    %dma_start3A_776 = arith.constant 2 : i32
    %dma_start3A_777 = arith.constant 0 : i32
    %dma_start3A_778 = arith.constant 0 : i32
    %dma_start3A_779 = tpu.memref_slice %arg6[%dma_start3A_776, %dma_start3A_777, %dma_start3A_778] : memref<6x128x128xf32, #tpu.memory_space<vmem>> -> memref<1x128x128xf32, #tpu.memory_space<vmem>>
    %dma_start3A_780 = tpu.memref_squeeze %dma_start3A_779 : memref<1x128x128xf32, #tpu.memory_space<vmem>> -> memref<128x128xf32, #tpu.memory_space<vmem>>
    %dma_start3A_781 = arith.constant 2560 : i32
    %dma_start3A_782 = tpu.memref_slice %arg5[%dma_start3A_781] : memref<3128xi32, #tpu.memory_space<vmem>> -> memref<128xi32, #tpu.memory_space<vmem>>
    %dma_start3A_783 = arith.constant 0 : i32
    %dma_start3A_784 = arith.constant 0 : i32
    %dma_start3A_785 = tpu.memref_slice %arg3[%dma_start3A_783, %dma_start3A_784] : memref<100000x128xf32, #tpu.memory_space<hbm>> -> memref<100000x128xf32, #tpu.memory_space<hbm>>
    tpu.enqueue_indirect_dma source(%dma_start3A_785 : memref<100000x128xf32, #tpu.memory_space<hbm>>) target(%dma_start3A_780 : memref<128x128xf32, #tpu.memory_space<vmem>>) offsets(%dma_start3A_782 : memref<128xi32, #tpu.memory_space<vmem>>) semaphore(%arg10 : memref<!tpu.dma_semaphore, #tpu.memory_space<semaphore_mem>>)
    %dma_wait3A_786 = arith.constant 3 : i32
    %dma_wait3A_787 = arith.constant 0 : i32
    %dma_wait3A_788 = arith.constant 0 : i32
    %dma_wait3A_789 = tpu.memref_slice %arg6[%dma_wait3A_786, %dma_wait3A_787, %dma_wait3A_788] : memref<6x128x128xf32, #tpu.memory_space<vmem>> -> memref<1x128x128xf32, #tpu.memory_space<vmem>>
    %dma_wait3A_790 = tpu.memref_squeeze %dma_wait3A_789 : memref<1x128x128xf32, #tpu.memory_space<vmem>> -> memref<128x128xf32, #tpu.memory_space<vmem>>
    %dma_wait3A_791 = arith.constant 1920 : i32
    %dma_wait3A_792 = tpu.memref_slice %arg5[%dma_wait3A_791] : memref<3128xi32, #tpu.memory_space<vmem>> -> memref<128xi32, #tpu.memory_space<vmem>>
    %dma_wait3A_793 = arith.constant 0 : i32
    %dma_wait3A_794 = arith.constant 0 : i32
    %dma_wait3A_795 = tpu.memref_slice %arg3[%dma_wait3A_793, %dma_wait3A_794] : memref<100000x128xf32, #tpu.memory_space<hbm>> -> memref<100000x128xf32, #tpu.memory_space<hbm>>
    tpu.wait_indirect_dma semaphore(%arg11 : memref<!tpu.dma_semaphore, #tpu.memory_space<semaphore_mem>>) src(%dma_wait3A_795 : memref<100000x128xf32, #tpu.memory_space<hbm>>) dst(%dma_wait3A_790 : memref<128x128xf32, #tpu.memory_space<vmem>>)
    %add3A_796 = arith.constant 1920 : i32
    %add3A_797 = arith.addi %select_n3A, %add3A_796 : i32
    %dma_start3A_798 = arith.constant 3 : i32
    %dma_start3A_799 = arith.constant 0 : i32
    %dma_start3A_800 = arith.constant 0 : i32
    %dma_start3A_801 = tpu.memref_slice %arg6[%dma_start3A_798, %dma_start3A_799, %dma_start3A_800] : memref<6x128x128xf32, #tpu.memory_space<vmem>> -> memref<1x128x128xf32, #tpu.memory_space<vmem>>
    %dma_start3A_802 = tpu.memref_squeeze %dma_start3A_801 : memref<1x128x128xf32, #tpu.memory_space<vmem>> -> memref<128x128xf32, #tpu.memory_space<vmem>>
    %dma_start3A_803 = arith.constant 0 : i32
    %dma_start3A_804 = tpu.memref_slice %arg4[%add3A_797, %dma_start3A_803] : memref<100000x128xf32, #tpu.memory_space<hbm>> -> memref<128x128xf32, #tpu.memory_space<hbm>>
    %dma_start3A_805 = arith.constant 0 : i32
    %dma_start3A_806 = tpu.memref_slice %arg4[%add3A_797, %dma_start3A_805] : memref<100000x128xf32, #tpu.memory_space<hbm>> -> memref<128x128xf32, #tpu.memory_space<hbm>>
    %dma_start3A_807 = arith.constant 0 : i32
    %dma_start3A_808 = arith.constant 0 : i32
    %dma_start3A_809 = tpu.memref_slice %arg6[%dma_start3A_798, %dma_start3A_807, %dma_start3A_808] : memref<6x128x128xf32, #tpu.memory_space<vmem>> -> memref<1x128x128xf32, #tpu.memory_space<vmem>>
    %dma_start3A_810 = tpu.memref_squeeze %dma_start3A_809 : memref<1x128x128xf32, #tpu.memory_space<vmem>> -> memref<128x128xf32, #tpu.memory_space<vmem>>
    tpu.enqueue_dma source(%dma_start3A_810 : memref<128x128xf32, #tpu.memory_space<vmem>>) target(%dma_start3A_806 : memref<128x128xf32, #tpu.memory_space<hbm>>) target_semaphore(%arg17 : memref<!tpu.dma_semaphore, #tpu.memory_space<semaphore_mem>>)
    %dma_wait3A_811 = arith.constant 3 : i32
    %dma_wait3A_812 = arith.constant 0 : i32
    %dma_wait3A_813 = arith.constant 0 : i32
    %dma_wait3A_814 = tpu.memref_slice %arg6[%dma_wait3A_811, %dma_wait3A_812, %dma_wait3A_813] : memref<6x128x128xf32, #tpu.memory_space<vmem>> -> memref<1x128x128xf32, #tpu.memory_space<vmem>>
    %dma_wait3A_815 = tpu.memref_squeeze %dma_wait3A_814 : memref<1x128x128xf32, #tpu.memory_space<vmem>> -> memref<128x128xf32, #tpu.memory_space<vmem>>
    %dma_wait3A_816 = arith.constant 0 : i32
    %dma_wait3A_817 = tpu.memref_slice %arg4[%add3A_797, %dma_wait3A_816] : memref<100000x128xf32, #tpu.memory_space<hbm>> -> memref<128x128xf32, #tpu.memory_space<hbm>>
    %dma_wait3A_818 = arith.constant 0 : i32
    %dma_wait3A_819 = tpu.memref_slice %arg4[%add3A_797, %dma_wait3A_818] : memref<100000x128xf32, #tpu.memory_space<hbm>> -> memref<128x128xf32, #tpu.memory_space<hbm>>
    %dma_wait3A_820 = arith.constant 0 : i32
    %dma_wait3A_821 = arith.constant 0 : i32
    %dma_wait3A_822 = tpu.memref_slice %arg6[%dma_wait3A_811, %dma_wait3A_820, %dma_wait3A_821] : memref<6x128x128xf32, #tpu.memory_space<vmem>> -> memref<1x128x128xf32, #tpu.memory_space<vmem>>
    %dma_wait3A_823 = tpu.memref_squeeze %dma_wait3A_822 : memref<1x128x128xf32, #tpu.memory_space<vmem>> -> memref<128x128xf32, #tpu.memory_space<vmem>>
    tpu.wait_dma2 semaphore(%arg17 : memref<!tpu.dma_semaphore, #tpu.memory_space<semaphore_mem>>) src(%dma_wait3A_823 : memref<128x128xf32, #tpu.memory_space<vmem>>) dst(%dma_wait3A_819 : memref<128x128xf32, #tpu.memory_space<hbm>>)
    %dma_start3A_824 = arith.constant 3 : i32
    %dma_start3A_825 = arith.constant 0 : i32
    %dma_start3A_826 = arith.constant 0 : i32
    %dma_start3A_827 = tpu.memref_slice %arg6[%dma_start3A_824, %dma_start3A_825, %dma_start3A_826] : memref<6x128x128xf32, #tpu.memory_space<vmem>> -> memref<1x128x128xf32, #tpu.memory_space<vmem>>
    %dma_start3A_828 = tpu.memref_squeeze %dma_start3A_827 : memref<1x128x128xf32, #tpu.memory_space<vmem>> -> memref<128x128xf32, #tpu.memory_space<vmem>>
    %dma_start3A_829 = arith.constant 2688 : i32
    %dma_start3A_830 = tpu.memref_slice %arg5[%dma_start3A_829] : memref<3128xi32, #tpu.memory_space<vmem>> -> memref<128xi32, #tpu.memory_space<vmem>>
    %dma_start3A_831 = arith.constant 0 : i32
    %dma_start3A_832 = arith.constant 0 : i32
    %dma_start3A_833 = tpu.memref_slice %arg3[%dma_start3A_831, %dma_start3A_832] : memref<100000x128xf32, #tpu.memory_space<hbm>> -> memref<100000x128xf32, #tpu.memory_space<hbm>>
    tpu.enqueue_indirect_dma source(%dma_start3A_833 : memref<100000x128xf32, #tpu.memory_space<hbm>>) target(%dma_start3A_828 : memref<128x128xf32, #tpu.memory_space<vmem>>) offsets(%dma_start3A_830 : memref<128xi32, #tpu.memory_space<vmem>>) semaphore(%arg11 : memref<!tpu.dma_semaphore, #tpu.memory_space<semaphore_mem>>)
    %dma_wait3A_834 = arith.constant 4 : i32
    %dma_wait3A_835 = arith.constant 0 : i32
    %dma_wait3A_836 = arith.constant 0 : i32
    %dma_wait3A_837 = tpu.memref_slice %arg6[%dma_wait3A_834, %dma_wait3A_835, %dma_wait3A_836] : memref<6x128x128xf32, #tpu.memory_space<vmem>> -> memref<1x128x128xf32, #tpu.memory_space<vmem>>
    %dma_wait3A_838 = tpu.memref_squeeze %dma_wait3A_837 : memref<1x128x128xf32, #tpu.memory_space<vmem>> -> memref<128x128xf32, #tpu.memory_space<vmem>>
    %dma_wait3A_839 = arith.constant 2048 : i32
    %dma_wait3A_840 = tpu.memref_slice %arg5[%dma_wait3A_839] : memref<3128xi32, #tpu.memory_space<vmem>> -> memref<128xi32, #tpu.memory_space<vmem>>
    %dma_wait3A_841 = arith.constant 0 : i32
    %dma_wait3A_842 = arith.constant 0 : i32
    %dma_wait3A_843 = tpu.memref_slice %arg3[%dma_wait3A_841, %dma_wait3A_842] : memref<100000x128xf32, #tpu.memory_space<hbm>> -> memref<100000x128xf32, #tpu.memory_space<hbm>>
    tpu.wait_indirect_dma semaphore(%arg12 : memref<!tpu.dma_semaphore, #tpu.memory_space<semaphore_mem>>) src(%dma_wait3A_843 : memref<100000x128xf32, #tpu.memory_space<hbm>>) dst(%dma_wait3A_838 : memref<128x128xf32, #tpu.memory_space<vmem>>)
    %add3A_844 = arith.constant 2048 : i32
    %add3A_845 = arith.addi %select_n3A, %add3A_844 : i32
    %dma_start3A_846 = arith.constant 4 : i32
    %dma_start3A_847 = arith.constant 0 : i32
    %dma_start3A_848 = arith.constant 0 : i32
    %dma_start3A_849 = tpu.memref_slice %arg6[%dma_start3A_846, %dma_start3A_847, %dma_start3A_848] : memref<6x128x128xf32, #tpu.memory_space<vmem>> -> memref<1x128x128xf32, #tpu.memory_space<vmem>>
    %dma_start3A_850 = tpu.memref_squeeze %dma_start3A_849 : memref<1x128x128xf32, #tpu.memory_space<vmem>> -> memref<128x128xf32, #tpu.memory_space<vmem>>
    %dma_start3A_851 = arith.constant 0 : i32
    %dma_start3A_852 = tpu.memref_slice %arg4[%add3A_845, %dma_start3A_851] : memref<100000x128xf32, #tpu.memory_space<hbm>> -> memref<128x128xf32, #tpu.memory_space<hbm>>
    %dma_start3A_853 = arith.constant 0 : i32
    %dma_start3A_854 = tpu.memref_slice %arg4[%add3A_845, %dma_start3A_853] : memref<100000x128xf32, #tpu.memory_space<hbm>> -> memref<128x128xf32, #tpu.memory_space<hbm>>
    %dma_start3A_855 = arith.constant 0 : i32
    %dma_start3A_856 = arith.constant 0 : i32
    %dma_start3A_857 = tpu.memref_slice %arg6[%dma_start3A_846, %dma_start3A_855, %dma_start3A_856] : memref<6x128x128xf32, #tpu.memory_space<vmem>> -> memref<1x128x128xf32, #tpu.memory_space<vmem>>
    %dma_start3A_858 = tpu.memref_squeeze %dma_start3A_857 : memref<1x128x128xf32, #tpu.memory_space<vmem>> -> memref<128x128xf32, #tpu.memory_space<vmem>>
    tpu.enqueue_dma source(%dma_start3A_858 : memref<128x128xf32, #tpu.memory_space<vmem>>) target(%dma_start3A_854 : memref<128x128xf32, #tpu.memory_space<hbm>>) target_semaphore(%arg18 : memref<!tpu.dma_semaphore, #tpu.memory_space<semaphore_mem>>)
    %dma_wait3A_859 = arith.constant 4 : i32
    %dma_wait3A_860 = arith.constant 0 : i32
    %dma_wait3A_861 = arith.constant 0 : i32
    %dma_wait3A_862 = tpu.memref_slice %arg6[%dma_wait3A_859, %dma_wait3A_860, %dma_wait3A_861] : memref<6x128x128xf32, #tpu.memory_space<vmem>> -> memref<1x128x128xf32, #tpu.memory_space<vmem>>
    %dma_wait3A_863 = tpu.memref_squeeze %dma_wait3A_862 : memref<1x128x128xf32, #tpu.memory_space<vmem>> -> memref<128x128xf32, #tpu.memory_space<vmem>>
    %dma_wait3A_864 = arith.constant 0 : i32
    %dma_wait3A_865 = tpu.memref_slice %arg4[%add3A_845, %dma_wait3A_864] : memref<100000x128xf32, #tpu.memory_space<hbm>> -> memref<128x128xf32, #tpu.memory_space<hbm>>
    %dma_wait3A_866 = arith.constant 0 : i32
    %dma_wait3A_867 = tpu.memref_slice %arg4[%add3A_845, %dma_wait3A_866] : memref<100000x128xf32, #tpu.memory_space<hbm>> -> memref<128x128xf32, #tpu.memory_space<hbm>>
    %dma_wait3A_868 = arith.constant 0 : i32
    %dma_wait3A_869 = arith.constant 0 : i32
    %dma_wait3A_870 = tpu.memref_slice %arg6[%dma_wait3A_859, %dma_wait3A_868, %dma_wait3A_869] : memref<6x128x128xf32, #tpu.memory_space<vmem>> -> memref<1x128x128xf32, #tpu.memory_space<vmem>>
    %dma_wait3A_871 = tpu.memref_squeeze %dma_wait3A_870 : memref<1x128x128xf32, #tpu.memory_space<vmem>> -> memref<128x128xf32, #tpu.memory_space<vmem>>
    tpu.wait_dma2 semaphore(%arg18 : memref<!tpu.dma_semaphore, #tpu.memory_space<semaphore_mem>>) src(%dma_wait3A_871 : memref<128x128xf32, #tpu.memory_space<vmem>>) dst(%dma_wait3A_867 : memref<128x128xf32, #tpu.memory_space<hbm>>)
    %dma_start3A_872 = arith.constant 4 : i32
    %dma_start3A_873 = arith.constant 0 : i32
    %dma_start3A_874 = arith.constant 0 : i32
    %dma_start3A_875 = tpu.memref_slice %arg6[%dma_start3A_872, %dma_start3A_873, %dma_start3A_874] : memref<6x128x128xf32, #tpu.memory_space<vmem>> -> memref<1x128x128xf32, #tpu.memory_space<vmem>>
    %dma_start3A_876 = tpu.memref_squeeze %dma_start3A_875 : memref<1x128x128xf32, #tpu.memory_space<vmem>> -> memref<128x128xf32, #tpu.memory_space<vmem>>
    %dma_start3A_877 = arith.constant 2816 : i32
    %dma_start3A_878 = tpu.memref_slice %arg5[%dma_start3A_877] : memref<3128xi32, #tpu.memory_space<vmem>> -> memref<128xi32, #tpu.memory_space<vmem>>
    %dma_start3A_879 = arith.constant 0 : i32
    %dma_start3A_880 = arith.constant 0 : i32
    %dma_start3A_881 = tpu.memref_slice %arg3[%dma_start3A_879, %dma_start3A_880] : memref<100000x128xf32, #tpu.memory_space<hbm>> -> memref<100000x128xf32, #tpu.memory_space<hbm>>
    tpu.enqueue_indirect_dma source(%dma_start3A_881 : memref<100000x128xf32, #tpu.memory_space<hbm>>) target(%dma_start3A_876 : memref<128x128xf32, #tpu.memory_space<vmem>>) offsets(%dma_start3A_878 : memref<128xi32, #tpu.memory_space<vmem>>) semaphore(%arg12 : memref<!tpu.dma_semaphore, #tpu.memory_space<semaphore_mem>>)
    %dma_wait3A_882 = arith.constant 5 : i32
    %dma_wait3A_883 = arith.constant 0 : i32
    %dma_wait3A_884 = arith.constant 0 : i32
    %dma_wait3A_885 = tpu.memref_slice %arg6[%dma_wait3A_882, %dma_wait3A_883, %dma_wait3A_884] : memref<6x128x128xf32, #tpu.memory_space<vmem>> -> memref<1x128x128xf32, #tpu.memory_space<vmem>>
    %dma_wait3A_886 = tpu.memref_squeeze %dma_wait3A_885 : memref<1x128x128xf32, #tpu.memory_space<vmem>> -> memref<128x128xf32, #tpu.memory_space<vmem>>
    %dma_wait3A_887 = arith.constant 2176 : i32
    %dma_wait3A_888 = tpu.memref_slice %arg5[%dma_wait3A_887] : memref<3128xi32, #tpu.memory_space<vmem>> -> memref<128xi32, #tpu.memory_space<vmem>>
    %dma_wait3A_889 = arith.constant 0 : i32
    %dma_wait3A_890 = arith.constant 0 : i32
    %dma_wait3A_891 = tpu.memref_slice %arg3[%dma_wait3A_889, %dma_wait3A_890] : memref<100000x128xf32, #tpu.memory_space<hbm>> -> memref<100000x128xf32, #tpu.memory_space<hbm>>
    tpu.wait_indirect_dma semaphore(%arg13 : memref<!tpu.dma_semaphore, #tpu.memory_space<semaphore_mem>>) src(%dma_wait3A_891 : memref<100000x128xf32, #tpu.memory_space<hbm>>) dst(%dma_wait3A_886 : memref<128x128xf32, #tpu.memory_space<vmem>>)
    %add3A_892 = arith.constant 2176 : i32
    %add3A_893 = arith.addi %select_n3A, %add3A_892 : i32
    %dma_start3A_894 = arith.constant 5 : i32
    %dma_start3A_895 = arith.constant 0 : i32
    %dma_start3A_896 = arith.constant 0 : i32
    %dma_start3A_897 = tpu.memref_slice %arg6[%dma_start3A_894, %dma_start3A_895, %dma_start3A_896] : memref<6x128x128xf32, #tpu.memory_space<vmem>> -> memref<1x128x128xf32, #tpu.memory_space<vmem>>
    %dma_start3A_898 = tpu.memref_squeeze %dma_start3A_897 : memref<1x128x128xf32, #tpu.memory_space<vmem>> -> memref<128x128xf32, #tpu.memory_space<vmem>>
    %dma_start3A_899 = arith.constant 0 : i32
    %dma_start3A_900 = tpu.memref_slice %arg4[%add3A_893, %dma_start3A_899] : memref<100000x128xf32, #tpu.memory_space<hbm>> -> memref<128x128xf32, #tpu.memory_space<hbm>>
    %dma_start3A_901 = arith.constant 0 : i32
    %dma_start3A_902 = tpu.memref_slice %arg4[%add3A_893, %dma_start3A_901] : memref<100000x128xf32, #tpu.memory_space<hbm>> -> memref<128x128xf32, #tpu.memory_space<hbm>>
    %dma_start3A_903 = arith.constant 0 : i32
    %dma_start3A_904 = arith.constant 0 : i32
    %dma_start3A_905 = tpu.memref_slice %arg6[%dma_start3A_894, %dma_start3A_903, %dma_start3A_904] : memref<6x128x128xf32, #tpu.memory_space<vmem>> -> memref<1x128x128xf32, #tpu.memory_space<vmem>>
    %dma_start3A_906 = tpu.memref_squeeze %dma_start3A_905 : memref<1x128x128xf32, #tpu.memory_space<vmem>> -> memref<128x128xf32, #tpu.memory_space<vmem>>
    tpu.enqueue_dma source(%dma_start3A_906 : memref<128x128xf32, #tpu.memory_space<vmem>>) target(%dma_start3A_902 : memref<128x128xf32, #tpu.memory_space<hbm>>) target_semaphore(%arg19 : memref<!tpu.dma_semaphore, #tpu.memory_space<semaphore_mem>>)
    %dma_wait3A_907 = arith.constant 5 : i32
    %dma_wait3A_908 = arith.constant 0 : i32
    %dma_wait3A_909 = arith.constant 0 : i32
    %dma_wait3A_910 = tpu.memref_slice %arg6[%dma_wait3A_907, %dma_wait3A_908, %dma_wait3A_909] : memref<6x128x128xf32, #tpu.memory_space<vmem>> -> memref<1x128x128xf32, #tpu.memory_space<vmem>>
    %dma_wait3A_911 = tpu.memref_squeeze %dma_wait3A_910 : memref<1x128x128xf32, #tpu.memory_space<vmem>> -> memref<128x128xf32, #tpu.memory_space<vmem>>
    %dma_wait3A_912 = arith.constant 0 : i32
    %dma_wait3A_913 = tpu.memref_slice %arg4[%add3A_893, %dma_wait3A_912] : memref<100000x128xf32, #tpu.memory_space<hbm>> -> memref<128x128xf32, #tpu.memory_space<hbm>>
    %dma_wait3A_914 = arith.constant 0 : i32
    %dma_wait3A_915 = tpu.memref_slice %arg4[%add3A_893, %dma_wait3A_914] : memref<100000x128xf32, #tpu.memory_space<hbm>> -> memref<128x128xf32, #tpu.memory_space<hbm>>
    %dma_wait3A_916 = arith.constant 0 : i32
    %dma_wait3A_917 = arith.constant 0 : i32
    %dma_wait3A_918 = tpu.memref_slice %arg6[%dma_wait3A_907, %dma_wait3A_916, %dma_wait3A_917] : memref<6x128x128xf32, #tpu.memory_space<vmem>> -> memref<1x128x128xf32, #tpu.memory_space<vmem>>
    %dma_wait3A_919 = tpu.memref_squeeze %dma_wait3A_918 : memref<1x128x128xf32, #tpu.memory_space<vmem>> -> memref<128x128xf32, #tpu.memory_space<vmem>>
    tpu.wait_dma2 semaphore(%arg19 : memref<!tpu.dma_semaphore, #tpu.memory_space<semaphore_mem>>) src(%dma_wait3A_919 : memref<128x128xf32, #tpu.memory_space<vmem>>) dst(%dma_wait3A_915 : memref<128x128xf32, #tpu.memory_space<hbm>>)
    %dma_start3A_920 = arith.constant 5 : i32
    %dma_start3A_921 = arith.constant 0 : i32
    %dma_start3A_922 = arith.constant 0 : i32
    %dma_start3A_923 = tpu.memref_slice %arg6[%dma_start3A_920, %dma_start3A_921, %dma_start3A_922] : memref<6x128x128xf32, #tpu.memory_space<vmem>> -> memref<1x128x128xf32, #tpu.memory_space<vmem>>
    %dma_start3A_924 = tpu.memref_squeeze %dma_start3A_923 : memref<1x128x128xf32, #tpu.memory_space<vmem>> -> memref<128x128xf32, #tpu.memory_space<vmem>>
    %dma_start3A_925 = arith.constant 2944 : i32
    %dma_start3A_926 = tpu.memref_slice %arg5[%dma_start3A_925] : memref<3128xi32, #tpu.memory_space<vmem>> -> memref<128xi32, #tpu.memory_space<vmem>>
    %dma_start3A_927 = arith.constant 0 : i32
    %dma_start3A_928 = arith.constant 0 : i32
    %dma_start3A_929 = tpu.memref_slice %arg3[%dma_start3A_927, %dma_start3A_928] : memref<100000x128xf32, #tpu.memory_space<hbm>> -> memref<100000x128xf32, #tpu.memory_space<hbm>>
    tpu.enqueue_indirect_dma source(%dma_start3A_929 : memref<100000x128xf32, #tpu.memory_space<hbm>>) target(%dma_start3A_924 : memref<128x128xf32, #tpu.memory_space<vmem>>) offsets(%dma_start3A_926 : memref<128xi32, #tpu.memory_space<vmem>>) semaphore(%arg13 : memref<!tpu.dma_semaphore, #tpu.memory_space<semaphore_mem>>)
    %dma_wait3A_930 = arith.constant 0 : i32
    %dma_wait3A_931 = arith.constant 0 : i32
    %dma_wait3A_932 = arith.constant 0 : i32
    %dma_wait3A_933 = tpu.memref_slice %arg6[%dma_wait3A_930, %dma_wait3A_931, %dma_wait3A_932] : memref<6x128x128xf32, #tpu.memory_space<vmem>> -> memref<1x128x128xf32, #tpu.memory_space<vmem>>
    %dma_wait3A_934 = tpu.memref_squeeze %dma_wait3A_933 : memref<1x128x128xf32, #tpu.memory_space<vmem>> -> memref<128x128xf32, #tpu.memory_space<vmem>>
    %dma_wait3A_935 = arith.constant 2304 : i32
    %dma_wait3A_936 = tpu.memref_slice %arg5[%dma_wait3A_935] : memref<3128xi32, #tpu.memory_space<vmem>> -> memref<128xi32, #tpu.memory_space<vmem>>
    %dma_wait3A_937 = arith.constant 0 : i32
    %dma_wait3A_938 = arith.constant 0 : i32
    %dma_wait3A_939 = tpu.memref_slice %arg3[%dma_wait3A_937, %dma_wait3A_938] : memref<100000x128xf32, #tpu.memory_space<hbm>> -> memref<100000x128xf32, #tpu.memory_space<hbm>>
    tpu.wait_indirect_dma semaphore(%arg8 : memref<!tpu.dma_semaphore, #tpu.memory_space<semaphore_mem>>) src(%dma_wait3A_939 : memref<100000x128xf32, #tpu.memory_space<hbm>>) dst(%dma_wait3A_934 : memref<128x128xf32, #tpu.memory_space<vmem>>)
    %add3A_940 = arith.constant 2304 : i32
    %add3A_941 = arith.addi %select_n3A, %add3A_940 : i32
    %dma_start3A_942 = arith.constant 0 : i32
    %dma_start3A_943 = arith.constant 0 : i32
    %dma_start3A_944 = arith.constant 0 : i32
    %dma_start3A_945 = tpu.memref_slice %arg6[%dma_start3A_942, %dma_start3A_943, %dma_start3A_944] : memref<6x128x128xf32, #tpu.memory_space<vmem>> -> memref<1x128x128xf32, #tpu.memory_space<vmem>>
    %dma_start3A_946 = tpu.memref_squeeze %dma_start3A_945 : memref<1x128x128xf32, #tpu.memory_space<vmem>> -> memref<128x128xf32, #tpu.memory_space<vmem>>
    %dma_start3A_947 = arith.constant 0 : i32
    %dma_start3A_948 = tpu.memref_slice %arg4[%add3A_941, %dma_start3A_947] : memref<100000x128xf32, #tpu.memory_space<hbm>> -> memref<128x128xf32, #tpu.memory_space<hbm>>
    %dma_start3A_949 = arith.constant 0 : i32
    %dma_start3A_950 = tpu.memref_slice %arg4[%add3A_941, %dma_start3A_949] : memref<100000x128xf32, #tpu.memory_space<hbm>> -> memref<128x128xf32, #tpu.memory_space<hbm>>
    %dma_start3A_951 = arith.constant 0 : i32
    %dma_start3A_952 = arith.constant 0 : i32
    %dma_start3A_953 = tpu.memref_slice %arg6[%dma_start3A_942, %dma_start3A_951, %dma_start3A_952] : memref<6x128x128xf32, #tpu.memory_space<vmem>> -> memref<1x128x128xf32, #tpu.memory_space<vmem>>
    %dma_start3A_954 = tpu.memref_squeeze %dma_start3A_953 : memref<1x128x128xf32, #tpu.memory_space<vmem>> -> memref<128x128xf32, #tpu.memory_space<vmem>>
    tpu.enqueue_dma source(%dma_start3A_954 : memref<128x128xf32, #tpu.memory_space<vmem>>) target(%dma_start3A_950 : memref<128x128xf32, #tpu.memory_space<hbm>>) target_semaphore(%arg14 : memref<!tpu.dma_semaphore, #tpu.memory_space<semaphore_mem>>)
    %dma_wait3A_955 = arith.constant 0 : i32
    %dma_wait3A_956 = arith.constant 0 : i32
    %dma_wait3A_957 = arith.constant 0 : i32
    %dma_wait3A_958 = tpu.memref_slice %arg6[%dma_wait3A_955, %dma_wait3A_956, %dma_wait3A_957] : memref<6x128x128xf32, #tpu.memory_space<vmem>> -> memref<1x128x128xf32, #tpu.memory_space<vmem>>
    %dma_wait3A_959 = tpu.memref_squeeze %dma_wait3A_958 : memref<1x128x128xf32, #tpu.memory_space<vmem>> -> memref<128x128xf32, #tpu.memory_space<vmem>>
    %dma_wait3A_960 = arith.constant 0 : i32
    %dma_wait3A_961 = tpu.memref_slice %arg4[%add3A_941, %dma_wait3A_960] : memref<100000x128xf32, #tpu.memory_space<hbm>> -> memref<128x128xf32, #tpu.memory_space<hbm>>
    %dma_wait3A_962 = arith.constant 0 : i32
    %dma_wait3A_963 = tpu.memref_slice %arg4[%add3A_941, %dma_wait3A_962] : memref<100000x128xf32, #tpu.memory_space<hbm>> -> memref<128x128xf32, #tpu.memory_space<hbm>>
    %dma_wait3A_964 = arith.constant 0 : i32
    %dma_wait3A_965 = arith.constant 0 : i32
    %dma_wait3A_966 = tpu.memref_slice %arg6[%dma_wait3A_955, %dma_wait3A_964, %dma_wait3A_965] : memref<6x128x128xf32, #tpu.memory_space<vmem>> -> memref<1x128x128xf32, #tpu.memory_space<vmem>>
    %dma_wait3A_967 = tpu.memref_squeeze %dma_wait3A_966 : memref<1x128x128xf32, #tpu.memory_space<vmem>> -> memref<128x128xf32, #tpu.memory_space<vmem>>
    tpu.wait_dma2 semaphore(%arg14 : memref<!tpu.dma_semaphore, #tpu.memory_space<semaphore_mem>>) src(%dma_wait3A_967 : memref<128x128xf32, #tpu.memory_space<vmem>>) dst(%dma_wait3A_963 : memref<128x128xf32, #tpu.memory_space<hbm>>)
    %dma_start3A_968 = arith.constant 0 : i32
    %dma_start3A_969 = arith.constant 0 : i32
    %dma_start3A_970 = arith.constant 0 : i32
    %dma_start3A_971 = tpu.memref_slice %arg6[%dma_start3A_968, %dma_start3A_969, %dma_start3A_970] : memref<6x128x128xf32, #tpu.memory_space<vmem>> -> memref<1x56x128xf32, #tpu.memory_space<vmem>>
    %dma_start3A_972 = tpu.memref_squeeze %dma_start3A_971 : memref<1x56x128xf32, #tpu.memory_space<vmem>> -> memref<56x128xf32, #tpu.memory_space<vmem>>
    %dma_start3A_973 = arith.constant 3072 : i32
    %dma_start3A_974 = tpu.memref_slice %arg5[%dma_start3A_973] : memref<3128xi32, #tpu.memory_space<vmem>> -> memref<56xi32, #tpu.memory_space<vmem>>
    %dma_start3A_975 = arith.constant 0 : i32
    %dma_start3A_976 = arith.constant 0 : i32
    %dma_start3A_977 = tpu.memref_slice %arg3[%dma_start3A_975, %dma_start3A_976] : memref<100000x128xf32, #tpu.memory_space<hbm>> -> memref<100000x128xf32, #tpu.memory_space<hbm>>
    tpu.enqueue_indirect_dma source(%dma_start3A_977 : memref<100000x128xf32, #tpu.memory_space<hbm>>) target(%dma_start3A_972 : memref<56x128xf32, #tpu.memory_space<vmem>>) offsets(%dma_start3A_974 : memref<56xi32, #tpu.memory_space<vmem>>) semaphore(%arg8 : memref<!tpu.dma_semaphore, #tpu.memory_space<semaphore_mem>>)
    %dma_wait3A_978 = arith.constant 1 : i32
    %dma_wait3A_979 = arith.constant 0 : i32
    %dma_wait3A_980 = arith.constant 0 : i32
    %dma_wait3A_981 = tpu.memref_slice %arg6[%dma_wait3A_978, %dma_wait3A_979, %dma_wait3A_980] : memref<6x128x128xf32, #tpu.memory_space<vmem>> -> memref<1x128x128xf32, #tpu.memory_space<vmem>>
    %dma_wait3A_982 = tpu.memref_squeeze %dma_wait3A_981 : memref<1x128x128xf32, #tpu.memory_space<vmem>> -> memref<128x128xf32, #tpu.memory_space<vmem>>
    %dma_wait3A_983 = arith.constant 2432 : i32
    %dma_wait3A_984 = tpu.memref_slice %arg5[%dma_wait3A_983] : memref<3128xi32, #tpu.memory_space<vmem>> -> memref<128xi32, #tpu.memory_space<vmem>>
    %dma_wait3A_985 = arith.constant 0 : i32
    %dma_wait3A_986 = arith.constant 0 : i32
    %dma_wait3A_987 = tpu.memref_slice %arg3[%dma_wait3A_985, %dma_wait3A_986] : memref<100000x128xf32, #tpu.memory_space<hbm>> -> memref<100000x128xf32, #tpu.memory_space<hbm>>
    tpu.wait_indirect_dma semaphore(%arg9 : memref<!tpu.dma_semaphore, #tpu.memory_space<semaphore_mem>>) src(%dma_wait3A_987 : memref<100000x128xf32, #tpu.memory_space<hbm>>) dst(%dma_wait3A_982 : memref<128x128xf32, #tpu.memory_space<vmem>>)
    %add3A_988 = arith.constant 2432 : i32
    %add3A_989 = arith.addi %select_n3A, %add3A_988 : i32
    %dma_start3A_990 = arith.constant 1 : i32
    %dma_start3A_991 = arith.constant 0 : i32
    %dma_start3A_992 = arith.constant 0 : i32
    %dma_start3A_993 = tpu.memref_slice %arg6[%dma_start3A_990, %dma_start3A_991, %dma_start3A_992] : memref<6x128x128xf32, #tpu.memory_space<vmem>> -> memref<1x128x128xf32, #tpu.memory_space<vmem>>
    %dma_start3A_994 = tpu.memref_squeeze %dma_start3A_993 : memref<1x128x128xf32, #tpu.memory_space<vmem>> -> memref<128x128xf32, #tpu.memory_space<vmem>>
    %dma_start3A_995 = arith.constant 0 : i32
    %dma_start3A_996 = tpu.memref_slice %arg4[%add3A_989, %dma_start3A_995] : memref<100000x128xf32, #tpu.memory_space<hbm>> -> memref<128x128xf32, #tpu.memory_space<hbm>>
    %dma_start3A_997 = arith.constant 0 : i32
    %dma_start3A_998 = tpu.memref_slice %arg4[%add3A_989, %dma_start3A_997] : memref<100000x128xf32, #tpu.memory_space<hbm>> -> memref<128x128xf32, #tpu.memory_space<hbm>>
    %dma_start3A_999 = arith.constant 0 : i32
    %dma_start3A_1000 = arith.constant 0 : i32
    %dma_start3A_1001 = tpu.memref_slice %arg6[%dma_start3A_990, %dma_start3A_999, %dma_start3A_1000] : memref<6x128x128xf32, #tpu.memory_space<vmem>> -> memref<1x128x128xf32, #tpu.memory_space<vmem>>
    %dma_start3A_1002 = tpu.memref_squeeze %dma_start3A_1001 : memref<1x128x128xf32, #tpu.memory_space<vmem>> -> memref<128x128xf32, #tpu.memory_space<vmem>>
    tpu.enqueue_dma source(%dma_start3A_1002 : memref<128x128xf32, #tpu.memory_space<vmem>>) target(%dma_start3A_998 : memref<128x128xf32, #tpu.memory_space<hbm>>) target_semaphore(%arg15 : memref<!tpu.dma_semaphore, #tpu.memory_space<semaphore_mem>>)
    %dma_wait3A_1003 = arith.constant 2 : i32
    %dma_wait3A_1004 = arith.constant 0 : i32
    %dma_wait3A_1005 = arith.constant 0 : i32
    %dma_wait3A_1006 = tpu.memref_slice %arg6[%dma_wait3A_1003, %dma_wait3A_1004, %dma_wait3A_1005] : memref<6x128x128xf32, #tpu.memory_space<vmem>> -> memref<1x128x128xf32, #tpu.memory_space<vmem>>
    %dma_wait3A_1007 = tpu.memref_squeeze %dma_wait3A_1006 : memref<1x128x128xf32, #tpu.memory_space<vmem>> -> memref<128x128xf32, #tpu.memory_space<vmem>>
    %dma_wait3A_1008 = arith.constant 2560 : i32
    %dma_wait3A_1009 = tpu.memref_slice %arg5[%dma_wait3A_1008] : memref<3128xi32, #tpu.memory_space<vmem>> -> memref<128xi32, #tpu.memory_space<vmem>>
    %dma_wait3A_1010 = arith.constant 0 : i32
    %dma_wait3A_1011 = arith.constant 0 : i32
    %dma_wait3A_1012 = tpu.memref_slice %arg3[%dma_wait3A_1010, %dma_wait3A_1011] : memref<100000x128xf32, #tpu.memory_space<hbm>> -> memref<100000x128xf32, #tpu.memory_space<hbm>>
    tpu.wait_indirect_dma semaphore(%arg10 : memref<!tpu.dma_semaphore, #tpu.memory_space<semaphore_mem>>) src(%dma_wait3A_1012 : memref<100000x128xf32, #tpu.memory_space<hbm>>) dst(%dma_wait3A_1007 : memref<128x128xf32, #tpu.memory_space<vmem>>)
    %add3A_1013 = arith.constant 2560 : i32
    %add3A_1014 = arith.addi %select_n3A, %add3A_1013 : i32
    %dma_start3A_1015 = arith.constant 2 : i32
    %dma_start3A_1016 = arith.constant 0 : i32
    %dma_start3A_1017 = arith.constant 0 : i32
    %dma_start3A_1018 = tpu.memref_slice %arg6[%dma_start3A_1015, %dma_start3A_1016, %dma_start3A_1017] : memref<6x128x128xf32, #tpu.memory_space<vmem>> -> memref<1x128x128xf32, #tpu.memory_space<vmem>>
    %dma_start3A_1019 = tpu.memref_squeeze %dma_start3A_1018 : memref<1x128x128xf32, #tpu.memory_space<vmem>> -> memref<128x128xf32, #tpu.memory_space<vmem>>
    %dma_start3A_1020 = arith.constant 0 : i32
    %dma_start3A_1021 = tpu.memref_slice %arg4[%add3A_1014, %dma_start3A_1020] : memref<100000x128xf32, #tpu.memory_space<hbm>> -> memref<128x128xf32, #tpu.memory_space<hbm>>
    %dma_start3A_1022 = arith.constant 0 : i32
    %dma_start3A_1023 = tpu.memref_slice %arg4[%add3A_1014, %dma_start3A_1022] : memref<100000x128xf32, #tpu.memory_space<hbm>> -> memref<128x128xf32, #tpu.memory_space<hbm>>
    %dma_start3A_1024 = arith.constant 0 : i32
    %dma_start3A_1025 = arith.constant 0 : i32
    %dma_start3A_1026 = tpu.memref_slice %arg6[%dma_start3A_1015, %dma_start3A_1024, %dma_start3A_1025] : memref<6x128x128xf32, #tpu.memory_space<vmem>> -> memref<1x128x128xf32, #tpu.memory_space<vmem>>
    %dma_start3A_1027 = tpu.memref_squeeze %dma_start3A_1026 : memref<1x128x128xf32, #tpu.memory_space<vmem>> -> memref<128x128xf32, #tpu.memory_space<vmem>>
    tpu.enqueue_dma source(%dma_start3A_1027 : memref<128x128xf32, #tpu.memory_space<vmem>>) target(%dma_start3A_1023 : memref<128x128xf32, #tpu.memory_space<hbm>>) target_semaphore(%arg16 : memref<!tpu.dma_semaphore, #tpu.memory_space<semaphore_mem>>)
    %dma_wait3A_1028 = arith.constant 3 : i32
    %dma_wait3A_1029 = arith.constant 0 : i32
    %dma_wait3A_1030 = arith.constant 0 : i32
    %dma_wait3A_1031 = tpu.memref_slice %arg6[%dma_wait3A_1028, %dma_wait3A_1029, %dma_wait3A_1030] : memref<6x128x128xf32, #tpu.memory_space<vmem>> -> memref<1x128x128xf32, #tpu.memory_space<vmem>>
    %dma_wait3A_1032 = tpu.memref_squeeze %dma_wait3A_1031 : memref<1x128x128xf32, #tpu.memory_space<vmem>> -> memref<128x128xf32, #tpu.memory_space<vmem>>
    %dma_wait3A_1033 = arith.constant 2688 : i32
    %dma_wait3A_1034 = tpu.memref_slice %arg5[%dma_wait3A_1033] : memref<3128xi32, #tpu.memory_space<vmem>> -> memref<128xi32, #tpu.memory_space<vmem>>
    %dma_wait3A_1035 = arith.constant 0 : i32
    %dma_wait3A_1036 = arith.constant 0 : i32
    %dma_wait3A_1037 = tpu.memref_slice %arg3[%dma_wait3A_1035, %dma_wait3A_1036] : memref<100000x128xf32, #tpu.memory_space<hbm>> -> memref<100000x128xf32, #tpu.memory_space<hbm>>
    tpu.wait_indirect_dma semaphore(%arg11 : memref<!tpu.dma_semaphore, #tpu.memory_space<semaphore_mem>>) src(%dma_wait3A_1037 : memref<100000x128xf32, #tpu.memory_space<hbm>>) dst(%dma_wait3A_1032 : memref<128x128xf32, #tpu.memory_space<vmem>>)
    %add3A_1038 = arith.constant 2688 : i32
    %add3A_1039 = arith.addi %select_n3A, %add3A_1038 : i32
    %dma_start3A_1040 = arith.constant 3 : i32
    %dma_start3A_1041 = arith.constant 0 : i32
    %dma_start3A_1042 = arith.constant 0 : i32
    %dma_start3A_1043 = tpu.memref_slice %arg6[%dma_start3A_1040, %dma_start3A_1041, %dma_start3A_1042] : memref<6x128x128xf32, #tpu.memory_space<vmem>> -> memref<1x128x128xf32, #tpu.memory_space<vmem>>
    %dma_start3A_1044 = tpu.memref_squeeze %dma_start3A_1043 : memref<1x128x128xf32, #tpu.memory_space<vmem>> -> memref<128x128xf32, #tpu.memory_space<vmem>>
    %dma_start3A_1045 = arith.constant 0 : i32
    %dma_start3A_1046 = tpu.memref_slice %arg4[%add3A_1039, %dma_start3A_1045] : memref<100000x128xf32, #tpu.memory_space<hbm>> -> memref<128x128xf32, #tpu.memory_space<hbm>>
    %dma_start3A_1047 = arith.constant 0 : i32
    %dma_start3A_1048 = tpu.memref_slice %arg4[%add3A_1039, %dma_start3A_1047] : memref<100000x128xf32, #tpu.memory_space<hbm>> -> memref<128x128xf32, #tpu.memory_space<hbm>>
    %dma_start3A_1049 = arith.constant 0 : i32
    %dma_start3A_1050 = arith.constant 0 : i32
    %dma_start3A_1051 = tpu.memref_slice %arg6[%dma_start3A_1040, %dma_start3A_1049, %dma_start3A_1050] : memref<6x128x128xf32, #tpu.memory_space<vmem>> -> memref<1x128x128xf32, #tpu.memory_space<vmem>>
    %dma_start3A_1052 = tpu.memref_squeeze %dma_start3A_1051 : memref<1x128x128xf32, #tpu.memory_space<vmem>> -> memref<128x128xf32, #tpu.memory_space<vmem>>
    tpu.enqueue_dma source(%dma_start3A_1052 : memref<128x128xf32, #tpu.memory_space<vmem>>) target(%dma_start3A_1048 : memref<128x128xf32, #tpu.memory_space<hbm>>) target_semaphore(%arg17 : memref<!tpu.dma_semaphore, #tpu.memory_space<semaphore_mem>>)
    %dma_wait3A_1053 = arith.constant 4 : i32
    %dma_wait3A_1054 = arith.constant 0 : i32
    %dma_wait3A_1055 = arith.constant 0 : i32
    %dma_wait3A_1056 = tpu.memref_slice %arg6[%dma_wait3A_1053, %dma_wait3A_1054, %dma_wait3A_1055] : memref<6x128x128xf32, #tpu.memory_space<vmem>> -> memref<1x128x128xf32, #tpu.memory_space<vmem>>
    %dma_wait3A_1057 = tpu.memref_squeeze %dma_wait3A_1056 : memref<1x128x128xf32, #tpu.memory_space<vmem>> -> memref<128x128xf32, #tpu.memory_space<vmem>>
    %dma_wait3A_1058 = arith.constant 2816 : i32
    %dma_wait3A_1059 = tpu.memref_slice %arg5[%dma_wait3A_1058] : memref<3128xi32, #tpu.memory_space<vmem>> -> memref<128xi32, #tpu.memory_space<vmem>>
    %dma_wait3A_1060 = arith.constant 0 : i32
    %dma_wait3A_1061 = arith.constant 0 : i32
    %dma_wait3A_1062 = tpu.memref_slice %arg3[%dma_wait3A_1060, %dma_wait3A_1061] : memref<100000x128xf32, #tpu.memory_space<hbm>> -> memref<100000x128xf32, #tpu.memory_space<hbm>>
    tpu.wait_indirect_dma semaphore(%arg12 : memref<!tpu.dma_semaphore, #tpu.memory_space<semaphore_mem>>) src(%dma_wait3A_1062 : memref<100000x128xf32, #tpu.memory_space<hbm>>) dst(%dma_wait3A_1057 : memref<128x128xf32, #tpu.memory_space<vmem>>)
    %add3A_1063 = arith.constant 2816 : i32
    %add3A_1064 = arith.addi %select_n3A, %add3A_1063 : i32
    %dma_start3A_1065 = arith.constant 4 : i32
    %dma_start3A_1066 = arith.constant 0 : i32
    %dma_start3A_1067 = arith.constant 0 : i32
    %dma_start3A_1068 = tpu.memref_slice %arg6[%dma_start3A_1065, %dma_start3A_1066, %dma_start3A_1067] : memref<6x128x128xf32, #tpu.memory_space<vmem>> -> memref<1x128x128xf32, #tpu.memory_space<vmem>>
    %dma_start3A_1069 = tpu.memref_squeeze %dma_start3A_1068 : memref<1x128x128xf32, #tpu.memory_space<vmem>> -> memref<128x128xf32, #tpu.memory_space<vmem>>
    %dma_start3A_1070 = arith.constant 0 : i32
    %dma_start3A_1071 = tpu.memref_slice %arg4[%add3A_1064, %dma_start3A_1070] : memref<100000x128xf32, #tpu.memory_space<hbm>> -> memref<128x128xf32, #tpu.memory_space<hbm>>
    %dma_start3A_1072 = arith.constant 0 : i32
    %dma_start3A_1073 = tpu.memref_slice %arg4[%add3A_1064, %dma_start3A_1072] : memref<100000x128xf32, #tpu.memory_space<hbm>> -> memref<128x128xf32, #tpu.memory_space<hbm>>
    %dma_start3A_1074 = arith.constant 0 : i32
    %dma_start3A_1075 = arith.constant 0 : i32
    %dma_start3A_1076 = tpu.memref_slice %arg6[%dma_start3A_1065, %dma_start3A_1074, %dma_start3A_1075] : memref<6x128x128xf32, #tpu.memory_space<vmem>> -> memref<1x128x128xf32, #tpu.memory_space<vmem>>
    %dma_start3A_1077 = tpu.memref_squeeze %dma_start3A_1076 : memref<1x128x128xf32, #tpu.memory_space<vmem>> -> memref<128x128xf32, #tpu.memory_space<vmem>>
    tpu.enqueue_dma source(%dma_start3A_1077 : memref<128x128xf32, #tpu.memory_space<vmem>>) target(%dma_start3A_1073 : memref<128x128xf32, #tpu.memory_space<hbm>>) target_semaphore(%arg18 : memref<!tpu.dma_semaphore, #tpu.memory_space<semaphore_mem>>)
    %dma_wait3A_1078 = arith.constant 5 : i32
    %dma_wait3A_1079 = arith.constant 0 : i32
    %dma_wait3A_1080 = arith.constant 0 : i32
    %dma_wait3A_1081 = tpu.memref_slice %arg6[%dma_wait3A_1078, %dma_wait3A_1079, %dma_wait3A_1080] : memref<6x128x128xf32, #tpu.memory_space<vmem>> -> memref<1x128x128xf32, #tpu.memory_space<vmem>>
    %dma_wait3A_1082 = tpu.memref_squeeze %dma_wait3A_1081 : memref<1x128x128xf32, #tpu.memory_space<vmem>> -> memref<128x128xf32, #tpu.memory_space<vmem>>
    %dma_wait3A_1083 = arith.constant 2944 : i32
    %dma_wait3A_1084 = tpu.memref_slice %arg5[%dma_wait3A_1083] : memref<3128xi32, #tpu.memory_space<vmem>> -> memref<128xi32, #tpu.memory_space<vmem>>
    %dma_wait3A_1085 = arith.constant 0 : i32
    %dma_wait3A_1086 = arith.constant 0 : i32
    %dma_wait3A_1087 = tpu.memref_slice %arg3[%dma_wait3A_1085, %dma_wait3A_1086] : memref<100000x128xf32, #tpu.memory_space<hbm>> -> memref<100000x128xf32, #tpu.memory_space<hbm>>
    tpu.wait_indirect_dma semaphore(%arg13 : memref<!tpu.dma_semaphore, #tpu.memory_space<semaphore_mem>>) src(%dma_wait3A_1087 : memref<100000x128xf32, #tpu.memory_space<hbm>>) dst(%dma_wait3A_1082 : memref<128x128xf32, #tpu.memory_space<vmem>>)
    %add3A_1088 = arith.constant 2944 : i32
    %add3A_1089 = arith.addi %select_n3A, %add3A_1088 : i32
    %dma_start3A_1090 = arith.constant 5 : i32
    %dma_start3A_1091 = arith.constant 0 : i32
    %dma_start3A_1092 = arith.constant 0 : i32
    %dma_start3A_1093 = tpu.memref_slice %arg6[%dma_start3A_1090, %dma_start3A_1091, %dma_start3A_1092] : memref<6x128x128xf32, #tpu.memory_space<vmem>> -> memref<1x128x128xf32, #tpu.memory_space<vmem>>
    %dma_start3A_1094 = tpu.memref_squeeze %dma_start3A_1093 : memref<1x128x128xf32, #tpu.memory_space<vmem>> -> memref<128x128xf32, #tpu.memory_space<vmem>>
    %dma_start3A_1095 = arith.constant 0 : i32
    %dma_start3A_1096 = tpu.memref_slice %arg4[%add3A_1089, %dma_start3A_1095] : memref<100000x128xf32, #tpu.memory_space<hbm>> -> memref<128x128xf32, #tpu.memory_space<hbm>>
    %dma_start3A_1097 = arith.constant 0 : i32
    %dma_start3A_1098 = tpu.memref_slice %arg4[%add3A_1089, %dma_start3A_1097] : memref<100000x128xf32, #tpu.memory_space<hbm>> -> memref<128x128xf32, #tpu.memory_space<hbm>>
    %dma_start3A_1099 = arith.constant 0 : i32
    %dma_start3A_1100 = arith.constant 0 : i32
    %dma_start3A_1101 = tpu.memref_slice %arg6[%dma_start3A_1090, %dma_start3A_1099, %dma_start3A_1100] : memref<6x128x128xf32, #tpu.memory_space<vmem>> -> memref<1x128x128xf32, #tpu.memory_space<vmem>>
    %dma_start3A_1102 = tpu.memref_squeeze %dma_start3A_1101 : memref<1x128x128xf32, #tpu.memory_space<vmem>> -> memref<128x128xf32, #tpu.memory_space<vmem>>
    tpu.enqueue_dma source(%dma_start3A_1102 : memref<128x128xf32, #tpu.memory_space<vmem>>) target(%dma_start3A_1098 : memref<128x128xf32, #tpu.memory_space<hbm>>) target_semaphore(%arg19 : memref<!tpu.dma_semaphore, #tpu.memory_space<semaphore_mem>>)
    %dma_wait3A_1103 = arith.constant 0 : i32
    %dma_wait3A_1104 = arith.constant 0 : i32
    %dma_wait3A_1105 = arith.constant 0 : i32
    %dma_wait3A_1106 = tpu.memref_slice %arg6[%dma_wait3A_1103, %dma_wait3A_1104, %dma_wait3A_1105] : memref<6x128x128xf32, #tpu.memory_space<vmem>> -> memref<1x56x128xf32, #tpu.memory_space<vmem>>
    %dma_wait3A_1107 = tpu.memref_squeeze %dma_wait3A_1106 : memref<1x56x128xf32, #tpu.memory_space<vmem>> -> memref<56x128xf32, #tpu.memory_space<vmem>>
    %dma_wait3A_1108 = arith.constant 3072 : i32
    %dma_wait3A_1109 = tpu.memref_slice %arg5[%dma_wait3A_1108] : memref<3128xi32, #tpu.memory_space<vmem>> -> memref<56xi32, #tpu.memory_space<vmem>>
    %dma_wait3A_1110 = arith.constant 0 : i32
    %dma_wait3A_1111 = arith.constant 0 : i32
    %dma_wait3A_1112 = tpu.memref_slice %arg3[%dma_wait3A_1110, %dma_wait3A_1111] : memref<100000x128xf32, #tpu.memory_space<hbm>> -> memref<100000x128xf32, #tpu.memory_space<hbm>>
    tpu.wait_indirect_dma semaphore(%arg8 : memref<!tpu.dma_semaphore, #tpu.memory_space<semaphore_mem>>) src(%dma_wait3A_1112 : memref<100000x128xf32, #tpu.memory_space<hbm>>) dst(%dma_wait3A_1107 : memref<56x128xf32, #tpu.memory_space<vmem>>)
    %add3A_1113 = arith.constant 3072 : i32
    %add3A_1114 = arith.addi %select_n3A, %add3A_1113 : i32
    %dma_start3A_1115 = arith.constant 0 : i32
    %dma_start3A_1116 = arith.constant 0 : i32
    %dma_start3A_1117 = arith.constant 0 : i32
    %dma_start3A_1118 = tpu.memref_slice %arg6[%dma_start3A_1115, %dma_start3A_1116, %dma_start3A_1117] : memref<6x128x128xf32, #tpu.memory_space<vmem>> -> memref<1x56x128xf32, #tpu.memory_space<vmem>>
    %dma_start3A_1119 = tpu.memref_squeeze %dma_start3A_1118 : memref<1x56x128xf32, #tpu.memory_space<vmem>> -> memref<56x128xf32, #tpu.memory_space<vmem>>
    %dma_start3A_1120 = arith.constant 0 : i32
    %dma_start3A_1121 = tpu.memref_slice %arg4[%add3A_1114, %dma_start3A_1120] : memref<100000x128xf32, #tpu.memory_space<hbm>> -> memref<56x128xf32, #tpu.memory_space<hbm>>
    %dma_start3A_1122 = arith.constant 0 : i32
    %dma_start3A_1123 = tpu.memref_slice %arg4[%add3A_1114, %dma_start3A_1122] : memref<100000x128xf32, #tpu.memory_space<hbm>> -> memref<56x128xf32, #tpu.memory_space<hbm>>
    %dma_start3A_1124 = arith.constant 0 : i32
    %dma_start3A_1125 = arith.constant 0 : i32
    %dma_start3A_1126 = tpu.memref_slice %arg6[%dma_start3A_1115, %dma_start3A_1124, %dma_start3A_1125] : memref<6x128x128xf32, #tpu.memory_space<vmem>> -> memref<1x56x128xf32, #tpu.memory_space<vmem>>
    %dma_start3A_1127 = tpu.memref_squeeze %dma_start3A_1126 : memref<1x56x128xf32, #tpu.memory_space<vmem>> -> memref<56x128xf32, #tpu.memory_space<vmem>>
    tpu.enqueue_dma source(%dma_start3A_1127 : memref<56x128xf32, #tpu.memory_space<vmem>>) target(%dma_start3A_1123 : memref<56x128xf32, #tpu.memory_space<hbm>>) target_semaphore(%arg14 : memref<!tpu.dma_semaphore, #tpu.memory_space<semaphore_mem>>)
    %dma_wait3A_1128 = arith.constant 1 : i32
    %dma_wait3A_1129 = arith.constant 0 : i32
    %dma_wait3A_1130 = arith.constant 0 : i32
    %dma_wait3A_1131 = tpu.memref_slice %arg6[%dma_wait3A_1128, %dma_wait3A_1129, %dma_wait3A_1130] : memref<6x128x128xf32, #tpu.memory_space<vmem>> -> memref<1x128x128xf32, #tpu.memory_space<vmem>>
    %dma_wait3A_1132 = tpu.memref_squeeze %dma_wait3A_1131 : memref<1x128x128xf32, #tpu.memory_space<vmem>> -> memref<128x128xf32, #tpu.memory_space<vmem>>
    %dma_wait3A_1133 = arith.constant 0 : i32
    %dma_wait3A_1134 = tpu.memref_slice %arg4[%add3A_989, %dma_wait3A_1133] : memref<100000x128xf32, #tpu.memory_space<hbm>> -> memref<128x128xf32, #tpu.memory_space<hbm>>
    %dma_wait3A_1135 = arith.constant 0 : i32
    %dma_wait3A_1136 = tpu.memref_slice %arg4[%add3A_989, %dma_wait3A_1135] : memref<100000x128xf32, #tpu.memory_space<hbm>> -> memref<128x128xf32, #tpu.memory_space<hbm>>
    %dma_wait3A_1137 = arith.constant 0 : i32
    %dma_wait3A_1138 = arith.constant 0 : i32
    %dma_wait3A_1139 = tpu.memref_slice %arg6[%dma_wait3A_1128, %dma_wait3A_1137, %dma_wait3A_1138] : memref<6x128x128xf32, #tpu.memory_space<vmem>> -> memref<1x128x128xf32, #tpu.memory_space<vmem>>
    %dma_wait3A_1140 = tpu.memref_squeeze %dma_wait3A_1139 : memref<1x128x128xf32, #tpu.memory_space<vmem>> -> memref<128x128xf32, #tpu.memory_space<vmem>>
    tpu.wait_dma2 semaphore(%arg15 : memref<!tpu.dma_semaphore, #tpu.memory_space<semaphore_mem>>) src(%dma_wait3A_1140 : memref<128x128xf32, #tpu.memory_space<vmem>>) dst(%dma_wait3A_1136 : memref<128x128xf32, #tpu.memory_space<hbm>>)
    %dma_wait3A_1141 = arith.constant 2 : i32
    %dma_wait3A_1142 = arith.constant 0 : i32
    %dma_wait3A_1143 = arith.constant 0 : i32
    %dma_wait3A_1144 = tpu.memref_slice %arg6[%dma_wait3A_1141, %dma_wait3A_1142, %dma_wait3A_1143] : memref<6x128x128xf32, #tpu.memory_space<vmem>> -> memref<1x128x128xf32, #tpu.memory_space<vmem>>
    %dma_wait3A_1145 = tpu.memref_squeeze %dma_wait3A_1144 : memref<1x128x128xf32, #tpu.memory_space<vmem>> -> memref<128x128xf32, #tpu.memory_space<vmem>>
    %dma_wait3A_1146 = arith.constant 0 : i32
    %dma_wait3A_1147 = tpu.memref_slice %arg4[%add3A_1014, %dma_wait3A_1146] : memref<100000x128xf32, #tpu.memory_space<hbm>> -> memref<128x128xf32, #tpu.memory_space<hbm>>
    %dma_wait3A_1148 = arith.constant 0 : i32
    %dma_wait3A_1149 = tpu.memref_slice %arg4[%add3A_1014, %dma_wait3A_1148] : memref<100000x128xf32, #tpu.memory_space<hbm>> -> memref<128x128xf32, #tpu.memory_space<hbm>>
    %dma_wait3A_1150 = arith.constant 0 : i32
    %dma_wait3A_1151 = arith.constant 0 : i32
    %dma_wait3A_1152 = tpu.memref_slice %arg6[%dma_wait3A_1141, %dma_wait3A_1150, %dma_wait3A_1151] : memref<6x128x128xf32, #tpu.memory_space<vmem>> -> memref<1x128x128xf32, #tpu.memory_space<vmem>>
    %dma_wait3A_1153 = tpu.memref_squeeze %dma_wait3A_1152 : memref<1x128x128xf32, #tpu.memory_space<vmem>> -> memref<128x128xf32, #tpu.memory_space<vmem>>
    tpu.wait_dma2 semaphore(%arg16 : memref<!tpu.dma_semaphore, #tpu.memory_space<semaphore_mem>>) src(%dma_wait3A_1153 : memref<128x128xf32, #tpu.memory_space<vmem>>) dst(%dma_wait3A_1149 : memref<128x128xf32, #tpu.memory_space<hbm>>)
    %dma_wait3A_1154 = arith.constant 3 : i32
    %dma_wait3A_1155 = arith.constant 0 : i32
    %dma_wait3A_1156 = arith.constant 0 : i32
    %dma_wait3A_1157 = tpu.memref_slice %arg6[%dma_wait3A_1154, %dma_wait3A_1155, %dma_wait3A_1156] : memref<6x128x128xf32, #tpu.memory_space<vmem>> -> memref<1x128x128xf32, #tpu.memory_space<vmem>>
    %dma_wait3A_1158 = tpu.memref_squeeze %dma_wait3A_1157 : memref<1x128x128xf32, #tpu.memory_space<vmem>> -> memref<128x128xf32, #tpu.memory_space<vmem>>
    %dma_wait3A_1159 = arith.constant 0 : i32
    %dma_wait3A_1160 = tpu.memref_slice %arg4[%add3A_1039, %dma_wait3A_1159] : memref<100000x128xf32, #tpu.memory_space<hbm>> -> memref<128x128xf32, #tpu.memory_space<hbm>>
    %dma_wait3A_1161 = arith.constant 0 : i32
    %dma_wait3A_1162 = tpu.memref_slice %arg4[%add3A_1039, %dma_wait3A_1161] : memref<100000x128xf32, #tpu.memory_space<hbm>> -> memref<128x128xf32, #tpu.memory_space<hbm>>
    %dma_wait3A_1163 = arith.constant 0 : i32
    %dma_wait3A_1164 = arith.constant 0 : i32
    %dma_wait3A_1165 = tpu.memref_slice %arg6[%dma_wait3A_1154, %dma_wait3A_1163, %dma_wait3A_1164] : memref<6x128x128xf32, #tpu.memory_space<vmem>> -> memref<1x128x128xf32, #tpu.memory_space<vmem>>
    %dma_wait3A_1166 = tpu.memref_squeeze %dma_wait3A_1165 : memref<1x128x128xf32, #tpu.memory_space<vmem>> -> memref<128x128xf32, #tpu.memory_space<vmem>>
    tpu.wait_dma2 semaphore(%arg17 : memref<!tpu.dma_semaphore, #tpu.memory_space<semaphore_mem>>) src(%dma_wait3A_1166 : memref<128x128xf32, #tpu.memory_space<vmem>>) dst(%dma_wait3A_1162 : memref<128x128xf32, #tpu.memory_space<hbm>>)
    %dma_wait3A_1167 = arith.constant 4 : i32
    %dma_wait3A_1168 = arith.constant 0 : i32
    %dma_wait3A_1169 = arith.constant 0 : i32
    %dma_wait3A_1170 = tpu.memref_slice %arg6[%dma_wait3A_1167, %dma_wait3A_1168, %dma_wait3A_1169] : memref<6x128x128xf32, #tpu.memory_space<vmem>> -> memref<1x128x128xf32, #tpu.memory_space<vmem>>
    %dma_wait3A_1171 = tpu.memref_squeeze %dma_wait3A_1170 : memref<1x128x128xf32, #tpu.memory_space<vmem>> -> memref<128x128xf32, #tpu.memory_space<vmem>>
    %dma_wait3A_1172 = arith.constant 0 : i32
    %dma_wait3A_1173 = tpu.memref_slice %arg4[%add3A_1064, %dma_wait3A_1172] : memref<100000x128xf32, #tpu.memory_space<hbm>> -> memref<128x128xf32, #tpu.memory_space<hbm>>
    %dma_wait3A_1174 = arith.constant 0 : i32
    %dma_wait3A_1175 = tpu.memref_slice %arg4[%add3A_1064, %dma_wait3A_1174] : memref<100000x128xf32, #tpu.memory_space<hbm>> -> memref<128x128xf32, #tpu.memory_space<hbm>>
    %dma_wait3A_1176 = arith.constant 0 : i32
    %dma_wait3A_1177 = arith.constant 0 : i32
    %dma_wait3A_1178 = tpu.memref_slice %arg6[%dma_wait3A_1167, %dma_wait3A_1176, %dma_wait3A_1177] : memref<6x128x128xf32, #tpu.memory_space<vmem>> -> memref<1x128x128xf32, #tpu.memory_space<vmem>>
    %dma_wait3A_1179 = tpu.memref_squeeze %dma_wait3A_1178 : memref<1x128x128xf32, #tpu.memory_space<vmem>> -> memref<128x128xf32, #tpu.memory_space<vmem>>
    tpu.wait_dma2 semaphore(%arg18 : memref<!tpu.dma_semaphore, #tpu.memory_space<semaphore_mem>>) src(%dma_wait3A_1179 : memref<128x128xf32, #tpu.memory_space<vmem>>) dst(%dma_wait3A_1175 : memref<128x128xf32, #tpu.memory_space<hbm>>)
    %dma_wait3A_1180 = arith.constant 5 : i32
    %dma_wait3A_1181 = arith.constant 0 : i32
    %dma_wait3A_1182 = arith.constant 0 : i32
    %dma_wait3A_1183 = tpu.memref_slice %arg6[%dma_wait3A_1180, %dma_wait3A_1181, %dma_wait3A_1182] : memref<6x128x128xf32, #tpu.memory_space<vmem>> -> memref<1x128x128xf32, #tpu.memory_space<vmem>>
    %dma_wait3A_1184 = tpu.memref_squeeze %dma_wait3A_1183 : memref<1x128x128xf32, #tpu.memory_space<vmem>> -> memref<128x128xf32, #tpu.memory_space<vmem>>
    %dma_wait3A_1185 = arith.constant 0 : i32
    %dma_wait3A_1186 = tpu.memref_slice %arg4[%add3A_1089, %dma_wait3A_1185] : memref<100000x128xf32, #tpu.memory_space<hbm>> -> memref<128x128xf32, #tpu.memory_space<hbm>>
    %dma_wait3A_1187 = arith.constant 0 : i32
    %dma_wait3A_1188 = tpu.memref_slice %arg4[%add3A_1089, %dma_wait3A_1187] : memref<100000x128xf32, #tpu.memory_space<hbm>> -> memref<128x128xf32, #tpu.memory_space<hbm>>
    %dma_wait3A_1189 = arith.constant 0 : i32
    %dma_wait3A_1190 = arith.constant 0 : i32
    %dma_wait3A_1191 = tpu.memref_slice %arg6[%dma_wait3A_1180, %dma_wait3A_1189, %dma_wait3A_1190] : memref<6x128x128xf32, #tpu.memory_space<vmem>> -> memref<1x128x128xf32, #tpu.memory_space<vmem>>
    %dma_wait3A_1192 = tpu.memref_squeeze %dma_wait3A_1191 : memref<1x128x128xf32, #tpu.memory_space<vmem>> -> memref<128x128xf32, #tpu.memory_space<vmem>>
    tpu.wait_dma2 semaphore(%arg19 : memref<!tpu.dma_semaphore, #tpu.memory_space<semaphore_mem>>) src(%dma_wait3A_1192 : memref<128x128xf32, #tpu.memory_space<vmem>>) dst(%dma_wait3A_1188 : memref<128x128xf32, #tpu.memory_space<hbm>>)
    %dma_wait3A_1193 = arith.constant 0 : i32
    %dma_wait3A_1194 = arith.constant 0 : i32
    %dma_wait3A_1195 = arith.constant 0 : i32
    %dma_wait3A_1196 = tpu.memref_slice %arg6[%dma_wait3A_1193, %dma_wait3A_1194, %dma_wait3A_1195] : memref<6x128x128xf32, #tpu.memory_space<vmem>> -> memref<1x56x128xf32, #tpu.memory_space<vmem>>
    %dma_wait3A_1197 = tpu.memref_squeeze %dma_wait3A_1196 : memref<1x56x128xf32, #tpu.memory_space<vmem>> -> memref<56x128xf32, #tpu.memory_space<vmem>>
    %dma_wait3A_1198 = arith.constant 0 : i32
    %dma_wait3A_1199 = tpu.memref_slice %arg4[%add3A_1114, %dma_wait3A_1198] : memref<100000x128xf32, #tpu.memory_space<hbm>> -> memref<56x128xf32, #tpu.memory_space<hbm>>
    %dma_wait3A_1200 = arith.constant 0 : i32
    %dma_wait3A_1201 = tpu.memref_slice %arg4[%add3A_1114, %dma_wait3A_1200] : memref<100000x128xf32, #tpu.memory_space<hbm>> -> memref<56x128xf32, #tpu.memory_space<hbm>>
    %dma_wait3A_1202 = arith.constant 0 : i32
    %dma_wait3A_1203 = arith.constant 0 : i32
    %dma_wait3A_1204 = tpu.memref_slice %arg6[%dma_wait3A_1193, %dma_wait3A_1202, %dma_wait3A_1203] : memref<6x128x128xf32, #tpu.memory_space<vmem>> -> memref<1x56x128xf32, #tpu.memory_space<vmem>>
    %dma_wait3A_1205 = tpu.memref_squeeze %dma_wait3A_1204 : memref<1x56x128xf32, #tpu.memory_space<vmem>> -> memref<56x128xf32, #tpu.memory_space<vmem>>
    tpu.wait_dma2 semaphore(%arg14 : memref<!tpu.dma_semaphore, #tpu.memory_space<semaphore_mem>>) src(%dma_wait3A_1205 : memref<56x128xf32, #tpu.memory_space<vmem>>) dst(%dma_wait3A_1201 : memref<56x128xf32, #tpu.memory_space<hbm>>)
    return
  }
}

</mosaic_0001>

<sc_bundles>
// kernel: kernel.3.cloned.1.call-start
scs
__scs_entry_jumppad:
0x0: {  	(pc) =	sbr.rel $0x88, $3  }
0x1: {  	(tag) =	ssettag $0x0;
	lr =	simm.s32 $0x1  }
0x2: {  	[smem:$0x3F9F] =	sst lr;
	_ =	strace $0xD0000000  }
0x3: {  	_ = 	snop  }
0x4: {  	_ = 	snop  }
0x5: {  	_ = 	snop  }
0x6: {  	_ = 	snop  }
0x7: {  	_ = 	snop  }
__scs_overlays_trampoline_lowered:
0x8: {  	[smem:$0x3FAE] =	sst s0  }
0x9: {  	[smem:$0x3FAF] =	sst s1  }
0xa: {  	[smem:$0x3FB0] =	sst s2  }
0xb: {  	[smem:$0x3FB1] =	sst s3  }
0xc: {  	[smem:$0x3FB2] =	sst s4  }
0xd: {  	[smem:$0x3FB3] =	sst s5  }
0xe: {  	[smem:$0x3FB4] =	sst s6  }
0xf: {  	[smem:$0x3FB5] =	sst s7  }
0x10: {  	[smem:$0x3FB6] =	sst s8  }
0x11: {  	[smem:$0x3FB7] =	sst s9;
	s0 =	simm.s32 @!p0 $0x0  }
0x12: {  	s1 =	sld [smem:$0x3F9D];
	s0 =	simm.s32 @p0 $0x1  }
0x13: {  	[smem:$0x3FB8] =	sst s0;
	s0 =	simm.s32 @!p1 $0x0  }
0x14: {  	s2 =	sld [smem:$0x3F9C];
	s0 =	simm.s32 @p1 $0x1  }
0x15: {  	[smem:$0x3FB9] =	sst s0;
	s0 =	simm.s32 @!p2 $0x0  }
0x16: {  	s3 =	sld [smem:$0x3FDB];
	s0 =	simm.s32 @p2 $0x1  }
0x17: {  	s4 =	simm.s32 $0x1BF5;
	[smem:$0x3FBB] =	sst s0  }
0x18: {  	s0 =	sld [smem:$0x3F9E];
	_ =	swait.ge [sflag:s4], $0x0  }
0x19: {  	s7 =	sld [smem:$0x3F9F]  }
0x1a: {  	s8 =	sadd.s32 $0xFFFFE003, lr  }
0x1b: {  	s9 =	sadd.s32 $0xFFFFFEF7, lr;
	s5 =	simm.s32 $0xFFFFFFFF;
	p2 =	slt.u32 s8, $0xFFFFF086  }
0x1c: {  	p1 =	slt.u32 s9, $0xF7A;
	s5 =	simm.s32 @!p2 $0x0  }
0x1d: {  	s5 =	simm.s32 @p1 $0x1;
	p0 =	seq.s32 s7, s2  }
0x1e: {  	s7 =	smul.u32 @!p0 $0xF7A, s2;
	p2 =	seq.s32 @!p0 s5, $0x0  }
0x1f: {  	s9 =	smul.u32 $0xF7A, s1;
	s8 =	simm.s32 @!p0 $0x1BF5;
	p2 =	por !p2, p0  }
0x20: {  	[sflag:s8] =	ssyncset.s32 @!p0 $0xFFFFF086;
	s6 =	sadd.s32 @!p0 s3, s7;
	s7 =	simm.s32 @!p0 $0x108  }
0x21: {  	s3 =	sadd.s32 s3, s9;
	s6 =	sadd.s32 @!p0 $0x88, s6;
	s7 =	simm.s32 @p2 $0x1082  }
0x22: {  	[simem:s7], [sflag:s8] =	dma.local @!p0 [hbm:s6], $0xF7A  }
0x23: {  	s9 =	sor.u32 $0xD0000000, s2;
	s6 =	simm.s32 $0x108;
	_ =	swait.ge @!p0 [sflag:s8], $0x0  }
0x24: {  	s3 =	sadd.s32 $0x88, s3;
	s6 =	simm.s32 @!p1 $0x1082;
	[sflag:s4] =	ssyncset.s32 $0xFFFFF086  }
0x25: {  	[simem:s6], [sflag:s4] =	dma.local [hbm:s3], $0xF7A  }
0x26: {  	[smem:$0x3F9F] =	sst s1;
	(tag) =	ssettag s2;
	_ =	strace s9  }
0x27: {  	s1 =	sld [smem:$0x3FAF]  }
0x28: {  	s2 =	sld [smem:$0x3FB0]  }
0x29: {  	s4 =	sld [smem:$0x3FB2]  }
0x2a: {  	p0 =	seq.s32 s5, $0x0;
	s5 =	sld [smem:$0x3FB3]  }
0x2b: {  	s6 =	sld [smem:$0x3FB4]  }
0x2c: {  	s7 =	sld [smem:$0x3FB5]  }
0x2d: {  	s3 =	simm.s32 $0x108;
	s8 =	sld [smem:$0x3FB6]  }
0x2e: {  	s3 =	simm.s32 @!p0 $0x1082;
	s9 =	sld [smem:$0x3FB7]  }
0x2f: {  	lr =	sadd.s32 s0, s3;
	s0 =	sld [smem:$0x3FAE]  }
0x30: {  	s3 =	sld [smem:$0x3FB1]  }
0x31: {  	[smem:$0x3FBA] =	sst s10  }
0x32: {  	s10 =	sld [smem:$0x3FB8];
	_ =	sdelay $0x3  }
0x33: {  	p0 =	seq.s32 s10, $0x1;
	s10 =	sld [smem:$0x3FBA];
	_ =	sdelay $0x3  }
0x34: {  	[smem:$0x3FBA] =	sst s10  }
0x35: {  	s10 =	sld [smem:$0x3FB9];
	_ =	sdelay $0x3  }
0x36: {  	p1 =	seq.s32 s10, $0x1;
	s10 =	sld [smem:$0x3FBA];
	_ =	sdelay $0x3  }
0x37: {  	[smem:$0x3FBA] =	sst s10  }
0x38: {  	s10 =	sld [smem:$0x3FBB]  }
0x39: {  	_ = 	snop;
	(pc) =	sbr.ind lr, $3  }
0x3a: {  	_ = 	snop  }
0x3b: {  	_ = 	snop  }
0x3c: {  	p2 =	seq.s32 s10, $0x1;
	s10 =	sld [smem:$0x3FBA]  }
0x3d: {  	_ =	shalt  }
0x3e: {  	_ =	shalt  }
0x3f: {  	_ =	shalt  }
0x40: {  	_ =	shalt  }
0x41: {  	_ =	shalt  }
0x42: {  	_ =	shalt  }
0x43: {  	_ =	shalt  }
0x44: {  	_ =	shalt  }
0x45: {  	_ =	shalt  }
0x46: {  	_ =	shalt  }
0x47: {  	_ =	shalt  }
0x48: {  	_ =	shalt  }
0x49: {  	_ =	shalt  }
0x4a: {  	_ =	shalt  }
0x4b: {  	_ =	shalt  }
0x4c: {  	_ =	shalt  }
0x4d: {  	_ =	shalt  }
0x4e: {  	_ =	shalt  }
0x4f: {  	_ =	shalt  }
0x50: {  	_ =	shalt  }
0x51: {  	_ =	shalt  }
0x52: {  	_ =	shalt  }
0x53: {  	_ =	shalt  }
0x54: {  	_ =	shalt  }
0x55: {  	_ =	shalt  }
0x56: {  	_ =	shalt  }
0x57: {  	_ =	shalt  }
0x58: {  	_ =	shalt  }
0x59: {  	_ =	shalt  }
0x5a: {  	_ =	shalt  }
0x5b: {  	_ =	shalt  }
0x5c: {  	_ =	shalt  }
0x5d: {  	_ =	shalt  }
0x5e: {  	_ =	shalt  }
0x5f: {  	_ =	shalt  }
0x60: {  	_ =	shalt  }
0x61: {  	_ =	shalt  }
0x62: {  	_ =	shalt  }
0x63: {  	_ =	shalt  }
0x64: {  	_ =	shalt  }
0x65: {  	_ =	shalt  }
0x66: {  	_ =	shalt  }
0x67: {  	_ =	shalt  }
0x68: {  	_ =	shalt  }
0x69: {  	_ =	shalt  }
0x6a: {  	_ =	shalt  }
0x6b: {  	_ =	shalt  }
0x6c: {  	_ =	shalt  }
0x6d: {  	_ =	shalt  }
0x6e: {  	_ =	shalt  }
0x6f: {  	_ =	shalt  }
0x70: {  	_ =	shalt  }
0x71: {  	_ =	shalt  }
0x72: {  	_ =	shalt  }
0x73: {  	_ =	shalt  }
0x74: {  	_ =	shalt  }
0x75: {  	_ =	shalt  }
0x76: {  	_ =	shalt  }
0x77: {  	_ =	shalt  }
0x78: {  	_ =	shalt  }
0x79: {  	_ =	shalt  }
0x7a: {  	_ =	shalt  }
0x7b: {  	_ =	shalt  }
0x7c: {  	_ =	shalt  }
0x7d: {  	_ =	shalt  }
0x7e: {  	_ =	shalt  }
0x7f: {  	_ =	shalt  }
0x80: {  	_ =	shalt  }
0x81: {  	_ =	shalt  }
0x82: {  	_ =	shalt  }
0x83: {  	_ =	shalt  }
0x84: {  	_ =	shalt  }
0x85: {  	_ =	shalt  }
0x86: {  	_ =	shalt  }
0x87: {  	_ =	shalt  }
.Lfunc_end0:
.L_simem_size_0:
called_computation_lowered:
.L_overlay_start_0:
0x88: {  	s2 =	sld [smem:$0x3FD9]  }
0x89: {  	s3 =	sld [smem:$0x3FFE];
	_ =	sdelay $0x1  }
0x8a: {  	s1 =	srdreg.scid  }
0x8b: {  	s0 =	sand.u32 $0x1, s1  }
0x8c: {  	s18 =	sshll.u32 s0, $0xA;
	s2 =	sadd.s32 s3, s2  }
0x8d: {  	s2 =	sadd.s32 s2, s18  }
0x8e: {  	[smem:$0x3FC6] =	sst s2  }
0x8f: {  	_ = 	snop  }
0x90: {  	s2 =	sld [smem:$0x3FC9]  }
0x91: {  	s19 =	sld [smem:$0x3FC8]  }
0x92: {  	s4 =	sld [smem:$0x3FD0];
	(tm) =	ssettm $0x1  }
0x93: {  	s5 =	sld [smem:$0x3FFB];
	_ =	sdelay $0x3  }
0x94: {  	_ =	strace s5  }
0x95: {  	s5 =	sld [smem:$0x3FFC];
	_ =	sdelay $0x3  }
0x96: {  	_ =	strace s5  }
0x97: {  	s5 =	sld [smem:$0x3FFD];
	_ =	sdelay $0x3  }
0x98: {  	_ =	strace s5  }
0x99: {  	_ =	strace $0x8FFFFFFF  }
0x9a: {  	s20 =	sld [smem:$0x3FDB];
	_ =	sdelay $0x1  }
0x9b: {  	s6 =	simm.s32 $_scs_section_size  }
0x9c: {  	s7 =	simm.s32 $_size__tile_overlayer_lowered;
	s8 =	simm.s32 $_tile_overlayer_lowered  }
0x9d: {  	s23 =	simm.s32 $0x1BFF;
	s22 =	sshll.u32 s8, $0x1;
	s5 =	sadd.s32 s6, s20  }
0x9e: {  	s9 =	simm.s32 $0x0;
	s21 =	sshll.u32 s7, $0x1;
	s7 =	sadd.s32 s22, s5  }
0x9f: {  	[timem:s9], [sflag:s23] =	dma.local [hbm:s7], s21  }
0xa0: {  	_ =	swait.ge [sflag:s23], s21  }
0xa1: {  	s6 =	ssub.s32 $0x0, s21;
	[sflag:s23] =	ssyncset.done $0x0  }
0xa2: {  	[sflag:s23] =	ssyncadd.s32 s6;
	_ =	sdelay $0x1  }
0xa3: {  	s24 =	simm.s32 $0x1B8B  }
0xa4: {  	_ =	swait.ge [sflag:s24], $0x1  }
0xa5: {  	[sflag:s24] =	ssyncset.done $0x0  }
0xa6: {  	s25 =	simm.s32 $0x1B8E;
	[sflag:s24] =	ssyncadd.s32 $0xFFFFFFFF  }
0xa7: {  	s26 =	simm.s32 $execute0_lowered;
	[smem:$0x3FD2] =	sst s25  }
0xa8: {  	s6 =	sshll.u32 s26, $0x1;
	_ =	strace $0x80000046;
	[dreg:$0x1] =	wrdreg $0xFFFFFFFF  }
0xa9: {  	s28 =	simm.s32 $_size_execute0_lowered;
	s5 =	sadd.s32 s5, s6;
	[dreg:$0x0] =	wrdreg $0x0  }
0xaa: {  	s6 =	sshll.u32 s28, $0x1;
	[dreg:$0x2] =	wrdreg s5  }
0xab: {  	[dreg:$0x3] =	wrdreg s6  }
0xac: {  	[dreg:$0x4] =	wrdreg $0xC0  }
0xad: {  	_ =	task [dreg:s9], $0x5FFFF  }
0xae: {  	[dreg:$0x1] =	wrdreg $0xFFFFFFFF  }
0xaf: {  	[dreg:$0x0] =	wrdreg $0x60  }
0xb0: {  	[dreg:$0x2] =	wrdreg s2  }
0xb1: {  	[dreg:$0x3] =	wrdreg s19  }
0xb2: {  	[dreg:$0x4] =	wrdreg s4  }
0xb3: {  	[dreg:$0x5] =	wrdreg $0x9  }
0xb4: {  	_ =	task.clear_ibuf [dreg:s9], $0x6FFFF;
	_ =	strace $0x90000046  }
0xb5: {  	s29 =	simm.s32 $0x9;
	_ =	strace $0x80000048  }
0xb6: {  	_ =	swait.ge [sflag:s29], $0x1  }
0xb7: {  	[sflag:s29] =	ssyncadd.s32 $0xFFFFFFFF  }
0xb8: {  	_ =	strace $0x90000048  }
0xb9: {  	_ =	sfence  }
0xba: {  	s30 =	sld [smem:$0x0];
	_ =	sdelay $0x2  }
0xbb: {  	s31 =	sshll.u32 s1, $0xD;
	s1 =	sshrl.u32 s1, $0x2  }
0xbc: {  	s3 =	sand.u32 $0x4000, s31;
	s1 =	sadd.s32 s1, s30  }
0xbd: {  	s0 =	sor.u32 s3, s0;
	s1 =	sshll.u32 s1, $0x11  }
0xbe: {  	s0 =	sor.u32 s1, s0  }
0xbf: {  	s0 =	sadd.s32 $0x8F2B, s0  }
0xc0: {  	[sflag:s0] =	ssyncadd.remote.s32 $0x1  }
0xc1: {  	_ =	sfence.sel $0xFFFF  }
0xc2: {  	[dreg:$0x0] =	wrdreg $0xFFFFFFFF;
	(pc) =	sbr.abs _section_cstart, $3  }
0xc3: {  	[dreg:$0x1] =	wrdreg $0xFFFFFFFF  }
0xc4: {  	_ =	task.clear_ibuf [dreg:s9], $0x2FFFF;
	_ =	strace $0x9FFFFFFF  }
0xc5: {  	(tm) =	ssettm $0x7FFFFFFF  }
tec
execute0_lowered:
.L_overlay_start_1:
0x0: {  	(tag) =	ssettag $0x1  }
0x1: {  	s0 =	srdreg.scid;
	s23 =	stileid.u32  }
0x2: {  	s0 =	sand.u32 $0x1, s0;
	s1 =	sshll.u32 s23, $0x1  }
0x3: {  	s1 =	sor.u32 s0, s1  }
0x4: {  	s4 =	rddreg [dreg:$0x0];
	s5 =	smul.u32 $0xC38, s1  }
0x5: {  	s3 =	rddreg [dreg:$0x1];
	p0 =	seq.s32 s1, $0x1F  }
0x6: {  	s6 =	rddreg [dreg:$0x2];
	s5 =	simm.s32 @p0 $0x17A68  }
0x7: {  	s2 =	simm.s32 $0x0;
	s14 =	sshrl.u32 s5, $0x3;
	s5 =	sshll.u32 s5, $0x4  }
0x8: {  	[smem:$0x7FF] =	sst s2;
	s1 =	sadd.s32 s4, s14;
	s30 =	sadd.s32 s6, s5  }
0x9: {  	_ =	strace $0x80000047;
	[dreg:$0x4] =	wrdreg s1;
	s15 =	sadd.s32 $0x800, s30  }
0xa: {  	s16 =	sadd.s32 $0x1000, s30;
	[dreg:$0x5] =	wrdreg s15  }
0xb: {  	s17 =	sadd.s32 $0x1800, s30;
	[dreg:$0x6] =	wrdreg s16  }
0xc: {  	s18 =	sadd.s32 $0x2000, s30;
	[dreg:$0x7] =	wrdreg s17  }
0xd: {  	s19 =	sadd.s32 $0x2800, s30;
	[dreg:$0x8] =	wrdreg s18  }
0xe: {  	s20 =	sadd.s32 $0x3000, s30;
	[dreg:$0x9] =	wrdreg s19  }
0xf: {  	s21 =	sadd.s32 $0x3800, s30;
	[dreg:$0xa] =	wrdreg s20  }
0x10: {  	s22 =	sadd.s32 $0x4000, s30;
	[dreg:$0xb] =	wrdreg s21  }
0x11: {  	s24 =	sadd.s32 $0x4800, s30;
	[dreg:$0xc] =	wrdreg s22  }
0x12: {  	s25 =	sadd.s32 $0x5000, s30;
	[dreg:$0xd] =	wrdreg s24  }
0x13: {  	s26 =	sadd.s32 $0x5800, s30;
	[dreg:$0xe] =	wrdreg s25  }
0x14: {  	s4 =	sadd.s32 $0x6000, s30;
	[dreg:$0xf] =	wrdreg s26  }
0x15: {  	s5 =	sadd.s32 $0x6800, s30;
	[dreg:$0x10] =	wrdreg s4  }
0x16: {  	s6 =	sadd.s32 $0x7000, s30;
	[dreg:$0x11] =	wrdreg s5  }
0x17: {  	s7 =	sadd.s32 $0x7800, s30;
	[dreg:$0x12] =	wrdreg s6  }
0x18: {  	s8 =	sadd.s32 $0x8000, s30;
	[dreg:$0x13] =	wrdreg s7  }
0x19: {  	s31 =	simm.s32 $0x1;
	s9 =	sadd.s32 $0x8800, s30;
	[dreg:$0x14] =	wrdreg s8  }
0x1a: {  	s29 =	simm.s32 $0xA80;
	s10 =	sadd.s32 $0x9000, s30;
	[dreg:$0x15] =	wrdreg s9  }
0x1b: {  	s28 =	simm.s32 $0xB00;
	s11 =	sadd.s32 $0x9800, s30;
	[dreg:$0x16] =	wrdreg s10  }
0x1c: {  	s0 =	ssub.s32 $0x2, s0;
	s12 =	sadd.s32 $0xA000, s30;
	[dreg:$0x17] =	wrdreg s11  }
0x1d: {  	p0 =	por $0x0, $0x0;
	s13 =	sadd.s32 $0xA800, s30;
	[dreg:$0x18] =	wrdreg s12  }
0x1e: {  	s14 =	sadd.s32 $0xB000, s30;
	[dreg:$0x19] =	wrdreg s13;
	s15 =	sshrl.u32 s0, $0x1  }
0x1f: {  	[dreg:$0x1a] =	wrdreg s14;
	s16 =	sadd.s32 $0xB800, s30;
	s17 =	sadd.s32 $0xC000, s30  }
0x20: {  	s18 =	simm.s32 $0x100;
	s4 =	simm.s32 $0xC80;
	[dreg:$0x1b] =	wrdreg s16  }
0x21: {  	s19 =	simm.s32 $0x180;
	s13 =	simm.s32 $0x4C80;
	[dreg:$0x1c] =	wrdreg s17  }
0x22: {  	s20 =	simm.s32 $0x200;
	s11 =	simm.s32 $0x8C80;
	[dreg:$0x1d] =	wrdreg s18  }
0x23: {  	s21 =	simm.s32 $0x280;
	s9 =	simm.s32 $0xCC80;
	[dreg:$0x1e] =	wrdreg s19  }
0x24: {  	s22 =	simm.s32 $0x300;
	s8 =	simm.s32 $0x10C80;
	[dreg:$0x1f] =	wrdreg s20  }
0x25: {  	s24 =	simm.s32 $0x380;
	s7 =	simm.s32 $0x14C80;
	[smem:$0x7EF] =	sst s21  }
0x26: {  	s25 =	simm.s32 $0x400;
	s6 =	simm.s32 $0x2;
	[smem:$0x7F0] =	sst s22  }
0x27: {  	s26 =	simm.s32 $0x480;
	s5 =	simm.s32 $0x8;
	[smem:$0x7F1] =	sst s24  }
0x28: {  	s10 =	simm.s32 $0x500;
	s12 =	simm.s32 $0x580;
	[smem:$0x7F2] =	sst s25  }
0x29: {  	s14 =	simm.s32 $0x600;
	s0 =	ssub.s32 s0, s15;
	[smem:$0x7F3] =	sst s26  }
0x2a: {  	s16 =	simm.s32 $0x80;
	s18 =	simm.s32 $0x3;
	[smem:$0x7F4] =	sst s10  }
0x2b: {  	s10 =	simm.s32 $0x9;
	[smem:$0x7F5] =	sst s12;
	s19 =	simm.s32 $0x4  }
0x2c: {  	[smem:$0x7F6] =	sst s14;
	s15 =	simm.s32 $0x680;
	s12 =	simm.s32 $0xA  }
0x2d: {  	s17 =	simm.s32 $0x700;
	s20 =	simm.s32 $0x5;
	[smem:$0x7F7] =	sst s15  }
0x2e: {  	s21 =	simm.s32 $0x780;
	s14 =	simm.s32 $0xB;
	[smem:$0x7F8] =	sst s17  }
0x2f: {  	s22 =	simm.s32 $0x800;
	s0 =	smax.u32 s0, $0x1;
	[smem:$0x7F9] =	sst s21  }
0x30: {  	s24 =	simm.s32 $0x880;
	[smem:$0x7FA] =	sst s22;
	p1 =	sne.s32 s0, $0x1  }
.Ltmp0:
0x31: {  	s25 =	simm.s32 $0x900;
	[smem:$0x7FB] =	sst s24;
	(pc) =	sbr.rel @!p1 .LBB2_1-.Ltmp0, $4  }
0x32: {  	s26 =	simm.s32 $0x980;
	s21 =	simm.s32 $0x6;
	[smem:$0x7FC] =	sst s25  }
0x33: {  	s15 =	simm.s32 $0xC;
	s22 =	simm.s32 $0x7;
	[smem:$0x7FD] =	sst s26  }
0x34: {  	s17 =	simm.s32 $0xD;
	s26 =	simm.s32 $0xB80;
	s24 =	simm.s32 $0x38  }
0x35: {  	s25 =	simm.s32 $0xC00;
	s1 =	sadd.s32 $0xFFFFFFFF, s0;
	s0 =	rddreg [dreg:$0x4]  }
0x36: {  	[tilespmem:s2], [sflag:$0x1] =	stream.linear.gather [hbm4b:s0+s2], $0xC38, $0x38;
	[tilespmem:$0x18C80] =	vst v63  }
0x37: {  	_ =	swait.ge [sflag:s31], $0xC38  }
0x38: {  	[sflag:s31] =	ssyncset.done $0x0  }
0x39: {  	[sflag:s31] =	ssyncadd.s32 $0xFFFFF3C8  }
0x3a: {  	[tilespmem:s4], [sflag:$0x2] =	stream.indirect.gather [hbm4b:s3+s16], $0x80, s2, s16, $0xb8;
	[tilespmem:$0x18C80] =	vst v63  }
0x3b: {  	s0 =	rddreg [dreg:$0x1d]  }
0x3c: {  	[tilespmem:s13], [sflag:$0x3] =	stream.indirect.gather [hbm4b:s3+s16], $0x80, s16, s16, $0xb8;
	[tilespmem:$0x18C80] =	vst v63  }
0x3d: {  	s23 =	smov.u32 s1;
	s1 =	rddreg [dreg:$0x1e]  }
0x3e: {  	[tilespmem:s11], [sflag:$0x4] =	stream.indirect.gather [hbm4b:s3+s16], $0x80, s0, s16, $0xb8;
	[tilespmem:$0x18C80] =	vst v63  }
0x3f: {  	s0 =	rddreg [dreg:$0x1f]  }
0x40: {  	[tilespmem:s9], [sflag:$0x5] =	stream.indirect.gather [hbm4b:s3+s16], $0x80, s1, s16, $0xb8;
	[tilespmem:$0x18C80] =	vst v63  }
0x41: {  	s1 =	sld [smem:$0x7EF]  }
0x42: {  	[tilespmem:s8], [sflag:$0x6] =	stream.indirect.gather [hbm4b:s3+s16], $0x80, s0, s16, $0xb8;
	[tilespmem:$0x18C80] =	vst v63  }
0x43: {  	_ = 	snop  }
0x44: {  	[tilespmem:s7], [sflag:$0x7] =	stream.indirect.gather [hbm4b:s3+s16], $0x80, s1, s16, $0xb8;
	[tilespmem:$0x18C80] =	vst v63  }
0x45: {  	_ =	swait.ge [sflag:s6], $0x4000  }
0x46: {  	[sflag:s6] =	ssyncset.done $0x0  }
0x47: {  	[sflag:s6] =	ssyncadd.s32 $0xFFFFC000  }
0x48: {  	[hbm4b:s30+s2] =	stream.linear.scatter [tilespmem:s4], [sflag:$0x8], $0x4000, $0x38;
	[tilespmem:$0x18C80] =	vst v63  }
0x49: {  	_ =	swait.ge [sflag:s5], $0x4000  }
0x4a: {  	s1 =	sld [smem:$0x7F0]  }
0x4b: {  	[sflag:s5] =	ssyncset.done $0x0  }
0x4c: {  	[sflag:s5] =	ssyncadd.s32 $0xFFFFC000  }
0x4d: {  	[tilespmem:s4], [sflag:$0x2] =	stream.indirect.gather [hbm4b:s3+s16], $0x80, s1, s16, $0xb8;
	[tilespmem:$0x18C80] =	vst v63  }
0x4e: {  	_ =	swait.ge [sflag:s18], $0x4000  }
0x4f: {  	[sflag:s18] =	ssyncset.done $0x0  }
0x50: {  	s1 =	rddreg [dreg:$0x5];
	[sflag:s18] =	ssyncadd.s32 $0xFFFFC000  }
0x51: {  	[hbm4b:s1+s2] =	stream.linear.scatter [tilespmem:s13], [sflag:$0x9], $0x4000, $0x38;
	[tilespmem:$0x18C80] =	vst v63  }
0x52: {  	_ =	swait.ge [sflag:s10], $0x4000  }
0x53: {  	s1 =	sld [smem:$0x7F1]  }
0x54: {  	[sflag:s10] =	ssyncset.done $0x0  }
0x55: {  	[sflag:s10] =	ssyncadd.s32 $0xFFFFC000  }
0x56: {  	[tilespmem:s13], [sflag:$0x3] =	stream.indirect.gather [hbm4b:s3+s16], $0x80, s1, s16, $0xb8;
	[tilespmem:$0x18C80] =	vst v63  }
0x57: {  	_ =	swait.ge [sflag:s19], $0x4000  }
0x58: {  	[sflag:s19] =	ssyncset.done $0x0  }
0x59: {  	s1 =	rddreg [dreg:$0x6];
	[sflag:s19] =	ssyncadd.s32 $0xFFFFC000  }
0x5a: {  	[hbm4b:s1+s2] =	stream.linear.scatter [tilespmem:s11], [sflag:$0xA], $0x4000, $0x38;
	[tilespmem:$0x18C80] =	vst v63  }
0x5b: {  	_ =	swait.ge [sflag:s12], $0x4000  }
0x5c: {  	s1 =	sld [smem:$0x7F2]  }
0x5d: {  	[sflag:s12] =	ssyncset.done $0x0  }
0x5e: {  	[sflag:s12] =	ssyncadd.s32 $0xFFFFC000  }
0x5f: {  	[tilespmem:s11], [sflag:$0x4] =	stream.indirect.gather [hbm4b:s3+s16], $0x80, s1, s16, $0xb8;
	[tilespmem:$0x18C80] =	vst v63  }
0x60: {  	_ =	swait.ge [sflag:s20], $0x4000  }
0x61: {  	[sflag:s20] =	ssyncset.done $0x0  }
0x62: {  	s1 =	rddreg [dreg:$0x7];
	[sflag:s20] =	ssyncadd.s32 $0xFFFFC000  }
0x63: {  	[hbm4b:s1+s2] =	stream.linear.scatter [tilespmem:s9], [sflag:$0xB], $0x4000, $0x38;
	[tilespmem:$0x18C80] =	vst v63  }
0x64: {  	_ =	swait.ge [sflag:s14], $0x4000  }
0x65: {  	s1 =	sld [smem:$0x7F3]  }
0x66: {  	[sflag:s14] =	ssyncset.done $0x0  }
0x67: {  	[sflag:s14] =	ssyncadd.s32 $0xFFFFC000  }
0x68: {  	[tilespmem:s9], [sflag:$0x5] =	stream.indirect.gather [hbm4b:s3+s16], $0x80, s1, s16, $0xb8;
	[tilespmem:$0x18C80] =	vst v63  }
0x69: {  	_ =	swait.ge [sflag:s21], $0x4000  }
0x6a: {  	[sflag:s21] =	ssyncset.done $0x0  }
0x6b: {  	s1 =	rddreg [dreg:$0x8];
	[sflag:s21] =	ssyncadd.s32 $0xFFFFC000  }
0x6c: {  	[hbm4b:s1+s2] =	stream.linear.scatter [tilespmem:s8], [sflag:$0xC], $0x4000, $0x38;
	[tilespmem:$0x18C80] =	vst v63  }
0x6d: {  	_ =	swait.ge [sflag:s15], $0x4000  }
0x6e: {  	s1 =	sld [smem:$0x7F4]  }
0x6f: {  	[sflag:s15] =	ssyncset.done $0x0  }
0x70: {  	[sflag:s15] =	ssyncadd.s32 $0xFFFFC000  }
0x71: {  	[tilespmem:s8], [sflag:$0x6] =	stream.indirect.gather [hbm4b:s3+s16], $0x80, s1, s16, $0xb8;
	[tilespmem:$0x18C80] =	vst v63  }
0x72: {  	_ =	swait.ge [sflag:s22], $0x4000  }
0x73: {  	[sflag:s22] =	ssyncset.done $0x0  }
0x74: {  	s1 =	rddreg [dreg:$0x9];
	[sflag:s22] =	ssyncadd.s32 $0xFFFFC000  }
0x75: {  	[hbm4b:s1+s2] =	stream.linear.scatter [tilespmem:s7], [sflag:$0xD], $0x4000, $0x38;
	[tilespmem:$0x18C80] =	vst v63  }
0x76: {  	_ =	swait.ge [sflag:s17], $0x4000  }
0x77: {  	s1 =	sld [smem:$0x7F5]  }
0x78: {  	[sflag:s17] =	ssyncset.done $0x0  }
0x79: {  	[sflag:s17] =	ssyncadd.s32 $0xFFFFC000  }
0x7a: {  	[tilespmem:s7], [sflag:$0x7] =	stream.indirect.gather [hbm4b:s3+s16], $0x80, s1, s16, $0xb8;
	[tilespmem:$0x18C80] =	vst v63  }
0x7b: {  	_ =	swait.ge [sflag:s6], $0x4000  }
0x7c: {  	[sflag:s6] =	ssyncset.done $0x0  }
0x7d: {  	s1 =	rddreg [dreg:$0xa];
	[sflag:s6] =	ssyncadd.s32 $0xFFFFC000  }
0x7e: {  	[hbm4b:s1+s2] =	stream.linear.scatter [tilespmem:s4], [sflag:$0x8], $0x4000, $0x38;
	[tilespmem:$0x18C80] =	vst v63  }
0x7f: {  	_ =	swait.ge [sflag:s5], $0x4000  }
0x80: {  	s1 =	sld [smem:$0x7F6]  }
0x81: {  	[sflag:s5] =	ssyncset.done $0x0  }
0x82: {  	[sflag:s5] =	ssyncadd.s32 $0xFFFFC000  }
0x83: {  	[tilespmem:s4], [sflag:$0x2] =	stream.indirect.gather [hbm4b:s3+s16], $0x80, s1, s16, $0xb8;
	[tilespmem:$0x18C80] =	vst v63  }
0x84: {  	_ =	swait.ge [sflag:s18], $0x4000  }
0x85: {  	[sflag:s18] =	ssyncset.done $0x0  }
0x86: {  	s1 =	rddreg [dreg:$0xb];
	[sflag:s18] =	ssyncadd.s32 $0xFFFFC000  }
0x87: {  	[hbm4b:s1+s2] =	stream.linear.scatter [tilespmem:s13], [sflag:$0x9], $0x4000, $0x38;
	[tilespmem:$0x18C80] =	vst v63  }
0x88: {  	_ =	swait.ge [sflag:s10], $0x4000  }
0x89: {  	s1 =	sld [smem:$0x7F7]  }
0x8a: {  	[sflag:s10] =	ssyncset.done $0x0  }
0x8b: {  	[sflag:s10] =	ssyncadd.s32 $0xFFFFC000  }
0x8c: {  	[tilespmem:s13], [sflag:$0x3] =	stream.indirect.gather [hbm4b:s3+s16], $0x80, s1, s16, $0xb8;
	[tilespmem:$0x18C80] =	vst v63  }
0x8d: {  	_ =	swait.ge [sflag:s19], $0x4000  }
0x8e: {  	[sflag:s19] =	ssyncset.done $0x0  }
0x8f: {  	s1 =	rddreg [dreg:$0xc];
	[sflag:s19] =	ssyncadd.s32 $0xFFFFC000  }
0x90: {  	[hbm4b:s1+s2] =	stream.linear.scatter [tilespmem:s11], [sflag:$0xA], $0x4000, $0x38;
	[tilespmem:$0x18C80] =	vst v63  }
0x91: {  	_ =	swait.ge [sflag:s12], $0x4000  }
0x92: {  	s1 =	sld [smem:$0x7F8]  }
0x93: {  	[sflag:s12] =	ssyncset.done $0x0  }
0x94: {  	[sflag:s12] =	ssyncadd.s32 $0xFFFFC000  }
0x95: {  	[tilespmem:s11], [sflag:$0x4] =	stream.indirect.gather [hbm4b:s3+s16], $0x80, s1, s16, $0xb8;
	[tilespmem:$0x18C80] =	vst v63  }
0x96: {  	_ =	swait.ge [sflag:s20], $0x4000  }
0x97: {  	[sflag:s20] =	ssyncset.done $0x0  }
0x98: {  	s1 =	rddreg [dreg:$0xd];
	[sflag:s20] =	ssyncadd.s32 $0xFFFFC000  }
0x99: {  	[hbm4b:s1+s2] =	stream.linear.scatter [tilespmem:s9], [sflag:$0xB], $0x4000, $0x38;
	[tilespmem:$0x18C80] =	vst v63  }
0x9a: {  	_ =	swait.ge [sflag:s14], $0x4000  }
0x9b: {  	s1 =	sld [smem:$0x7F9]  }
0x9c: {  	[sflag:s14] =	ssyncset.done $0x0  }
0x9d: {  	[sflag:s14] =	ssyncadd.s32 $0xFFFFC000  }
0x9e: {  	[tilespmem:s9], [sflag:$0x5] =	stream.indirect.gather [hbm4b:s3+s16], $0x80, s1, s16, $0xb8;
	[tilespmem:$0x18C80] =	vst v63  }
0x9f: {  	_ =	swait.ge [sflag:s21], $0x4000  }
0xa0: {  	[sflag:s21] =	ssyncset.done $0x0  }
0xa1: {  	s1 =	rddreg [dreg:$0xe];
	[sflag:s21] =	ssyncadd.s32 $0xFFFFC000  }
0xa2: {  	[hbm4b:s1+s2] =	stream.linear.scatter [tilespmem:s8], [sflag:$0xC], $0x4000, $0x38;
	[tilespmem:$0x18C80] =	vst v63  }
0xa3: {  	_ =	swait.ge [sflag:s15], $0x4000  }
0xa4: {  	s1 =	sld [smem:$0x7FA]  }
0xa5: {  	[sflag:s15] =	ssyncset.done $0x0  }
0xa6: {  	[sflag:s15] =	ssyncadd.s32 $0xFFFFC000  }
0xa7: {  	[tilespmem:s8], [sflag:$0x6] =	stream.indirect.gather [hbm4b:s3+s16], $0x80, s1, s16, $0xb8;
	[tilespmem:$0x18C80] =	vst v63  }
0xa8: {  	_ =	swait.ge [sflag:s22], $0x4000  }
0xa9: {  	[sflag:s22] =	ssyncset.done $0x0  }
0xaa: {  	s1 =	rddreg [dreg:$0xf];
	[sflag:s22] =	ssyncadd.s32 $0xFFFFC000  }
0xab: {  	[hbm4b:s1+s2] =	stream.linear.scatter [tilespmem:s7], [sflag:$0xD], $0x4000, $0x38;
	[tilespmem:$0x18C80] =	vst v63  }
0xac: {  	_ =	swait.ge [sflag:s17], $0x4000  }
0xad: {  	s1 =	sld [smem:$0x7FB]  }
0xae: {  	[sflag:s17] =	ssyncset.done $0x0  }
0xaf: {  	[sflag:s17] =	ssyncadd.s32 $0xFFFFC000  }
0xb0: {  	[tilespmem:s7], [sflag:$0x7] =	stream.indirect.gather [hbm4b:s3+s16], $0x80, s1, s16, $0xb8;
	[tilespmem:$0x18C80] =	vst v63  }
0xb1: {  	_ =	swait.ge [sflag:s6], $0x4000  }
0xb2: {  	[sflag:s6] =	ssyncset.done $0x0  }
0xb3: {  	s1 =	rddreg [dreg:$0x10];
	[sflag:s6] =	ssyncadd.s32 $0xFFFFC000  }
0xb4: {  	[hbm4b:s1+s2] =	stream.linear.scatter [tilespmem:s4], [sflag:$0x8], $0x4000, $0x38;
	[tilespmem:$0x18C80] =	vst v63  }
0xb5: {  	_ =	swait.ge [sflag:s5], $0x4000  }
0xb6: {  	s1 =	sld [smem:$0x7FC]  }
0xb7: {  	[sflag:s5] =	ssyncset.done $0x0  }
0xb8: {  	[sflag:s5] =	ssyncadd.s32 $0xFFFFC000  }
0xb9: {  	[tilespmem:s4], [sflag:$0x2] =	stream.indirect.gather [hbm4b:s3+s16], $0x80, s1, s16, $0xb8;
	[tilespmem:$0x18C80] =	vst v63  }
0xba: {  	_ =	swait.ge [sflag:s18], $0x4000  }
0xbb: {  	[sflag:s18] =	ssyncset.done $0x0  }
0xbc: {  	s1 =	rddreg [dreg:$0x11];
	[sflag:s18] =	ssyncadd.s32 $0xFFFFC000  }
0xbd: {  	[hbm4b:s1+s2] =	stream.linear.scatter [tilespmem:s13], [sflag:$0x9], $0x4000, $0x38;
	[tilespmem:$0x18C80] =	vst v63  }
0xbe: {  	_ =	swait.ge [sflag:s10], $0x4000  }
0xbf: {  	s1 =	sld [smem:$0x7FD]  }
0xc0: {  	[sflag:s10] =	ssyncset.done $0x0  }
0xc1: {  	[sflag:s10] =	ssyncadd.s32 $0xFFFFC000  }
0xc2: {  	[tilespmem:s13], [sflag:$0x3] =	stream.indirect.gather [hbm4b:s3+s16], $0x80, s1, s16, $0xb8;
	[tilespmem:$0x18C80] =	vst v63  }
0xc3: {  	_ =	swait.ge [sflag:s19], $0x4000  }
0xc4: {  	[sflag:s19] =	ssyncset.done $0x0  }
0xc5: {  	s1 =	rddreg [dreg:$0x12];
	[sflag:s19] =	ssyncadd.s32 $0xFFFFC000  }
0xc6: {  	[hbm4b:s1+s2] =	stream.linear.scatter [tilespmem:s11], [sflag:$0xA], $0x4000, $0x38;
	[tilespmem:$0x18C80] =	vst v63  }
0xc7: {  	_ =	swait.ge [sflag:s12], $0x4000  }
0xc8: {  	[sflag:s12] =	ssyncset.done $0x0  }
0xc9: {  	s1 =	simm.s32 $0xA00;
	[sflag:s12] =	ssyncadd.s32 $0xFFFFC000  }
0xca: {  	[tilespmem:s11], [sflag:$0x4] =	stream.indirect.gather [hbm4b:s3+s16], $0x80, s1, s16, $0xb8;
	[tilespmem:$0x18C80] =	vst v63  }
0xcb: {  	_ =	swait.ge [sflag:s20], $0x4000  }
0xcc: {  	[sflag:s20] =	ssyncset.done $0x0  }
0xcd: {  	s1 =	rddreg [dreg:$0x13];
	[sflag:s20] =	ssyncadd.s32 $0xFFFFC000  }
0xce: {  	[hbm4b:s1+s2] =	stream.linear.scatter [tilespmem:s9], [sflag:$0xB], $0x4000, $0x38;
	[tilespmem:$0x18C80] =	vst v63  }
0xcf: {  	_ =	swait.ge [sflag:s14], $0x4000  }
0xd0: {  	[sflag:s14] =	ssyncset.done $0x0  }
0xd1: {  	[sflag:s14] =	ssyncadd.s32 $0xFFFFC000  }
0xd2: {  	[tilespmem:s9], [sflag:$0x5] =	stream.indirect.gather [hbm4b:s3+s16], $0x80, s29, s16, $0xb8;
	[tilespmem:$0x18C80] =	vst v63  }
0xd3: {  	_ =	swait.ge [sflag:s21], $0x4000  }
0xd4: {  	[sflag:s21] =	ssyncset.done $0x0  }
0xd5: {  	s1 =	rddreg [dreg:$0x14];
	[sflag:s21] =	ssyncadd.s32 $0xFFFFC000  }
0xd6: {  	[hbm4b:s1+s2] =	stream.linear.scatter [tilespmem:s8], [sflag:$0xC], $0x4000, $0x38;
	[tilespmem:$0x18C80] =	vst v63  }
0xd7: {  	_ =	swait.ge [sflag:s15], $0x4000  }
0xd8: {  	[sflag:s15] =	ssyncset.done $0x0  }
0xd9: {  	[sflag:s15] =	ssyncadd.s32 $0xFFFFC000  }
0xda: {  	[tilespmem:s8], [sflag:$0x6] =	stream.indirect.gather [hbm4b:s3+s16], $0x80, s28, s16, $0xb8;
	[tilespmem:$0x18C80] =	vst v63  }
0xdb: {  	_ =	swait.ge [sflag:s22], $0x4000  }
0xdc: {  	[sflag:s22] =	ssyncset.done $0x0  }
0xdd: {  	s1 =	rddreg [dreg:$0x15];
	[sflag:s22] =	ssyncadd.s32 $0xFFFFC000  }
0xde: {  	[hbm4b:s1+s2] =	stream.linear.scatter [tilespmem:s7], [sflag:$0xD], $0x4000, $0x38;
	[tilespmem:$0x18C80] =	vst v63  }
0xdf: {  	_ =	swait.ge [sflag:s17], $0x4000  }
0xe0: {  	[sflag:s17] =	ssyncset.done $0x0  }
0xe1: {  	[sflag:s17] =	ssyncadd.s32 $0xFFFFC000  }
0xe2: {  	[tilespmem:s7], [sflag:$0x7] =	stream.indirect.gather [hbm4b:s3+s16], $0x80, s26, s16, $0xb8;
	[tilespmem:$0x18C80] =	vst v63  }
0xe3: {  	_ =	swait.ge [sflag:s6], $0x4000  }
0xe4: {  	[sflag:s6] =	ssyncset.done $0x0  }
0xe5: {  	s1 =	rddreg [dreg:$0x16];
	[sflag:s6] =	ssyncadd.s32 $0xFFFFC000  }
0xe6: {  	[hbm4b:s1+s2] =	stream.linear.scatter [tilespmem:s4], [sflag:$0x8], $0x4000, $0x38;
	[tilespmem:$0x18C80] =	vst v63  }
0xe7: {  	_ =	swait.ge [sflag:s5], $0x4000  }
0xe8: {  	[sflag:s5] =	ssyncset.done $0x0  }
0xe9: {  	[sflag:s5] =	ssyncadd.s32 $0xFFFFC000  }
0xea: {  	[tilespmem:s4], [sflag:$0x2] =	stream.indirect.gather [hbm4b:s3+s24], $0x80, s25, s24, $0xb8;
	[tilespmem:$0x18C80] =	vst v63  }
0xeb: {  	_ =	swait.ge [sflag:s18], $0x4000  }
0xec: {  	[sflag:s18] =	ssyncset.done $0x0  }
0xed: {  	s1 =	rddreg [dreg:$0x17];
	[sflag:s18] =	ssyncadd.s32 $0xFFFFC000  }
0xee: {  	[hbm4b:s1+s2] =	stream.linear.scatter [tilespmem:s13], [sflag:$0x9], $0x4000, $0x38;
	[tilespmem:$0x18C80] =	vst v63  }
0xef: {  	_ =	swait.ge [sflag:s19], $0x4000  }
0xf0: {  	[sflag:s19] =	ssyncset.done $0x0  }
0xf1: {  	s1 =	rddreg [dreg:$0x18];
	[sflag:s19] =	ssyncadd.s32 $0xFFFFC000  }
0xf2: {  	[hbm4b:s1+s2] =	stream.linear.scatter [tilespmem:s11], [sflag:$0xA], $0x4000, $0x38;
	[tilespmem:$0x18C80] =	vst v63  }
0xf3: {  	_ =	swait.ge [sflag:s20], $0x4000  }
0xf4: {  	[sflag:s20] =	ssyncset.done $0x0  }
0xf5: {  	s1 =	rddreg [dreg:$0x19];
	[sflag:s20] =	ssyncadd.s32 $0xFFFFC000  }
0xf6: {  	[hbm4b:s1+s2] =	stream.linear.scatter [tilespmem:s9], [sflag:$0xB], $0x4000, $0x38;
	[tilespmem:$0x18C80] =	vst v63  }
0xf7: {  	_ =	swait.ge [sflag:s21], $0x4000  }
0xf8: {  	[sflag:s21] =	ssyncset.done $0x0  }
0xf9: {  	s1 =	rddreg [dreg:$0x1a];
	[sflag:s21] =	ssyncadd.s32 $0xFFFFC000  }
0xfa: {  	[hbm4b:s1+s2] =	stream.linear.scatter [tilespmem:s8], [sflag:$0xC], $0x4000, $0x38;
	[tilespmem:$0x18C80] =	vst v63  }
0xfb: {  	_ =	swait.ge [sflag:s22], $0x4000  }
0xfc: {  	[sflag:s22] =	ssyncset.done $0x0  }
0xfd: {  	s1 =	rddreg [dreg:$0x1b];
	[sflag:s22] =	ssyncadd.s32 $0xFFFFC000  }
0xfe: {  	[hbm4b:s1+s2] =	stream.linear.scatter [tilespmem:s7], [sflag:$0xD], $0x4000, $0x38;
	[tilespmem:$0x18C80] =	vst v63  }
0xff: {  	_ =	swait.ge [sflag:s6], $0x1C00  }
0x100: {  	[sflag:s6] =	ssyncset.done $0x0  }
0x101: {  	s1 =	rddreg [dreg:$0x1c];
	[sflag:s6] =	ssyncadd.s32 $0xFFFFE400  }
0x102: {  	[hbm4b:s1+s2] =	stream.linear.scatter [tilespmem:s4], [sflag:$0x8], $0x1C00, $0x38;
	[tilespmem:$0x18C80] =	vst v63  }
0x103: {  	_ =	swait.ge [sflag:s10], $0x4000  }
0x104: {  	[sflag:s10] =	ssyncset.done $0x0  }
0x105: {  	[sflag:s10] =	ssyncadd.s32 $0xFFFFC000  }
0x106: {  	_ =	swait.ge [sflag:s12], $0x4000  }
0x107: {  	[sflag:s12] =	ssyncset.done $0x0  }
0x108: {  	[sflag:s12] =	ssyncadd.s32 $0xFFFFC000  }
0x109: {  	_ =	swait.ge [sflag:s14], $0x4000  }
0x10a: {  	[sflag:s14] =	ssyncset.done $0x0  }
0x10b: {  	[sflag:s14] =	ssyncadd.s32 $0xFFFFC000  }
0x10c: {  	_ =	swait.ge [sflag:s15], $0x4000  }
0x10d: {  	[sflag:s15] =	ssyncset.done $0x0  }
0x10e: {  	p1 =	sne.s32 s23, $0x1;
	[sflag:s15] =	ssyncadd.s32 $0xFFFFC000  }
.Ltmp1:
0x10f: {  	_ =	swait.ge [sflag:s17], $0x4000;
	(pc) =	sbr.rel @!p1 .LBB2_3-.Ltmp1, $4  }
0x110: {  	[sflag:s17] =	ssyncset.done $0x0  }
0x111: {  	[sflag:s17] =	ssyncadd.s32 $0xFFFFC000  }
0x112: {  	p0 =	por $0x1, $0x1;
	_ =	swait.ge [sflag:s5], $0x1C00  }
0x113: {  	s1 =	sadd.s32 $0xFFFFFFFF, s23;
	s0 =	rddreg [dreg:$0x4];
	[sflag:s5] =	ssyncset.done $0x0  }
.LBB2_4:
0x114: {  	[sflag:s5] =	ssyncadd.s32 $0xFFFFE400  }
0x115: {  	[tilespmem:s2], [sflag:$0x1] =	stream.linear.gather [hbm4b:s0+s2], $0xC38, $0x38;
	[tilespmem:$0x18C80] =	vst v63  }
0x116: {  	_ =	swait.ge [sflag:s31], $0xC38  }
0x117: {  	[sflag:s31] =	ssyncset.done $0x0  }
0x118: {  	[sflag:s31] =	ssyncadd.s32 $0xFFFFF3C8  }
0x119: {  	[tilespmem:s4], [sflag:$0x2] =	stream.indirect.gather [hbm4b:s3+s16], $0x80, s2, s16, $0xb8;
	[tilespmem:$0x18C80] =	vst v63  }
0x11a: {  	s0 =	rddreg [dreg:$0x1d]  }
0x11b: {  	[tilespmem:s13], [sflag:$0x3] =	stream.indirect.gather [hbm4b:s3+s16], $0x80, s16, s16, $0xb8;
	[tilespmem:$0x18C80] =	vst v63  }
0x11c: {  	s23 =	rddreg [dreg:$0x1e]  }
0x11d: {  	[tilespmem:s11], [sflag:$0x4] =	stream.indirect.gather [hbm4b:s3+s16], $0x80, s0, s16, $0xb8;
	[tilespmem:$0x18C80] =	vst v63  }
0x11e: {  	s0 =	rddreg [dreg:$0x1f]  }
0x11f: {  	[tilespmem:s9], [sflag:$0x5] =	stream.indirect.gather [hbm4b:s3+s16], $0x80, s23, s16, $0xb8;
	[tilespmem:$0x18C80] =	vst v63  }
0x120: {  	s23 =	sld [smem:$0x7EF]  }
0x121: {  	[tilespmem:s8], [sflag:$0x6] =	stream.indirect.gather [hbm4b:s3+s16], $0x80, s0, s16, $0xb8;
	[tilespmem:$0x18C80] =	vst v63  }
0x122: {  	_ = 	snop  }
0x123: {  	[tilespmem:s7], [sflag:$0x7] =	stream.indirect.gather [hbm4b:s3+s16], $0x80, s23, s16, $0xb8;
	[tilespmem:$0x18C80] =	vst v63  }
0x124: {  	_ =	swait.ge [sflag:s6], $0x4000  }
0x125: {  	[sflag:s6] =	ssyncset.done $0x0  }
0x126: {  	[sflag:s6] =	ssyncadd.s32 $0xFFFFC000  }
0x127: {  	[hbm4b:s30+s2] =	stream.linear.scatter [tilespmem:s4], [sflag:$0x8], $0x4000, $0x38;
	[tilespmem:$0x18C80] =	vst v63  }
0x128: {  	_ =	swait.ge [sflag:s5], $0x4000  }
0x129: {  	s23 =	sld [smem:$0x7F0]  }
0x12a: {  	[sflag:s5] =	ssyncset.done $0x0  }
0x12b: {  	[sflag:s5] =	ssyncadd.s32 $0xFFFFC000  }
0x12c: {  	[tilespmem:s4], [sflag:$0x2] =	stream.indirect.gather [hbm4b:s3+s16], $0x80, s23, s16, $0xb8;
	[tilespmem:$0x18C80] =	vst v63  }
0x12d: {  	_ =	swait.ge [sflag:s18], $0x4000  }
0x12e: {  	[sflag:s18] =	ssyncset.done $0x0  }
0x12f: {  	s23 =	rddreg [dreg:$0x5];
	[sflag:s18] =	ssyncadd.s32 $0xFFFFC000  }
0x130: {  	[hbm4b:s23+s2] =	stream.linear.scatter [tilespmem:s13], [sflag:$0x9], $0x4000, $0x38;
	[tilespmem:$0x18C80] =	vst v63  }
0x131: {  	_ =	swait.ge [sflag:s10], $0x4000  }
0x132: {  	s23 =	sld [smem:$0x7F1]  }
0x133: {  	[sflag:s10] =	ssyncset.done $0x0  }
0x134: {  	[sflag:s10] =	ssyncadd.s32 $0xFFFFC000  }
0x135: {  	[tilespmem:s13], [sflag:$0x3] =	stream.indirect.gather [hbm4b:s3+s16], $0x80, s23, s16, $0xb8;
	[tilespmem:$0x18C80] =	vst v63  }
0x136: {  	_ =	swait.ge [sflag:s19], $0x4000  }
0x137: {  	[sflag:s19] =	ssyncset.done $0x0  }
0x138: {  	s23 =	rddreg [dreg:$0x6];
	[sflag:s19] =	ssyncadd.s32 $0xFFFFC000  }
0x139: {  	[hbm4b:s23+s2] =	stream.linear.scatter [tilespmem:s11], [sflag:$0xA], $0x4000, $0x38;
	[tilespmem:$0x18C80] =	vst v63  }
0x13a: {  	_ =	swait.ge [sflag:s12], $0x4000  }
0x13b: {  	s23 =	sld [smem:$0x7F2]  }
0x13c: {  	[sflag:s12] =	ssyncset.done $0x0  }
0x13d: {  	[sflag:s12] =	ssyncadd.s32 $0xFFFFC000  }
0x13e: {  	[tilespmem:s11], [sflag:$0x4] =	stream.indirect.gather [hbm4b:s3+s16], $0x80, s23, s16, $0xb8;
	[tilespmem:$0x18C80] =	vst v63  }
0x13f: {  	_ =	swait.ge [sflag:s20], $0x4000  }
0x140: {  	[sflag:s20] =	ssyncset.done $0x0  }
0x141: {  	s23 =	rddreg [dreg:$0x7];
	[sflag:s20] =	ssyncadd.s32 $0xFFFFC000  }
0x142: {  	[hbm4b:s23+s2] =	stream.linear.scatter [tilespmem:s9], [sflag:$0xB], $0x4000, $0x38;
	[tilespmem:$0x18C80] =	vst v63  }
0x143: {  	_ =	swait.ge [sflag:s14], $0x4000  }
0x144: {  	s23 =	sld [smem:$0x7F3]  }
0x145: {  	[sflag:s14] =	ssyncset.done $0x0  }
0x146: {  	[sflag:s14] =	ssyncadd.s32 $0xFFFFC000  }
0x147: {  	[tilespmem:s9], [sflag:$0x5] =	stream.indirect.gather [hbm4b:s3+s16], $0x80, s23, s16, $0xb8;
	[tilespmem:$0x18C80] =	vst v63  }
0x148: {  	_ =	swait.ge [sflag:s21], $0x4000  }
0x149: {  	[sflag:s21] =	ssyncset.done $0x0  }
0x14a: {  	s23 =	rddreg [dreg:$0x8];
	[sflag:s21] =	ssyncadd.s32 $0xFFFFC000  }
0x14b: {  	[hbm4b:s23+s2] =	stream.linear.scatter [tilespmem:s8], [sflag:$0xC], $0x4000, $0x38;
	[tilespmem:$0x18C80] =	vst v63  }
0x14c: {  	_ =	swait.ge [sflag:s15], $0x4000  }
0x14d: {  	s23 =	sld [smem:$0x7F4]  }
0x14e: {  	[sflag:s15] =	ssyncset.done $0x0  }
0x14f: {  	[sflag:s15] =	ssyncadd.s32 $0xFFFFC000  }
0x150: {  	[tilespmem:s8], [sflag:$0x6] =	stream.indirect.gather [hbm4b:s3+s16], $0x80, s23, s16, $0xb8;
	[tilespmem:$0x18C80] =	vst v63  }
0x151: {  	_ =	swait.ge [sflag:s22], $0x4000  }
0x152: {  	[sflag:s22] =	ssyncset.done $0x0  }
0x153: {  	s23 =	rddreg [dreg:$0x9];
	[sflag:s22] =	ssyncadd.s32 $0xFFFFC000  }
0x154: {  	[hbm4b:s23+s2] =	stream.linear.scatter [tilespmem:s7], [sflag:$0xD], $0x4000, $0x38;
	[tilespmem:$0x18C80] =	vst v63  }
0x155: {  	_ =	swait.ge [sflag:s17], $0x4000  }
0x156: {  	s23 =	sld [smem:$0x7F5]  }
0x157: {  	[sflag:s17] =	ssyncset.done $0x0  }
0x158: {  	[sflag:s17] =	ssyncadd.s32 $0xFFFFC000  }
0x159: {  	[tilespmem:s7], [sflag:$0x7] =	stream.indirect.gather [hbm4b:s3+s16], $0x80, s23, s16, $0xb8;
	[tilespmem:$0x18C80] =	vst v63  }
0x15a: {  	_ =	swait.ge [sflag:s6], $0x4000  }
0x15b: {  	[sflag:s6] =	ssyncset.done $0x0  }
0x15c: {  	s23 =	rddreg [dreg:$0xa];
	[sflag:s6] =	ssyncadd.s32 $0xFFFFC000  }
0x15d: {  	[hbm4b:s23+s2] =	stream.linear.scatter [tilespmem:s4], [sflag:$0x8], $0x4000, $0x38;
	[tilespmem:$0x18C80] =	vst v63  }
0x15e: {  	_ =	swait.ge [sflag:s5], $0x4000  }
0x15f: {  	s23 =	sld [smem:$0x7F6]  }
0x160: {  	[sflag:s5] =	ssyncset.done $0x0  }
0x161: {  	[sflag:s5] =	ssyncadd.s32 $0xFFFFC000  }
0x162: {  	[tilespmem:s4], [sflag:$0x2] =	stream.indirect.gather [hbm4b:s3+s16], $0x80, s23, s16, $0xb8;
	[tilespmem:$0x18C80] =	vst v63  }
0x163: {  	_ =	swait.ge [sflag:s18], $0x4000  }
0x164: {  	[sflag:s18] =	ssyncset.done $0x0  }
0x165: {  	s23 =	rddreg [dreg:$0xb];
	[sflag:s18] =	ssyncadd.s32 $0xFFFFC000  }
0x166: {  	[hbm4b:s23+s2] =	stream.linear.scatter [tilespmem:s13], [sflag:$0x9], $0x4000, $0x38;
	[tilespmem:$0x18C80] =	vst v63  }
0x167: {  	_ =	swait.ge [sflag:s10], $0x4000  }
0x168: {  	s23 =	sld [smem:$0x7F7]  }
0x169: {  	[sflag:s10] =	ssyncset.done $0x0  }
0x16a: {  	[sflag:s10] =	ssyncadd.s32 $0xFFFFC000  }
0x16b: {  	[tilespmem:s13], [sflag:$0x3] =	stream.indirect.gather [hbm4b:s3+s16], $0x80, s23, s16, $0xb8;
	[tilespmem:$0x18C80] =	vst v63  }
0x16c: {  	_ =	swait.ge [sflag:s19], $0x4000  }
0x16d: {  	[sflag:s19] =	ssyncset.done $0x0  }
0x16e: {  	s23 =	rddreg [dreg:$0xc];
	[sflag:s19] =	ssyncadd.s32 $0xFFFFC000  }
0x16f: {  	[hbm4b:s23+s2] =	stream.linear.scatter [tilespmem:s11], [sflag:$0xA], $0x4000, $0x38;
	[tilespmem:$0x18C80] =	vst v63  }
0x170: {  	_ =	swait.ge [sflag:s12], $0x4000  }
0x171: {  	s23 =	sld [smem:$0x7F8]  }
0x172: {  	[sflag:s12] =	ssyncset.done $0x0  }
0x173: {  	[sflag:s12] =	ssyncadd.s32 $0xFFFFC000  }
0x174: {  	[tilespmem:s11], [sflag:$0x4] =	stream.indirect.gather [hbm4b:s3+s16], $0x80, s23, s16, $0xb8;
	[tilespmem:$0x18C80] =	vst v63  }
0x175: {  	_ =	swait.ge [sflag:s20], $0x4000  }
0x176: {  	[sflag:s20] =	ssyncset.done $0x0  }
0x177: {  	s23 =	rddreg [dreg:$0xd];
	[sflag:s20] =	ssyncadd.s32 $0xFFFFC000  }
0x178: {  	[hbm4b:s23+s2] =	stream.linear.scatter [tilespmem:s9], [sflag:$0xB], $0x4000, $0x38;
	[tilespmem:$0x18C80] =	vst v63  }
0x179: {  	_ =	swait.ge [sflag:s14], $0x4000  }
0x17a: {  	s23 =	sld [smem:$0x7F9]  }
0x17b: {  	[sflag:s14] =	ssyncset.done $0x0  }
0x17c: {  	[sflag:s14] =	ssyncadd.s32 $0xFFFFC000  }
0x17d: {  	[tilespmem:s9], [sflag:$0x5] =	stream.indirect.gather [hbm4b:s3+s16], $0x80, s23, s16, $0xb8;
	[tilespmem:$0x18C80] =	vst v63  }
0x17e: {  	_ =	swait.ge [sflag:s21], $0x4000  }
0x17f: {  	[sflag:s21] =	ssyncset.done $0x0  }
0x180: {  	s23 =	rddreg [dreg:$0xe];
	[sflag:s21] =	ssyncadd.s32 $0xFFFFC000  }
0x181: {  	[hbm4b:s23+s2] =	stream.linear.scatter [tilespmem:s8], [sflag:$0xC], $0x4000, $0x38;
	[tilespmem:$0x18C80] =	vst v63  }
0x182: {  	_ =	swait.ge [sflag:s15], $0x4000  }
0x183: {  	s23 =	sld [smem:$0x7FA]  }
0x184: {  	[sflag:s15] =	ssyncset.done $0x0  }
0x185: {  	[sflag:s15] =	ssyncadd.s32 $0xFFFFC000  }
0x186: {  	[tilespmem:s8], [sflag:$0x6] =	stream.indirect.gather [hbm4b:s3+s16], $0x80, s23, s16, $0xb8;
	[tilespmem:$0x18C80] =	vst v63  }
0x187: {  	_ =	swait.ge [sflag:s22], $0x4000  }
0x188: {  	[sflag:s22] =	ssyncset.done $0x0  }
0x189: {  	s23 =	rddreg [dreg:$0xf];
	[sflag:s22] =	ssyncadd.s32 $0xFFFFC000  }
0x18a: {  	[hbm4b:s23+s2] =	stream.linear.scatter [tilespmem:s7], [sflag:$0xD], $0x4000, $0x38;
	[tilespmem:$0x18C80] =	vst v63  }
0x18b: {  	_ =	swait.ge [sflag:s17], $0x4000  }
0x18c: {  	s23 =	sld [smem:$0x7FB]  }
0x18d: {  	[sflag:s17] =	ssyncset.done $0x0  }
0x18e: {  	[sflag:s17] =	ssyncadd.s32 $0xFFFFC000  }
0x18f: {  	[tilespmem:s7], [sflag:$0x7] =	stream.indirect.gather [hbm4b:s3+s16], $0x80, s23, s16, $0xb8;
	[tilespmem:$0x18C80] =	vst v63  }
0x190: {  	_ =	swait.ge [sflag:s6], $0x4000  }
0x191: {  	[sflag:s6] =	ssyncset.done $0x0  }
0x192: {  	s23 =	rddreg [dreg:$0x10];
	[sflag:s6] =	ssyncadd.s32 $0xFFFFC000  }
0x193: {  	[hbm4b:s23+s2] =	stream.linear.scatter [tilespmem:s4], [sflag:$0x8], $0x4000, $0x38;
	[tilespmem:$0x18C80] =	vst v63  }
0x194: {  	_ =	swait.ge [sflag:s5], $0x4000  }
0x195: {  	s23 =	sld [smem:$0x7FC]  }
0x196: {  	[sflag:s5] =	ssyncset.done $0x0  }
0x197: {  	[sflag:s5] =	ssyncadd.s32 $0xFFFFC000  }
0x198: {  	[tilespmem:s4], [sflag:$0x2] =	stream.indirect.gather [hbm4b:s3+s16], $0x80, s23, s16, $0xb8;
	[tilespmem:$0x18C80] =	vst v63  }
0x199: {  	_ =	swait.ge [sflag:s18], $0x4000  }
0x19a: {  	[sflag:s18] =	ssyncset.done $0x0  }
0x19b: {  	s23 =	rddreg [dreg:$0x11];
	[sflag:s18] =	ssyncadd.s32 $0xFFFFC000  }
0x19c: {  	[hbm4b:s23+s2] =	stream.linear.scatter [tilespmem:s13], [sflag:$0x9], $0x4000, $0x38;
	[tilespmem:$0x18C80] =	vst v63  }
0x19d: {  	_ =	swait.ge [sflag:s10], $0x4000  }
0x19e: {  	s23 =	sld [smem:$0x7FD]  }
0x19f: {  	[sflag:s10] =	ssyncset.done $0x0  }
0x1a0: {  	[sflag:s10] =	ssyncadd.s32 $0xFFFFC000  }
0x1a1: {  	[tilespmem:s13], [sflag:$0x3] =	stream.indirect.gather [hbm4b:s3+s16], $0x80, s23, s16, $0xb8;
	[tilespmem:$0x18C80] =	vst v63  }
0x1a2: {  	_ =	swait.ge [sflag:s19], $0x4000  }
0x1a3: {  	[sflag:s19] =	ssyncset.done $0x0  }
0x1a4: {  	s23 =	rddreg [dreg:$0x12];
	[sflag:s19] =	ssyncadd.s32 $0xFFFFC000  }
0x1a5: {  	[hbm4b:s23+s2] =	stream.linear.scatter [tilespmem:s11], [sflag:$0xA], $0x4000, $0x38;
	[tilespmem:$0x18C80] =	vst v63  }
0x1a6: {  	_ =	swait.ge [sflag:s12], $0x4000  }
0x1a7: {  	[sflag:s12] =	ssyncset.done $0x0  }
0x1a8: {  	s23 =	simm.s32 $0xA00;
	[sflag:s12] =	ssyncadd.s32 $0xFFFFC000  }
0x1a9: {  	[tilespmem:s11], [sflag:$0x4] =	stream.indirect.gather [hbm4b:s3+s16], $0x80, s23, s16, $0xb8;
	[tilespmem:$0x18C80] =	vst v63  }
0x1aa: {  	_ =	swait.ge [sflag:s20], $0x4000  }
0x1ab: {  	[sflag:s20] =	ssyncset.done $0x0  }
0x1ac: {  	s23 =	rddreg [dreg:$0x13];
	[sflag:s20] =	ssyncadd.s32 $0xFFFFC000  }
0x1ad: {  	[hbm4b:s23+s2] =	stream.linear.scatter [tilespmem:s9], [sflag:$0xB], $0x4000, $0x38;
	[tilespmem:$0x18C80] =	vst v63  }
0x1ae: {  	_ =	swait.ge [sflag:s14], $0x4000  }
0x1af: {  	[sflag:s14] =	ssyncset.done $0x0  }
0x1b0: {  	[sflag:s14] =	ssyncadd.s32 $0xFFFFC000  }
0x1b1: {  	[tilespmem:s9], [sflag:$0x5] =	stream.indirect.gather [hbm4b:s3+s16], $0x80, s29, s16, $0xb8;
	[tilespmem:$0x18C80] =	vst v63  }
0x1b2: {  	_ =	swait.ge [sflag:s21], $0x4000  }
0x1b3: {  	[sflag:s21] =	ssyncset.done $0x0  }
0x1b4: {  	s23 =	rddreg [dreg:$0x14];
	[sflag:s21] =	ssyncadd.s32 $0xFFFFC000  }
0x1b5: {  	[hbm4b:s23+s2] =	stream.linear.scatter [tilespmem:s8], [sflag:$0xC], $0x4000, $0x38;
	[tilespmem:$0x18C80] =	vst v63  }
0x1b6: {  	_ =	swait.ge [sflag:s15], $0x4000  }
0x1b7: {  	[sflag:s15] =	ssyncset.done $0x0  }
0x1b8: {  	[sflag:s15] =	ssyncadd.s32 $0xFFFFC000  }
0x1b9: {  	[tilespmem:s8], [sflag:$0x6] =	stream.indirect.gather [hbm4b:s3+s16], $0x80, s28, s16, $0xb8;
	[tilespmem:$0x18C80] =	vst v63  }
0x1ba: {  	_ =	swait.ge [sflag:s22], $0x4000  }
0x1bb: {  	[sflag:s22] =	ssyncset.done $0x0  }
0x1bc: {  	s23 =	rddreg [dreg:$0x15];
	[sflag:s22] =	ssyncadd.s32 $0xFFFFC000  }
0x1bd: {  	[hbm4b:s23+s2] =	stream.linear.scatter [tilespmem:s7], [sflag:$0xD], $0x4000, $0x38;
	[tilespmem:$0x18C80] =	vst v63  }
0x1be: {  	_ =	swait.ge [sflag:s17], $0x4000  }
0x1bf: {  	[sflag:s17] =	ssyncset.done $0x0  }
0x1c0: {  	[sflag:s17] =	ssyncadd.s32 $0xFFFFC000  }
0x1c1: {  	[tilespmem:s7], [sflag:$0x7] =	stream.indirect.gather [hbm4b:s3+s16], $0x80, s26, s16, $0xb8;
	[tilespmem:$0x18C80] =	vst v63  }
0x1c2: {  	_ =	swait.ge [sflag:s6], $0x4000  }
0x1c3: {  	[sflag:s6] =	ssyncset.done $0x0  }
0x1c4: {  	s23 =	rddreg [dreg:$0x16];
	[sflag:s6] =	ssyncadd.s32 $0xFFFFC000  }
0x1c5: {  	[hbm4b:s23+s2] =	stream.linear.scatter [tilespmem:s4], [sflag:$0x8], $0x4000, $0x38;
	[tilespmem:$0x18C80] =	vst v63  }
0x1c6: {  	_ =	swait.ge [sflag:s5], $0x4000  }
0x1c7: {  	[sflag:s5] =	ssyncset.done $0x0  }
0x1c8: {  	[sflag:s5] =	ssyncadd.s32 $0xFFFFC000  }
0x1c9: {  	[tilespmem:s4], [sflag:$0x2] =	stream.indirect.gather [hbm4b:s3+s24], $0x80, s25, s24, $0xb8;
	[tilespmem:$0x18C80] =	vst v63  }
0x1ca: {  	_ =	swait.ge [sflag:s18], $0x4000  }
0x1cb: {  	[sflag:s18] =	ssyncset.done $0x0  }
0x1cc: {  	s23 =	rddreg [dreg:$0x17];
	[sflag:s18] =	ssyncadd.s32 $0xFFFFC000  }
0x1cd: {  	[hbm4b:s23+s2] =	stream.linear.scatter [tilespmem:s13], [sflag:$0x9], $0x4000, $0x38;
	[tilespmem:$0x18C80] =	vst v63  }
0x1ce: {  	_ =	swait.ge [sflag:s19], $0x4000  }
0x1cf: {  	[sflag:s19] =	ssyncset.done $0x0  }
0x1d0: {  	s23 =	rddreg [dreg:$0x18];
	[sflag:s19] =	ssyncadd.s32 $0xFFFFC000  }
0x1d1: {  	[hbm4b:s23+s2] =	stream.linear.scatter [tilespmem:s11], [sflag:$0xA], $0x4000, $0x38;
	[tilespmem:$0x18C80] =	vst v63  }
0x1d2: {  	_ =	swait.ge [sflag:s20], $0x4000  }
0x1d3: {  	[sflag:s20] =	ssyncset.done $0x0  }
0x1d4: {  	s23 =	rddreg [dreg:$0x19];
	[sflag:s20] =	ssyncadd.s32 $0xFFFFC000  }
0x1d5: {  	[hbm4b:s23+s2] =	stream.linear.scatter [tilespmem:s9], [sflag:$0xB], $0x4000, $0x38;
	[tilespmem:$0x18C80] =	vst v63  }
0x1d6: {  	_ =	swait.ge [sflag:s21], $0x4000  }
0x1d7: {  	[sflag:s21] =	ssyncset.done $0x0  }
0x1d8: {  	s23 =	rddreg [dreg:$0x1a];
	[sflag:s21] =	ssyncadd.s32 $0xFFFFC000  }
0x1d9: {  	[hbm4b:s23+s2] =	stream.linear.scatter [tilespmem:s8], [sflag:$0xC], $0x4000, $0x38;
	[tilespmem:$0x18C80] =	vst v63  }
0x1da: {  	_ =	swait.ge [sflag:s22], $0x4000  }
0x1db: {  	[sflag:s22] =	ssyncset.done $0x0  }
0x1dc: {  	s23 =	rddreg [dreg:$0x1b];
	[sflag:s22] =	ssyncadd.s32 $0xFFFFC000  }
0x1dd: {  	[hbm4b:s23+s2] =	stream.linear.scatter [tilespmem:s7], [sflag:$0xD], $0x4000, $0x38;
	[tilespmem:$0x18C80] =	vst v63  }
0x1de: {  	_ =	swait.ge [sflag:s6], $0x1C00  }
0x1df: {  	[sflag:s6] =	ssyncset.done $0x0  }
0x1e0: {  	s23 =	rddreg [dreg:$0x1c];
	[sflag:s6] =	ssyncadd.s32 $0xFFFFE400  }
0x1e1: {  	[hbm4b:s23+s2] =	stream.linear.scatter [tilespmem:s4], [sflag:$0x8], $0x1C00, $0x38;
	[tilespmem:$0x18C80] =	vst v63  }
0x1e2: {  	_ =	swait.ge [sflag:s10], $0x4000  }
0x1e3: {  	[sflag:s10] =	ssyncset.done $0x0  }
0x1e4: {  	[sflag:s10] =	ssyncadd.s32 $0xFFFFC000  }
0x1e5: {  	_ =	swait.ge [sflag:s12], $0x4000  }
0x1e6: {  	[sflag:s12] =	ssyncset.done $0x0  }
0x1e7: {  	[sflag:s12] =	ssyncadd.s32 $0xFFFFC000  }
0x1e8: {  	_ =	swait.ge [sflag:s14], $0x4000  }
0x1e9: {  	[sflag:s14] =	ssyncset.done $0x0  }
0x1ea: {  	[sflag:s14] =	ssyncadd.s32 $0xFFFFC000  }
0x1eb: {  	_ =	swait.ge [sflag:s15], $0x4000  }
0x1ec: {  	[sflag:s15] =	ssyncset.done $0x0  }
0x1ed: {  	p1 =	sne.s32 s1, $0x1;
	[sflag:s15] =	ssyncadd.s32 $0xFFFFC000  }
.Ltmp2:
0x1ee: {  	_ =	swait.ge [sflag:s17], $0x4000;
	(pc) =	sbr.rel @p1 .LBB2_4-.Ltmp2, $4  }
0x1ef: {  	[sflag:s17] =	ssyncset.done $0x0  }
0x1f0: {  	[sflag:s17] =	ssyncadd.s32 $0xFFFFC000  }
0x1f1: {  	_ =	swait.ge [sflag:s5], $0x1C00  }
0x1f2: {  	s1 =	sadd.s32 $0xFFFFFFFF, s1;
	s0 =	rddreg [dreg:$0x4];
	[sflag:s5] =	ssyncset.done $0x0  }
0x1f3: {  	s25 =	simm.s32 $0xA00;
	s29 =	simm.s32 $0xA80;
	s28 =	simm.s32 $0xB00  }
0x1f4: {  	s26 =	simm.s32 $0xB80;
	s24 =	simm.s32 $0x38;
	s23 =	stileid.u32  }
.LBB2_6:
0x1f5: {  	[sflag:s5] =	ssyncadd.s32 @p0 $0xFFFFE400  }
0x1f6: {  	[tilespmem:s2], [sflag:$0x1] =	stream.linear.gather [hbm4b:s0+s2], $0xC38, $0x38;
	[tilespmem:$0x18C80] =	vst v63  }
0x1f7: {  	_ =	swait.ge [sflag:s31], $0xC38  }
0x1f8: {  	[sflag:s31] =	ssyncset.done $0x0  }
0x1f9: {  	[sflag:s31] =	ssyncadd.s32 $0xFFFFF3C8  }
0x1fa: {  	[tilespmem:s4], [sflag:$0x2] =	stream.indirect.gather [hbm4b:s3+s16], $0x80, s2, s16, $0xb8;
	[tilespmem:$0x18C80] =	vst v63  }
0x1fb: {  	s1 =	rddreg [dreg:$0x1e]  }
0x1fc: {  	[tilespmem:s13], [sflag:$0x3] =	stream.indirect.gather [hbm4b:s3+s16], $0x80, s16, s16, $0xb8;
	[tilespmem:$0x18C80] =	vst v63  }
0x1fd: {  	s31 =	rddreg [dreg:$0x1d]  }
0x1fe: {  	[tilespmem:s11], [sflag:$0x4] =	stream.indirect.gather [hbm4b:s3+s16], $0x80, s31, s16, $0xb8;
	[tilespmem:$0x18C80] =	vst v63  }
0x1ff: {  	s0 =	rddreg [dreg:$0x1f]  }
0x200: {  	[tilespmem:s9], [sflag:$0x5] =	stream.indirect.gather [hbm4b:s3+s16], $0x80, s1, s16, $0xb8;
	[tilespmem:$0x18C80] =	vst v63  }
0x201: {  	s31 =	sld [smem:$0x7EF]  }
0x202: {  	[tilespmem:s8], [sflag:$0x6] =	stream.indirect.gather [hbm4b:s3+s16], $0x80, s0, s16, $0xb8;
	[tilespmem:$0x18C80] =	vst v63  }
0x203: {  	_ = 	snop  }
0x204: {  	[tilespmem:s7], [sflag:$0x7] =	stream.indirect.gather [hbm4b:s3+s16], $0x80, s31, s16, $0xb8;
	[tilespmem:$0x18C80] =	vst v63  }
0x205: {  	_ =	swait.ge [sflag:s6], $0x4000  }
0x206: {  	[sflag:s6] =	ssyncset.done $0x0  }
0x207: {  	[sflag:s6] =	ssyncadd.s32 $0xFFFFC000  }
0x208: {  	[hbm4b:s30+s2] =	stream.linear.scatter [tilespmem:s4], [sflag:$0x8], $0x4000, $0x38;
	[tilespmem:$0x18C80] =	vst v63  }
0x209: {  	_ =	swait.ge [sflag:s5], $0x4000  }
0x20a: {  	s1 =	sld [smem:$0x7F0]  }
0x20b: {  	[sflag:s5] =	ssyncset.done $0x0  }
0x20c: {  	[sflag:s5] =	ssyncadd.s32 $0xFFFFC000  }
0x20d: {  	[tilespmem:s4], [sflag:$0x2] =	stream.indirect.gather [hbm4b:s3+s16], $0x80, s1, s16, $0xb8;
	[tilespmem:$0x18C80] =	vst v63  }
0x20e: {  	_ =	swait.ge [sflag:s18], $0x4000  }
0x20f: {  	[sflag:s18] =	ssyncset.done $0x0  }
0x210: {  	s30 =	rddreg [dreg:$0x5];
	[sflag:s18] =	ssyncadd.s32 $0xFFFFC000  }
0x211: {  	[hbm4b:s30+s2] =	stream.linear.scatter [tilespmem:s13], [sflag:$0x9], $0x4000, $0x38;
	[tilespmem:$0x18C80] =	vst v63  }
0x212: {  	_ =	swait.ge [sflag:s10], $0x4000  }
0x213: {  	s31 =	sld [smem:$0x7F1]  }
0x214: {  	[sflag:s10] =	ssyncset.done $0x0  }
0x215: {  	[sflag:s10] =	ssyncadd.s32 $0xFFFFC000  }
0x216: {  	[tilespmem:s13], [sflag:$0x3] =	stream.indirect.gather [hbm4b:s3+s16], $0x80, s31, s16, $0xb8;
	[tilespmem:$0x18C80] =	vst v63  }
0x217: {  	_ =	swait.ge [sflag:s19], $0x4000  }
0x218: {  	[sflag:s19] =	ssyncset.done $0x0  }
0x219: {  	s1 =	rddreg [dreg:$0x6];
	[sflag:s19] =	ssyncadd.s32 $0xFFFFC000  }
0x21a: {  	[hbm4b:s1+s2] =	stream.linear.scatter [tilespmem:s11], [sflag:$0xA], $0x4000, $0x38;
	[tilespmem:$0x18C80] =	vst v63  }
0x21b: {  	_ =	swait.ge [sflag:s12], $0x4000  }
0x21c: {  	s30 =	sld [smem:$0x7F2]  }
0x21d: {  	[sflag:s12] =	ssyncset.done $0x0  }
0x21e: {  	[sflag:s12] =	ssyncadd.s32 $0xFFFFC000  }
0x21f: {  	[tilespmem:s11], [sflag:$0x4] =	stream.indirect.gather [hbm4b:s3+s16], $0x80, s30, s16, $0xb8;
	[tilespmem:$0x18C80] =	vst v63  }
0x220: {  	_ =	swait.ge [sflag:s20], $0x4000  }
0x221: {  	[sflag:s20] =	ssyncset.done $0x0  }
0x222: {  	s31 =	rddreg [dreg:$0x7];
	[sflag:s20] =	ssyncadd.s32 $0xFFFFC000  }
0x223: {  	[hbm4b:s31+s2] =	stream.linear.scatter [tilespmem:s9], [sflag:$0xB], $0x4000, $0x38;
	[tilespmem:$0x18C80] =	vst v63  }
0x224: {  	_ =	swait.ge [sflag:s14], $0x4000  }
0x225: {  	s1 =	sld [smem:$0x7F3]  }
0x226: {  	[sflag:s14] =	ssyncset.done $0x0  }
0x227: {  	[sflag:s14] =	ssyncadd.s32 $0xFFFFC000  }
0x228: {  	[tilespmem:s9], [sflag:$0x5] =	stream.indirect.gather [hbm4b:s3+s16], $0x80, s1, s16, $0xb8;
	[tilespmem:$0x18C80] =	vst v63  }
0x229: {  	_ =	swait.ge [sflag:s21], $0x4000  }
0x22a: {  	[sflag:s21] =	ssyncset.done $0x0  }
0x22b: {  	s30 =	rddreg [dreg:$0x8];
	[sflag:s21] =	ssyncadd.s32 $0xFFFFC000  }
0x22c: {  	[hbm4b:s30+s2] =	stream.linear.scatter [tilespmem:s8], [sflag:$0xC], $0x4000, $0x38;
	[tilespmem:$0x18C80] =	vst v63  }
0x22d: {  	_ =	swait.ge [sflag:s15], $0x4000  }
0x22e: {  	s31 =	sld [smem:$0x7F4]  }
0x22f: {  	[sflag:s15] =	ssyncset.done $0x0  }
0x230: {  	[sflag:s15] =	ssyncadd.s32 $0xFFFFC000  }
0x231: {  	[tilespmem:s8], [sflag:$0x6] =	stream.indirect.gather [hbm4b:s3+s16], $0x80, s31, s16, $0xb8;
	[tilespmem:$0x18C80] =	vst v63  }
0x232: {  	_ =	swait.ge [sflag:s22], $0x4000  }
0x233: {  	[sflag:s22] =	ssyncset.done $0x0  }
0x234: {  	s1 =	rddreg [dreg:$0x9];
	[sflag:s22] =	ssyncadd.s32 $0xFFFFC000  }
0x235: {  	[hbm4b:s1+s2] =	stream.linear.scatter [tilespmem:s7], [sflag:$0xD], $0x4000, $0x38;
	[tilespmem:$0x18C80] =	vst v63  }
0x236: {  	_ =	swait.ge [sflag:s17], $0x4000  }
0x237: {  	s30 =	sld [smem:$0x7F5]  }
0x238: {  	[sflag:s17] =	ssyncset.done $0x0  }
0x239: {  	[sflag:s17] =	ssyncadd.s32 $0xFFFFC000  }
0x23a: {  	[tilespmem:s7], [sflag:$0x7] =	stream.indirect.gather [hbm4b:s3+s16], $0x80, s30, s16, $0xb8;
	[tilespmem:$0x18C80] =	vst v63  }
0x23b: {  	_ =	swait.ge [sflag:s6], $0x4000  }
0x23c: {  	[sflag:s6] =	ssyncset.done $0x0  }
0x23d: {  	s31 =	rddreg [dreg:$0xa];
	[sflag:s6] =	ssyncadd.s32 $0xFFFFC000  }
0x23e: {  	[hbm4b:s31+s2] =	stream.linear.scatter [tilespmem:s4], [sflag:$0x8], $0x4000, $0x38;
	[tilespmem:$0x18C80] =	vst v63  }
0x23f: {  	_ =	swait.ge [sflag:s5], $0x4000  }
0x240: {  	s1 =	sld [smem:$0x7F6]  }
0x241: {  	[sflag:s5] =	ssyncset.done $0x0  }
0x242: {  	[sflag:s5] =	ssyncadd.s32 $0xFFFFC000  }
0x243: {  	[tilespmem:s4], [sflag:$0x2] =	stream.indirect.gather [hbm4b:s3+s16], $0x80, s1, s16, $0xb8;
	[tilespmem:$0x18C80] =	vst v63  }
0x244: {  	_ =	swait.ge [sflag:s18], $0x4000  }
0x245: {  	[sflag:s18] =	ssyncset.done $0x0  }
0x246: {  	s30 =	rddreg [dreg:$0xb];
	[sflag:s18] =	ssyncadd.s32 $0xFFFFC000  }
0x247: {  	[hbm4b:s30+s2] =	stream.linear.scatter [tilespmem:s13], [sflag:$0x9], $0x4000, $0x38;
	[tilespmem:$0x18C80] =	vst v63  }
0x248: {  	_ =	swait.ge [sflag:s10], $0x4000  }
0x249: {  	s31 =	sld [smem:$0x7F7]  }
0x24a: {  	[sflag:s10] =	ssyncset.done $0x0  }
0x24b: {  	[sflag:s10] =	ssyncadd.s32 $0xFFFFC000  }
0x24c: {  	[tilespmem:s13], [sflag:$0x3] =	stream.indirect.gather [hbm4b:s3+s16], $0x80, s31, s16, $0xb8;
	[tilespmem:$0x18C80] =	vst v63  }
0x24d: {  	_ =	swait.ge [sflag:s19], $0x4000  }
0x24e: {  	[sflag:s19] =	ssyncset.done $0x0  }
0x24f: {  	s1 =	rddreg [dreg:$0xc];
	[sflag:s19] =	ssyncadd.s32 $0xFFFFC000  }
0x250: {  	[hbm4b:s1+s2] =	stream.linear.scatter [tilespmem:s11], [sflag:$0xA], $0x4000, $0x38;
	[tilespmem:$0x18C80] =	vst v63  }
0x251: {  	_ =	swait.ge [sflag:s12], $0x4000  }
0x252: {  	s30 =	sld [smem:$0x7F8]  }
0x253: {  	[sflag:s12] =	ssyncset.done $0x0  }
0x254: {  	[sflag:s12] =	ssyncadd.s32 $0xFFFFC000  }
0x255: {  	[tilespmem:s11], [sflag:$0x4] =	stream.indirect.gather [hbm4b:s3+s16], $0x80, s30, s16, $0xb8;
	[tilespmem:$0x18C80] =	vst v63  }
0x256: {  	_ =	swait.ge [sflag:s20], $0x4000  }
0x257: {  	[sflag:s20] =	ssyncset.done $0x0  }
0x258: {  	s31 =	rddreg [dreg:$0xd];
	[sflag:s20] =	ssyncadd.s32 $0xFFFFC000  }
0x259: {  	[hbm4b:s31+s2] =	stream.linear.scatter [tilespmem:s9], [sflag:$0xB], $0x4000, $0x38;
	[tilespmem:$0x18C80] =	vst v63  }
0x25a: {  	_ =	swait.ge [sflag:s14], $0x4000  }
0x25b: {  	s1 =	sld [smem:$0x7F9]  }
0x25c: {  	[sflag:s14] =	ssyncset.done $0x0  }
0x25d: {  	[sflag:s14] =	ssyncadd.s32 $0xFFFFC000  }
0x25e: {  	[tilespmem:s9], [sflag:$0x5] =	stream.indirect.gather [hbm4b:s3+s16], $0x80, s1, s16, $0xb8;
	[tilespmem:$0x18C80] =	vst v63  }
0x25f: {  	_ =	swait.ge [sflag:s21], $0x4000  }
0x260: {  	[sflag:s21] =	ssyncset.done $0x0  }
0x261: {  	s30 =	rddreg [dreg:$0xe];
	[sflag:s21] =	ssyncadd.s32 $0xFFFFC000  }
0x262: {  	[hbm4b:s30+s2] =	stream.linear.scatter [tilespmem:s8], [sflag:$0xC], $0x4000, $0x38;
	[tilespmem:$0x18C80] =	vst v63  }
0x263: {  	_ =	swait.ge [sflag:s15], $0x4000  }
0x264: {  	s31 =	sld [smem:$0x7FA]  }
0x265: {  	[sflag:s15] =	ssyncset.done $0x0  }
0x266: {  	[sflag:s15] =	ssyncadd.s32 $0xFFFFC000  }
0x267: {  	[tilespmem:s8], [sflag:$0x6] =	stream.indirect.gather [hbm4b:s3+s16], $0x80, s31, s16, $0xb8;
	[tilespmem:$0x18C80] =	vst v63  }
0x268: {  	_ =	swait.ge [sflag:s22], $0x4000  }
0x269: {  	[sflag:s22] =	ssyncset.done $0x0  }
0x26a: {  	s1 =	rddreg [dreg:$0xf];
	[sflag:s22] =	ssyncadd.s32 $0xFFFFC000  }
0x26b: {  	[hbm4b:s1+s2] =	stream.linear.scatter [tilespmem:s7], [sflag:$0xD], $0x4000, $0x38;
	[tilespmem:$0x18C80] =	vst v63  }
0x26c: {  	_ =	swait.ge [sflag:s17], $0x4000  }
0x26d: {  	s30 =	sld [smem:$0x7FB]  }
0x26e: {  	[sflag:s17] =	ssyncset.done $0x0  }
0x26f: {  	[sflag:s17] =	ssyncadd.s32 $0xFFFFC000  }
0x270: {  	[tilespmem:s7], [sflag:$0x7] =	stream.indirect.gather [hbm4b:s3+s16], $0x80, s30, s16, $0xb8;
	[tilespmem:$0x18C80] =	vst v63  }
0x271: {  	_ =	swait.ge [sflag:s6], $0x4000  }
0x272: {  	[sflag:s6] =	ssyncset.done $0x0  }
0x273: {  	s31 =	rddreg [dreg:$0x10];
	[sflag:s6] =	ssyncadd.s32 $0xFFFFC000  }
0x274: {  	[hbm4b:s31+s2] =	stream.linear.scatter [tilespmem:s4], [sflag:$0x8], $0x4000, $0x38;
	[tilespmem:$0x18C80] =	vst v63  }
0x275: {  	_ =	swait.ge [sflag:s5], $0x4000  }
0x276: {  	s1 =	sld [smem:$0x7FC]  }
0x277: {  	[sflag:s5] =	ssyncset.done $0x0  }
0x278: {  	[sflag:s5] =	ssyncadd.s32 $0xFFFFC000  }
0x279: {  	[tilespmem:s4], [sflag:$0x2] =	stream.indirect.gather [hbm4b:s3+s16], $0x80, s1, s16, $0xb8;
	[tilespmem:$0x18C80] =	vst v63  }
0x27a: {  	_ =	swait.ge [sflag:s18], $0x4000  }
0x27b: {  	[sflag:s18] =	ssyncset.done $0x0  }
0x27c: {  	s30 =	rddreg [dreg:$0x11];
	[sflag:s18] =	ssyncadd.s32 $0xFFFFC000  }
0x27d: {  	[hbm4b:s30+s2] =	stream.linear.scatter [tilespmem:s13], [sflag:$0x9], $0x4000, $0x38;
	[tilespmem:$0x18C80] =	vst v63  }
0x27e: {  	_ =	swait.ge [sflag:s10], $0x4000  }
0x27f: {  	s31 =	sld [smem:$0x7FD]  }
0x280: {  	[sflag:s10] =	ssyncset.done $0x0  }
0x281: {  	[sflag:s10] =	ssyncadd.s32 $0xFFFFC000  }
0x282: {  	[tilespmem:s13], [sflag:$0x3] =	stream.indirect.gather [hbm4b:s3+s16], $0x80, s31, s16, $0xb8;
	[tilespmem:$0x18C80] =	vst v63  }
0x283: {  	_ =	swait.ge [sflag:s19], $0x4000  }
0x284: {  	[sflag:s19] =	ssyncset.done $0x0  }
0x285: {  	s1 =	rddreg [dreg:$0x12];
	[sflag:s19] =	ssyncadd.s32 $0xFFFFC000  }
0x286: {  	[hbm4b:s1+s2] =	stream.linear.scatter [tilespmem:s11], [sflag:$0xA], $0x4000, $0x38;
	[tilespmem:$0x18C80] =	vst v63  }
0x287: {  	_ =	swait.ge [sflag:s12], $0x4000  }
0x288: {  	[sflag:s12] =	ssyncset.done $0x0  }
0x289: {  	[sflag:s12] =	ssyncadd.s32 $0xFFFFC000  }
0x28a: {  	[tilespmem:s11], [sflag:$0x4] =	stream.indirect.gather [hbm4b:s3+s16], $0x80, s25, s16, $0xb8;
	[tilespmem:$0x18C80] =	vst v63  }
0x28b: {  	_ =	swait.ge [sflag:s20], $0x4000  }
0x28c: {  	[sflag:s20] =	ssyncset.done $0x0  }
0x28d: {  	s25 =	rddreg [dreg:$0x13];
	[sflag:s20] =	ssyncadd.s32 $0xFFFFC000  }
0x28e: {  	[hbm4b:s25+s2] =	stream.linear.scatter [tilespmem:s9], [sflag:$0xB], $0x4000, $0x38;
	[tilespmem:$0x18C80] =	vst v63  }
0x28f: {  	_ =	swait.ge [sflag:s14], $0x4000  }
0x290: {  	[sflag:s14] =	ssyncset.done $0x0  }
0x291: {  	[sflag:s14] =	ssyncadd.s32 $0xFFFFC000  }
0x292: {  	[tilespmem:s9], [sflag:$0x5] =	stream.indirect.gather [hbm4b:s3+s16], $0x80, s29, s16, $0xb8;
	[tilespmem:$0x18C80] =	vst v63  }
0x293: {  	_ =	swait.ge [sflag:s21], $0x4000  }
0x294: {  	[sflag:s21] =	ssyncset.done $0x0  }
0x295: {  	s30 =	rddreg [dreg:$0x14];
	[sflag:s21] =	ssyncadd.s32 $0xFFFFC000  }
0x296: {  	[hbm4b:s30+s2] =	stream.linear.scatter [tilespmem:s8], [sflag:$0xC], $0x4000, $0x38;
	[tilespmem:$0x18C80] =	vst v63  }
0x297: {  	_ =	swait.ge [sflag:s15], $0x4000  }
0x298: {  	[sflag:s15] =	ssyncset.done $0x0  }
0x299: {  	[sflag:s15] =	ssyncadd.s32 $0xFFFFC000  }
0x29a: {  	[tilespmem:s8], [sflag:$0x6] =	stream.indirect.gather [hbm4b:s3+s16], $0x80, s28, s16, $0xb8;
	[tilespmem:$0x18C80] =	vst v63  }
0x29b: {  	_ =	swait.ge [sflag:s22], $0x4000  }
0x29c: {  	[sflag:s22] =	ssyncset.done $0x0  }
0x29d: {  	s31 =	rddreg [dreg:$0x15];
	[sflag:s22] =	ssyncadd.s32 $0xFFFFC000  }
0x29e: {  	[hbm4b:s31+s2] =	stream.linear.scatter [tilespmem:s7], [sflag:$0xD], $0x4000, $0x38;
	[tilespmem:$0x18C80] =	vst v63  }
0x29f: {  	_ =	swait.ge [sflag:s17], $0x4000  }
0x2a0: {  	[sflag:s17] =	ssyncset.done $0x0  }
0x2a1: {  	[sflag:s17] =	ssyncadd.s32 $0xFFFFC000  }
0x2a2: {  	[tilespmem:s7], [sflag:$0x7] =	stream.indirect.gather [hbm4b:s3+s16], $0x80, s26, s16, $0xb8;
	[tilespmem:$0x18C80] =	vst v63  }
0x2a3: {  	_ =	swait.ge [sflag:s6], $0x4000  }
0x2a4: {  	[sflag:s6] =	ssyncset.done $0x0  }
0x2a5: {  	s1 =	rddreg [dreg:$0x16];
	[sflag:s6] =	ssyncadd.s32 $0xFFFFC000  }
0x2a6: {  	[hbm4b:s1+s2] =	stream.linear.scatter [tilespmem:s4], [sflag:$0x8], $0x4000, $0x38;
	[tilespmem:$0x18C80] =	vst v63  }
0x2a7: {  	_ =	swait.ge [sflag:s5], $0x4000  }
0x2a8: {  	[sflag:s5] =	ssyncset.done $0x0  }
0x2a9: {  	s16 =	simm.s32 $0xC00;
	[sflag:s5] =	ssyncadd.s32 $0xFFFFC000  }
0x2aa: {  	[tilespmem:s4], [sflag:$0x2] =	stream.indirect.gather [hbm4b:s3+s24], $0x80, s16, s24, $0xb8;
	[tilespmem:$0x18C80] =	vst v63  }
0x2ab: {  	_ =	swait.ge [sflag:s18], $0x4000  }
0x2ac: {  	[sflag:s18] =	ssyncset.done $0x0  }
0x2ad: {  	s25 =	rddreg [dreg:$0x17];
	[sflag:s18] =	ssyncadd.s32 $0xFFFFC000  }
0x2ae: {  	[hbm4b:s25+s2] =	stream.linear.scatter [tilespmem:s13], [sflag:$0x9], $0x4000, $0x38;
	[tilespmem:$0x18C80] =	vst v63  }
0x2af: {  	_ =	swait.ge [sflag:s19], $0x4000  }
0x2b0: {  	[sflag:s19] =	ssyncset.done $0x0  }
0x2b1: {  	s26 =	rddreg [dreg:$0x18];
	[sflag:s19] =	ssyncadd.s32 $0xFFFFC000  }
0x2b2: {  	[hbm4b:s26+s2] =	stream.linear.scatter [tilespmem:s11], [sflag:$0xA], $0x4000, $0x38;
	[tilespmem:$0x18C80] =	vst v63  }
0x2b3: {  	_ =	swait.ge [sflag:s20], $0x4000  }
0x2b4: {  	[sflag:s20] =	ssyncset.done $0x0  }
0x2b5: {  	s28 =	rddreg [dreg:$0x19];
	[sflag:s20] =	ssyncadd.s32 $0xFFFFC000  }
0x2b6: {  	[hbm4b:s28+s2] =	stream.linear.scatter [tilespmem:s9], [sflag:$0xB], $0x4000, $0x38;
	[tilespmem:$0x18C80] =	vst v63  }
0x2b7: {  	_ =	swait.ge [sflag:s21], $0x4000  }
0x2b8: {  	[sflag:s21] =	ssyncset.done $0x0  }
0x2b9: {  	s29 =	rddreg [dreg:$0x1a];
	[sflag:s21] =	ssyncadd.s32 $0xFFFFC000  }
0x2ba: {  	[hbm4b:s29+s2] =	stream.linear.scatter [tilespmem:s8], [sflag:$0xC], $0x4000, $0x38;
	[tilespmem:$0x18C80] =	vst v63  }
0x2bb: {  	_ =	swait.ge [sflag:s22], $0x4000  }
0x2bc: {  	[sflag:s22] =	ssyncset.done $0x0  }
0x2bd: {  	s30 =	rddreg [dreg:$0x1b];
	[sflag:s22] =	ssyncadd.s32 $0xFFFFC000  }
0x2be: {  	[hbm4b:s30+s2] =	stream.linear.scatter [tilespmem:s7], [sflag:$0xD], $0x4000, $0x38;
	[tilespmem:$0x18C80] =	vst v63  }
0x2bf: {  	_ =	swait.ge [sflag:s6], $0x1C00  }
0x2c0: {  	[sflag:s6] =	ssyncset.done $0x0  }
0x2c1: {  	s31 =	rddreg [dreg:$0x1c];
	[sflag:s6] =	ssyncadd.s32 $0xFFFFE400  }
0x2c2: {  	[hbm4b:s31+s2] =	stream.linear.scatter [tilespmem:s4], [sflag:$0x8], $0x1C00, $0x38;
	[tilespmem:$0x18C80] =	vst v63  }
0x2c3: {  	_ =	swait.ge [sflag:s10], $0x4000  }
0x2c4: {  	[sflag:s10] =	ssyncset.done $0x0  }
0x2c5: {  	[sflag:s10] =	ssyncadd.s32 $0xFFFFC000  }
0x2c6: {  	_ =	swait.ge [sflag:s12], $0x4000  }
0x2c7: {  	[sflag:s12] =	ssyncset.done $0x0  }
0x2c8: {  	[sflag:s12] =	ssyncadd.s32 $0xFFFFC000  }
0x2c9: {  	_ =	swait.ge [sflag:s14], $0x4000  }
0x2ca: {  	[sflag:s14] =	ssyncset.done $0x0  }
0x2cb: {  	[sflag:s14] =	ssyncadd.s32 $0xFFFFC000  }
0x2cc: {  	_ =	swait.ge [sflag:s15], $0x4000  }
0x2cd: {  	[sflag:s15] =	ssyncset.done $0x0  }
0x2ce: {  	[sflag:s15] =	ssyncadd.s32 $0xFFFFC000  }
0x2cf: {  	_ =	swait.ge [sflag:s17], $0x4000  }
0x2d0: {  	[sflag:s17] =	ssyncset.done $0x0  }
0x2d1: {  	[sflag:s17] =	ssyncadd.s32 $0xFFFFC000  }
0x2d2: {  	_ =	swait.ge [sflag:s5], $0x1C00  }
0x2d3: {  	[sflag:s5] =	ssyncset.done $0x0  }
0x2d4: {  	[sflag:s5] =	ssyncadd.s32 $0xFFFFE400  }
0x2d5: {  	_ =	sfence.sel $0x180000  }
0x2d6: {  	[bflag:$0x0] =	sbarrier.arrive $0xFFFF  }
0x2d7: {  	_ =	strace $0x90000047  }
0x2d8: {  	[bflag:$0x2] =	sbarrier.arrive $0xFFFF  }
0x2d9: {  	p0 =	sne.s32 s23, $0x0;
	s0 =	rddreg [dreg:$0x3]  }
0x2da: {  	s0 =	sadd.s32 @!p0 $0x100000, s0  }
0x2db: {  	[sflag:s0] =	ssyncadd.tile.s32 @!p0 $0x1;
	_ =	shalt  }
.LBB2_1:
.Ltmp3:
0x2dc: {  	(pc) =	sbr.rel .LBB2_6-.Ltmp3, $3  }
0x2dd: {  	_ =	sdelay $0x1  }
0x2de: {  	s25 =	simm.s32 $0xA00;
	s29 =	simm.s32 $0xA80  }
0x2df: {  	s28 =	simm.s32 $0xB00;
	s26 =	simm.s32 $0xB80;
	s24 =	simm.s32 $0x38  }
.LBB2_3:
.Ltmp4:
0x2e0: {  	(pc) =	sbr.rel .LBB2_6-.Ltmp4, $3  }
0x2e1: {  	_ =	sdelay $0x1  }
0x2e2: {  	s25 =	simm.s32 $0xA00;
	s29 =	simm.s32 $0xA80;
	s28 =	simm.s32 $0xB00  }
0x2e3: {  	s26 =	simm.s32 $0xB80;
	s24 =	simm.s32 $0x38;
	s23 =	stileid.u32  }
.Lfunc_end2:
_tile_overlayer_lowered:
.L_overlay_start_2:
0x2e4: {  	(tag) =	ssettag $0x2  }
0x2e5: {  	s0 =	rddreg [dreg:$0x0];
	s2 =	stileid.u32  }
0x2e6: {  	s1 =	rddreg [dreg:$0x1];
	p0 =	sne.s32 s2, $0x0  }
0x2e7: {  	s3 =	rddreg [dreg:$0x2];
	[bflag:$0x3] =	sbarrier.arrive $0xFFFF;
	s2 =	simm.s32 @!p0 $0x1C0E  }
0x2e8: {  	[timem:s3], [sflag:s2] =	dma.local @!p0 [hbm:s0], s1  }
0x2e9: {  	s0 =	simm.s32 @!p0 $0xE  }
0x2ea: {  	_ =	swait.ge @!p0 [sflag:s0], s1  }
0x2eb: {  	s1 =	ssub.s32 @!p0 $0x0, s1;
	[sflag:s0] =	ssyncset.done @!p0 $0x0  }
0x2ec: {  	[sflag:s0] =	ssyncadd.s32 @!p0 s1  }
0x2ed: {  	[bflag:$0x3] =	sbarrier.arrive $0xFFFF  }
0x2ee: {  	_ =	shalt  }

</sc_bundles>
